<compile_context>
chip_gen: v7x
topology: tpu7x:2x2x1
jax: 0.10.2.dev20260603
libtpu: 0.0.44.dev20260713+nightly
codegen_flags: <defaults>
</compile_context>

<pallas_src>
import functools

import jax
import jax.numpy as jnp
from jax import lax
from jax.experimental import pallas as pl
from jax.experimental.pallas import tpu as pltpu
from jax.experimental.pallas import tpu_sc as plsc

N_NODES = 10000
N_EDGES = 320000
D_FEAT = 128
LANES = 16
NUM_WORKERS = 32
EPW = N_EDGES // NUM_WORKERS
CHUNK = 80
NCHUNKS = EPW // CHUNK
GROUPS = CHUNK // LANES


def _body(h_hbm, src_hbm, dst_hbm, out_hbm,
          idx_s, idx_d, rows_s0, rows_d0, rows_s1, rows_d1, tbuf, out_v,
          sem0, sem1):
    c = lax.axis_index("c")
    s = lax.axis_index("s")
    wid = s * 2 + c
    base = wid * EPW

    pltpu.sync_copy(src_hbm.at[pl.ds(base, EPW)], idx_s)
    pltpu.sync_copy(dst_hbm.at[pl.ds(base, EPW)], idx_d)

    bufs = ((rows_s0, rows_d0, sem0), (rows_s1, rows_d1, sem1))
    row_iota = lax.iota(jnp.int32, LANES)

    def fire(g, rs, rd, sem):
        off = g * CHUNK
        pltpu.async_copy(h_hbm.at[idx_s.at[pl.ds(off, CHUNK)]], rs, sem)
        pltpu.async_copy(h_hbm.at[idx_d.at[pl.ds(off, CHUNK)]], rd, sem)

    def drain(rs, rd, sem):
        pltpu.make_async_copy(h_hbm.at[pl.ds(0, CHUNK)], rs, sem).wait()
        pltpu.make_async_copy(h_hbm.at[pl.ds(0, CHUNK)], rd, sem).wait()

    def compute(g, rs, rd):
        off = g * CHUNK

        def group_body(grp, carry):
            g16 = grp * LANES
            for k in range(LANES):
                i = g16 + k
                accb = None
                for j in range(D_FEAT // (2 * LANES)):
                    a = plsc.bitcast(rs[i, pl.ds(j * LANES, LANES)], jnp.bfloat16)
                    b = plsc.bitcast(rd[i, pl.ds(j * LANES, LANES)], jnp.bfloat16)
                    p = a * b
                    accb = p if accb is None else accb + p
                tbuf[k, pl.ds(0, LANES)] = plsc.bitcast(accb, jnp.int32)
            res = None
            for q in range(LANES // 4):
                sb = None
                for j in range(q * 4, q * 4 + 4):
                    v = plsc.load_gather(
                        tbuf, [row_iota, jnp.full((LANES,), j, jnp.int32)])
                    vb = plsc.bitcast(v, jnp.bfloat16)
                    sb = vb if sb is None else sb + vb
                lo, hi = plsc.unpack(sb, format=plsc.PackFormat.INTERLEAVED,
                                     preferred_element_type=jnp.float32)
                t = lo + hi
                res = t if res is None else res + t
            out_v[pl.ds(off + g16, LANES)] = res
            return carry

        lax.fori_loop(0, GROUPS, group_body, 0)

    fire(0, *bufs[0])
    fire(1, *bufs[1])

    def outer(g2, carry):
        for b in range(2):
            g = g2 * 2 + b
            rs, rd, sem = bufs[b]
            drain(rs, rd, sem)
            compute(g, rs, rd)

            @pl.when(g + 2 < NCHUNKS)
            def _():
                fire(g + 2, rs, rd, sem)
        return carry

    lax.fori_loop(0, (NCHUNKS - 1) // 2, outer, 0)
    rs, rd, sem = bufs[0]
    drain(rs, rd, sem)
    compute(NCHUNKS - 1, rs, rd)

    pltpu.sync_copy(out_v, out_hbm.at[pl.ds(base, EPW)])


@jax.jit
def _gather_dot(h, src, dst):
    mesh = plsc.VectorSubcoreMesh(core_axis_name="c", subcore_axis_name="s")
    kern = functools.partial(
        pl.kernel,
        mesh=mesh,
        compiler_params=pltpu.CompilerParams(needs_layout_passes=False,
                                             use_tc_tiling_on_sc=False),
        out_type=jax.ShapeDtypeStruct((N_EDGES,), jnp.float32),
        scratch_types=[
            pltpu.VMEM((EPW,), jnp.int32),
            pltpu.VMEM((EPW,), jnp.int32),
            pltpu.VMEM((CHUNK, D_FEAT // 2), jnp.int32),
            pltpu.VMEM((CHUNK, D_FEAT // 2), jnp.int32),
            pltpu.VMEM((CHUNK, D_FEAT // 2), jnp.int32),
            pltpu.VMEM((CHUNK, D_FEAT // 2), jnp.int32),
            pltpu.VMEM((LANES, LANES), jnp.int32),
            pltpu.VMEM((EPW,), jnp.float32),
            pltpu.SemaphoreType.DMA,
            pltpu.SemaphoreType.DMA,
        ],
    )(_body)
    return kern(h, src, dst)


def kernel(h, edge_index):
    h_pairs = lax.bitcast_convert_type(
        h.astype(jnp.bfloat16).reshape(N_NODES, D_FEAT // 2, 2), jnp.int32)
    out = _gather_dot(h_pairs, edge_index[0], edge_index[1])
    return out.reshape(N_EDGES, 1)

# --- scband reference (transcript-rebuilt; emitter-appended) ---
"""Pipeline reference for scband-link-predictor-89000312308384 (READ-ONLY COPY).

The authoritative reference and input builder live on the scoring server;
editing this copy changes nothing except your own understanding.
"""

import jax, jax.numpy as jnp
import numpy as np

N_NODES = 10000
N_EDGES = 320000
D_FEAT = 128


def setup_inputs(seed: int = 0) -> dict:
    key = jax.random.key(seed)
    k1, k2 = jax.random.split(key)
    h = jax.random.normal(k1, (N_NODES, D_FEAT), dtype=jnp.float32)
    edge_index = jax.random.randint(k2, (2, N_EDGES), 0, N_NODES, dtype=jnp.int32)
    return {"h": h, "edge_index": edge_index}


def reference(h, edge_index):
    # LinkPredictor.forward: src, dst = g.edges(order='srcdst'); the edge order
    # does not change the per-edge math, so we use edge_index rows directly.
    src = edge_index[0]
    dst = edge_index[1]
    h_src = jnp.take(h, src, axis=0)   # gather: [E, D]
    h_dst = jnp.take(h, dst, axis=0)   # gather: [E, D]
    # dgl.nn.EdgePredictor(op='dot') with no projection layers:
    # elementwise product summed over the feature dim, keepdim -> [E, 1]
    out = jnp.sum(h_src * h_dst, axis=-1, keepdims=True)
    return out

if __name__ == "__main__":
    import jax
    _d = setup_inputs()
    print(jax.jit(kernel)(*tuple(_d.values())))

</pallas_src>

<mosaic_0001>
#map = affine_map<(d0, d1) -> (0, 0)>
#map1 = affine_map<(d0, d1) -> (0)>
module attributes {stable_mosaic.version = 14 : i64} {
  func.func @_body(%arg0: i32, %arg1: i32, %arg2: memref<10000x64xi32, #tpu.memory_space<hbm>>, %arg3: memref<320000xi32, #tpu.memory_space<hbm>>, %arg4: memref<320000xi32, #tpu.memory_space<hbm>>, %arg5: memref<320000xf32, #tpu.memory_space<hbm>>, %arg6: memref<10000xi32, #tpu.memory_space<vmem>>, %arg7: memref<10000xi32, #tpu.memory_space<vmem>>, %arg8: memref<80x64xi32, #tpu.memory_space<vmem>>, %arg9: memref<80x64xi32, #tpu.memory_space<vmem>>, %arg10: memref<80x64xi32, #tpu.memory_space<vmem>>, %arg11: memref<80x64xi32, #tpu.memory_space<vmem>>, %arg12: memref<16x16xi32, #tpu.memory_space<vmem>>, %arg13: memref<10000xf32, #tpu.memory_space<vmem>>, %arg14: memref<!tpu.dma_semaphore, #tpu.memory_space<semaphore_mem>>, %arg15: memref<!tpu.dma_semaphore, #tpu.memory_space<semaphore_mem>>) attributes {dimension_semantics = [#tpu.dimension_semantics<core_parallel>, #tpu.dimension_semantics<subcore_parallel>], iteration_bounds = array<i64: 2, 16>, scalar_prefetch = 0 : i64, scratch_operands = 10 : i64, tpu.core_type = #tpu.core_type<sc_vector_subcore>, window_params = [{transform_indices = #map}, {transform_indices = #map1}, {transform_indices = #map1}, {transform_indices = #map1}]} {
    %mul3A = arith.constant 2 : i32
    %mul3A_0 = arith.muli %arg1, %mul3A : i32
    %add3A = arith.addi %mul3A_0, %arg0 : i32
    %mul3A_1 = arith.constant 10000 : i32
    %mul3A_2 = arith.muli %add3A, %mul3A_1 : i32
    "tpu.region"() ({
      %run_scoped3A = tpu.sem_alloc : memref<!tpu.dma_semaphore, #tpu.memory_space<semaphore_mem>>
      %dma_start3A_44 = tpu.memref_slice %arg3[%mul3A_2] : memref<320000xi32, #tpu.memory_space<hbm>> -> memref<10000xi32, #tpu.memory_space<hbm>>
      %dma_start3A_45 = tpu.memref_slice %arg3[%mul3A_2] : memref<320000xi32, #tpu.memory_space<hbm>> -> memref<10000xi32, #tpu.memory_space<hbm>>
      tpu.enqueue_dma source(%dma_start3A_45 : memref<10000xi32, #tpu.memory_space<hbm>>) target(%arg6 : memref<10000xi32, #tpu.memory_space<vmem>>) target_semaphore(%run_scoped3A : memref<!tpu.dma_semaphore, #tpu.memory_space<semaphore_mem>>)
      %dma_wait3A_46 = tpu.memref_slice %arg3[%mul3A_2] : memref<320000xi32, #tpu.memory_space<hbm>> -> memref<10000xi32, #tpu.memory_space<hbm>>
      %dma_wait3A_47 = tpu.memref_slice %arg3[%mul3A_2] : memref<320000xi32, #tpu.memory_space<hbm>> -> memref<10000xi32, #tpu.memory_space<hbm>>
      tpu.wait_dma2 semaphore(%run_scoped3A : memref<!tpu.dma_semaphore, #tpu.memory_space<semaphore_mem>>) src(%dma_wait3A_47 : memref<10000xi32, #tpu.memory_space<hbm>>) dst(%arg6 : memref<10000xi32, #tpu.memory_space<vmem>>)
      tpu.yield
    }) : () -> ()
    "tpu.region"() ({
      %run_scoped3A = tpu.sem_alloc : memref<!tpu.dma_semaphore, #tpu.memory_space<semaphore_mem>>
      %dma_start3A_44 = tpu.memref_slice %arg4[%mul3A_2] : memref<320000xi32, #tpu.memory_space<hbm>> -> memref<10000xi32, #tpu.memory_space<hbm>>
      %dma_start3A_45 = tpu.memref_slice %arg4[%mul3A_2] : memref<320000xi32, #tpu.memory_space<hbm>> -> memref<10000xi32, #tpu.memory_space<hbm>>
      tpu.enqueue_dma source(%dma_start3A_45 : memref<10000xi32, #tpu.memory_space<hbm>>) target(%arg7 : memref<10000xi32, #tpu.memory_space<vmem>>) target_semaphore(%run_scoped3A : memref<!tpu.dma_semaphore, #tpu.memory_space<semaphore_mem>>)
      %dma_wait3A_46 = tpu.memref_slice %arg4[%mul3A_2] : memref<320000xi32, #tpu.memory_space<hbm>> -> memref<10000xi32, #tpu.memory_space<hbm>>
      %dma_wait3A_47 = tpu.memref_slice %arg4[%mul3A_2] : memref<320000xi32, #tpu.memory_space<hbm>> -> memref<10000xi32, #tpu.memory_space<hbm>>
      tpu.wait_dma2 semaphore(%run_scoped3A : memref<!tpu.dma_semaphore, #tpu.memory_space<semaphore_mem>>) src(%dma_wait3A_47 : memref<10000xi32, #tpu.memory_space<hbm>>) dst(%arg7 : memref<10000xi32, #tpu.memory_space<vmem>>)
      tpu.yield
    }) : () -> ()
    %iota3A = tpu.iota {dimensions = array<i32: 0>} : vector<16xi32>
    %dma_start3A = arith.constant 0 : i32
    %dma_start3A_3 = tpu.memref_slice %arg6[%dma_start3A] : memref<10000xi32, #tpu.memory_space<vmem>> -> memref<80xi32, #tpu.memory_space<vmem>>
    %dma_start3A_4 = arith.constant 0 : i32
    %dma_start3A_5 = arith.constant 0 : i32
    %dma_start3A_6 = tpu.memref_slice %arg2[%dma_start3A_4, %dma_start3A_5] : memref<10000x64xi32, #tpu.memory_space<hbm>> -> memref<10000x64xi32, #tpu.memory_space<hbm>>
    tpu.enqueue_indirect_dma source(%dma_start3A_6 : memref<10000x64xi32, #tpu.memory_space<hbm>>) target(%arg8 : memref<80x64xi32, #tpu.memory_space<vmem>>) offsets(%dma_start3A_3 : memref<80xi32, #tpu.memory_space<vmem>>) semaphore(%arg14 : memref<!tpu.dma_semaphore, #tpu.memory_space<semaphore_mem>>)
    %dma_start3A_7 = arith.constant 0 : i32
    %dma_start3A_8 = tpu.memref_slice %arg7[%dma_start3A_7] : memref<10000xi32, #tpu.memory_space<vmem>> -> memref<80xi32, #tpu.memory_space<vmem>>
    %dma_start3A_9 = arith.constant 0 : i32
    %dma_start3A_10 = arith.constant 0 : i32
    %dma_start3A_11 = tpu.memref_slice %arg2[%dma_start3A_9, %dma_start3A_10] : memref<10000x64xi32, #tpu.memory_space<hbm>> -> memref<10000x64xi32, #tpu.memory_space<hbm>>
    tpu.enqueue_indirect_dma source(%dma_start3A_11 : memref<10000x64xi32, #tpu.memory_space<hbm>>) target(%arg9 : memref<80x64xi32, #tpu.memory_space<vmem>>) offsets(%dma_start3A_8 : memref<80xi32, #tpu.memory_space<vmem>>) semaphore(%arg14 : memref<!tpu.dma_semaphore, #tpu.memory_space<semaphore_mem>>)
    %dma_start3A_12 = arith.constant 80 : i32
    %dma_start3A_13 = tpu.memref_slice %arg6[%dma_start3A_12] : memref<10000xi32, #tpu.memory_space<vmem>> -> memref<80xi32, #tpu.memory_space<vmem>>
    %dma_start3A_14 = arith.constant 0 : i32
    %dma_start3A_15 = arith.constant 0 : i32
    %dma_start3A_16 = tpu.memref_slice %arg2[%dma_start3A_14, %dma_start3A_15] : memref<10000x64xi32, #tpu.memory_space<hbm>> -> memref<10000x64xi32, #tpu.memory_space<hbm>>
    tpu.enqueue_indirect_dma source(%dma_start3A_16 : memref<10000x64xi32, #tpu.memory_space<hbm>>) target(%arg10 : memref<80x64xi32, #tpu.memory_space<vmem>>) offsets(%dma_start3A_13 : memref<80xi32, #tpu.memory_space<vmem>>) semaphore(%arg15 : memref<!tpu.dma_semaphore, #tpu.memory_space<semaphore_mem>>)
    %dma_start3A_17 = arith.constant 80 : i32
    %dma_start3A_18 = tpu.memref_slice %arg7[%dma_start3A_17] : memref<10000xi32, #tpu.memory_space<vmem>> -> memref<80xi32, #tpu.memory_space<vmem>>
    %dma_start3A_19 = arith.constant 0 : i32
    %dma_start3A_20 = arith.constant 0 : i32
    %dma_start3A_21 = tpu.memref_slice %arg2[%dma_start3A_19, %dma_start3A_20] : memref<10000x64xi32, #tpu.memory_space<hbm>> -> memref<10000x64xi32, #tpu.memory_space<hbm>>
    tpu.enqueue_indirect_dma source(%dma_start3A_21 : memref<10000x64xi32, #tpu.memory_space<hbm>>) target(%arg11 : memref<80x64xi32, #tpu.memory_space<vmem>>) offsets(%dma_start3A_18 : memref<80xi32, #tpu.memory_space<vmem>>) semaphore(%arg15 : memref<!tpu.dma_semaphore, #tpu.memory_space<semaphore_mem>>)
    %scan3A = arith.constant 0 : i32
    %scan3A_22 = arith.constant 0 : i32
    %scan3A_23 = arith.constant 62 : i32
    %scan3A_24 = arith.addi %scan3A_22, %scan3A_23 : i32
    %scan3A_25 = arith.constant 1 : i32
    scf.for %scan3A_44 = %scan3A_22 to %scan3A_24 step %scan3A_25  : i32 {
      %mul3A_45 = arith.constant 2 : i32
      %mul3A_46 = arith.muli %scan3A_44, %mul3A_45 : i32
      %add3A_47 = arith.constant 0 : i32
      %add3A_48 = arith.addi %mul3A_46, %add3A_47 : i32
      %dma_wait3A_49 = arith.constant 0 : i32
      %dma_wait3A_50 = arith.constant 0 : i32
      %dma_wait3A_51 = tpu.memref_slice %arg2[%dma_wait3A_49, %dma_wait3A_50] : memref<10000x64xi32, #tpu.memory_space<hbm>> -> memref<80x64xi32, #tpu.memory_space<hbm>>
      %dma_wait3A_52 = arith.constant 0 : i32
      %dma_wait3A_53 = arith.constant 0 : i32
      %dma_wait3A_54 = tpu.memref_slice %arg2[%dma_wait3A_52, %dma_wait3A_53] : memref<10000x64xi32, #tpu.memory_space<hbm>> -> memref<80x64xi32, #tpu.memory_space<hbm>>
      tpu.wait_dma2 semaphore(%arg14 : memref<!tpu.dma_semaphore, #tpu.memory_space<semaphore_mem>>) src(%dma_wait3A_54 : memref<80x64xi32, #tpu.memory_space<hbm>>) dst(%arg8 : memref<80x64xi32, #tpu.memory_space<vmem>>)
      %dma_wait3A_55 = arith.constant 0 : i32
      %dma_wait3A_56 = arith.constant 0 : i32
      %dma_wait3A_57 = tpu.memref_slice %arg2[%dma_wait3A_55, %dma_wait3A_56] : memref<10000x64xi32, #tpu.memory_space<hbm>> -> memref<80x64xi32, #tpu.memory_space<hbm>>
      %dma_wait3A_58 = arith.constant 0 : i32
      %dma_wait3A_59 = arith.constant 0 : i32
      %dma_wait3A_60 = tpu.memref_slice %arg2[%dma_wait3A_58, %dma_wait3A_59] : memref<10000x64xi32, #tpu.memory_space<hbm>> -> memref<80x64xi32, #tpu.memory_space<hbm>>
      tpu.wait_dma2 semaphore(%arg14 : memref<!tpu.dma_semaphore, #tpu.memory_space<semaphore_mem>>) src(%dma_wait3A_60 : memref<80x64xi32, #tpu.memory_space<hbm>>) dst(%arg9 : memref<80x64xi32, #tpu.memory_space<vmem>>)
      %mul3A_61 = arith.constant 80 : i32
      %mul3A_62 = arith.muli %add3A_48, %mul3A_61 : i32
      %scan3A_63 = arith.constant 0 : i32
      %scan3A_64 = arith.constant 0 : i32
      %scan3A_65 = arith.constant 5 : i32
      %scan3A_66 = arith.addi %scan3A_64, %scan3A_65 : i32
      %scan3A_67 = arith.constant 1 : i32
      scf.for %scan3A_104 = %scan3A_64 to %scan3A_66 step %scan3A_67  : i32 {
        %mul3A_105 = arith.constant 16 : i32
        %mul3A_106 = arith.muli %scan3A_104, %mul3A_105 : i32
        %add3A_107 = arith.constant 0 : i32
        %add3A_108 = arith.addi %mul3A_106, %add3A_107 : i32
        %get3A = arith.index_cast %add3A_108 : i32 to index
        %get3A_109 = arith.constant 0 : index
        %get3A_110 = tpu.vector_load %arg8[%get3A, %get3A_109] {strides = array<i32>} : memref<80x64xi32, #tpu.memory_space<vmem>>, vector<16xi32>,
        %bitcast3A = vector.bitcast %get3A_110 : vector<16xi32> to vector<32xbf16>
        %get3A_111 = arith.index_cast %add3A_108 : i32 to index
        %get3A_112 = arith.constant 0 : index
        %get3A_113 = tpu.vector_load %arg9[%get3A_111, %get3A_112] {strides = array<i32>} : memref<80x64xi32, #tpu.memory_space<vmem>>, vector<16xi32>,
        %bitcast3A_114 = vector.bitcast %get3A_113 : vector<16xi32> to vector<32xbf16>
        %mul3A_115 = arith.mulf %bitcast3A, %bitcast3A_114 : vector<32xbf16>
        %get3A_116 = arith.index_cast %add3A_108 : i32 to index
        %get3A_117 = arith.constant 16 : index
        %get3A_118 = tpu.vector_load %arg8[%get3A_116, %get3A_117] {strides = array<i32>} : memref<80x64xi32, #tpu.memory_space<vmem>>, vector<16xi32>,
        %bitcast3A_119 = vector.bitcast %get3A_118 : vector<16xi32> to vector<32xbf16>
        %get3A_120 = arith.index_cast %add3A_108 : i32 to index
        %get3A_121 = arith.constant 16 : index
        %get3A_122 = tpu.vector_load %arg9[%get3A_120, %get3A_121] {strides = array<i32>} : memref<80x64xi32, #tpu.memory_space<vmem>>, vector<16xi32>,
        %bitcast3A_123 = vector.bitcast %get3A_122 : vector<16xi32> to vector<32xbf16>
        %mul3A_124 = arith.mulf %bitcast3A_119, %bitcast3A_123 : vector<32xbf16>
        %add3A_125 = arith.addf %mul3A_115, %mul3A_124 : vector<32xbf16>
        %get3A_126 = arith.index_cast %add3A_108 : i32 to index
        %get3A_127 = arith.constant 32 : index
        %get3A_128 = tpu.vector_load %arg8[%get3A_126, %get3A_127] {strides = array<i32>} : memref<80x64xi32, #tpu.memory_space<vmem>>, vector<16xi32>,
        %bitcast3A_129 = vector.bitcast %get3A_128 : vector<16xi32> to vector<32xbf16>
        %get3A_130 = arith.index_cast %add3A_108 : i32 to index
        %get3A_131 = arith.constant 32 : index
        %get3A_132 = tpu.vector_load %arg9[%get3A_130, %get3A_131] {strides = array<i32>} : memref<80x64xi32, #tpu.memory_space<vmem>>, vector<16xi32>,
        %bitcast3A_133 = vector.bitcast %get3A_132 : vector<16xi32> to vector<32xbf16>
        %mul3A_134 = arith.mulf %bitcast3A_129, %bitcast3A_133 : vector<32xbf16>
        %add3A_135 = arith.addf %add3A_125, %mul3A_134 : vector<32xbf16>
        %get3A_136 = arith.index_cast %add3A_108 : i32 to index
        %get3A_137 = arith.constant 48 : index
        %get3A_138 = tpu.vector_load %arg8[%get3A_136, %get3A_137] {strides = array<i32>} : memref<80x64xi32, #tpu.memory_space<vmem>>, vector<16xi32>,
        %bitcast3A_139 = vector.bitcast %get3A_138 : vector<16xi32> to vector<32xbf16>
        %get3A_140 = arith.index_cast %add3A_108 : i32 to index
        %get3A_141 = arith.constant 48 : index
        %get3A_142 = tpu.vector_load %arg9[%get3A_140, %get3A_141] {strides = array<i32>} : memref<80x64xi32, #tpu.memory_space<vmem>>, vector<16xi32>,
        %bitcast3A_143 = vector.bitcast %get3A_142 : vector<16xi32> to vector<32xbf16>
        %mul3A_144 = arith.mulf %bitcast3A_139, %bitcast3A_143 : vector<32xbf16>
        %add3A_145 = arith.addf %add3A_135, %mul3A_144 : vector<32xbf16>
        %bitcast3A_146 = vector.bitcast %add3A_145 : vector<32xbf16> to vector<16xi32>
        %swap3A = arith.constant 0 : i32
        %swap3A_147 = arith.index_cast %swap3A : i32 to index
        %swap3A_148 = arith.constant 0 : index
        %swap3A_149 = tpu.vector_load %arg12[%swap3A_147, %swap3A_148] {strides = array<i32>} : memref<16x16xi32, #tpu.memory_space<vmem>>, vector<16xi32>,
        tpu.vector_store %arg12[%swap3A_147, %swap3A_148], %bitcast3A_146 {strides = array<i32>} : memref<16x16xi32, #tpu.memory_space<vmem>>, vector<16xi32>,
        %add3A_150 = arith.constant 1 : i32
        %add3A_151 = arith.addi %mul3A_106, %add3A_150 : i32
        %get3A_152 = arith.index_cast %add3A_151 : i32 to index
        %get3A_153 = arith.constant 0 : index
        %get3A_154 = tpu.vector_load %arg8[%get3A_152, %get3A_153] {strides = array<i32>} : memref<80x64xi32, #tpu.memory_space<vmem>>, vector<16xi32>,
        %bitcast3A_155 = vector.bitcast %get3A_154 : vector<16xi32> to vector<32xbf16>
        %get3A_156 = arith.index_cast %add3A_151 : i32 to index
        %get3A_157 = arith.constant 0 : index
        %get3A_158 = tpu.vector_load %arg9[%get3A_156, %get3A_157] {strides = array<i32>} : memref<80x64xi32, #tpu.memory_space<vmem>>, vector<16xi32>,
        %bitcast3A_159 = vector.bitcast %get3A_158 : vector<16xi32> to vector<32xbf16>
        %mul3A_160 = arith.mulf %bitcast3A_155, %bitcast3A_159 : vector<32xbf16>
        %get3A_161 = arith.index_cast %add3A_151 : i32 to index
        %get3A_162 = arith.constant 16 : index
        %get3A_163 = tpu.vector_load %arg8[%get3A_161, %get3A_162] {strides = array<i32>} : memref<80x64xi32, #tpu.memory_space<vmem>>, vector<16xi32>,
        %bitcast3A_164 = vector.bitcast %get3A_163 : vector<16xi32> to vector<32xbf16>
        %get3A_165 = arith.index_cast %add3A_151 : i32 to index
        %get3A_166 = arith.constant 16 : index
        %get3A_167 = tpu.vector_load %arg9[%get3A_165, %get3A_166] {strides = array<i32>} : memref<80x64xi32, #tpu.memory_space<vmem>>, vector<16xi32>,
        %bitcast3A_168 = vector.bitcast %get3A_167 : vector<16xi32> to vector<32xbf16>
        %mul3A_169 = arith.mulf %bitcast3A_164, %bitcast3A_168 : vector<32xbf16>
        %add3A_170 = arith.addf %mul3A_160, %mul3A_169 : vector<32xbf16>
        %get3A_171 = arith.index_cast %add3A_151 : i32 to index
        %get3A_172 = arith.constant 32 : index
        %get3A_173 = tpu.vector_load %arg8[%get3A_171, %get3A_172] {strides = array<i32>} : memref<80x64xi32, #tpu.memory_space<vmem>>, vector<16xi32>,
        %bitcast3A_174 = vector.bitcast %get3A_173 : vector<16xi32> to vector<32xbf16>
        %get3A_175 = arith.index_cast %add3A_151 : i32 to index
        %get3A_176 = arith.constant 32 : index
        %get3A_177 = tpu.vector_load %arg9[%get3A_175, %get3A_176] {strides = array<i32>} : memref<80x64xi32, #tpu.memory_space<vmem>>, vector<16xi32>,
        %bitcast3A_178 = vector.bitcast %get3A_177 : vector<16xi32> to vector<32xbf16>
        %mul3A_179 = arith.mulf %bitcast3A_174, %bitcast3A_178 : vector<32xbf16>
        %add3A_180 = arith.addf %add3A_170, %mul3A_179 : vector<32xbf16>
        %get3A_181 = arith.index_cast %add3A_151 : i32 to index
        %get3A_182 = arith.constant 48 : index
        %get3A_183 = tpu.vector_load %arg8[%get3A_181, %get3A_182] {strides = array<i32>} : memref<80x64xi32, #tpu.memory_space<vmem>>, vector<16xi32>,
        %bitcast3A_184 = vector.bitcast %get3A_183 : vector<16xi32> to vector<32xbf16>
        %get3A_185 = arith.index_cast %add3A_151 : i32 to index
        %get3A_186 = arith.constant 48 : index
        %get3A_187 = tpu.vector_load %arg9[%get3A_185, %get3A_186] {strides = array<i32>} : memref<80x64xi32, #tpu.memory_space<vmem>>, vector<16xi32>,
        %bitcast3A_188 = vector.bitcast %get3A_187 : vector<16xi32> to vector<32xbf16>
        %mul3A_189 = arith.mulf %bitcast3A_184, %bitcast3A_188 : vector<32xbf16>
        %add3A_190 = arith.addf %add3A_180, %mul3A_189 : vector<32xbf16>
        %bitcast3A_191 = vector.bitcast %add3A_190 : vector<32xbf16> to vector<16xi32>
        %swap3A_192 = arith.constant 1 : i32
        %swap3A_193 = arith.index_cast %swap3A_192 : i32 to index
        %swap3A_194 = arith.constant 0 : index
        %swap3A_195 = tpu.vector_load %arg12[%swap3A_193, %swap3A_194] {strides = array<i32>} : memref<16x16xi32, #tpu.memory_space<vmem>>, vector<16xi32>,
        tpu.vector_store %arg12[%swap3A_193, %swap3A_194], %bitcast3A_191 {strides = array<i32>} : memref<16x16xi32, #tpu.memory_space<vmem>>, vector<16xi32>,
        %add3A_196 = arith.constant 2 : i32
        %add3A_197 = arith.addi %mul3A_106, %add3A_196 : i32
        %get3A_198 = arith.index_cast %add3A_197 : i32 to index
        %get3A_199 = arith.constant 0 : index
        %get3A_200 = tpu.vector_load %arg8[%get3A_198, %get3A_199] {strides = array<i32>} : memref<80x64xi32, #tpu.memory_space<vmem>>, vector<16xi32>,
        %bitcast3A_201 = vector.bitcast %get3A_200 : vector<16xi32> to vector<32xbf16>
        %get3A_202 = arith.index_cast %add3A_197 : i32 to index
        %get3A_203 = arith.constant 0 : index
        %get3A_204 = tpu.vector_load %arg9[%get3A_202, %get3A_203] {strides = array<i32>} : memref<80x64xi32, #tpu.memory_space<vmem>>, vector<16xi32>,
        %bitcast3A_205 = vector.bitcast %get3A_204 : vector<16xi32> to vector<32xbf16>
        %mul3A_206 = arith.mulf %bitcast3A_201, %bitcast3A_205 : vector<32xbf16>
        %get3A_207 = arith.index_cast %add3A_197 : i32 to index
        %get3A_208 = arith.constant 16 : index
        %get3A_209 = tpu.vector_load %arg8[%get3A_207, %get3A_208] {strides = array<i32>} : memref<80x64xi32, #tpu.memory_space<vmem>>, vector<16xi32>,
        %bitcast3A_210 = vector.bitcast %get3A_209 : vector<16xi32> to vector<32xbf16>
        %get3A_211 = arith.index_cast %add3A_197 : i32 to index
        %get3A_212 = arith.constant 16 : index
        %get3A_213 = tpu.vector_load %arg9[%get3A_211, %get3A_212] {strides = array<i32>} : memref<80x64xi32, #tpu.memory_space<vmem>>, vector<16xi32>,
        %bitcast3A_214 = vector.bitcast %get3A_213 : vector<16xi32> to vector<32xbf16>
        %mul3A_215 = arith.mulf %bitcast3A_210, %bitcast3A_214 : vector<32xbf16>
        %add3A_216 = arith.addf %mul3A_206, %mul3A_215 : vector<32xbf16>
        %get3A_217 = arith.index_cast %add3A_197 : i32 to index
        %get3A_218 = arith.constant 32 : index
        %get3A_219 = tpu.vector_load %arg8[%get3A_217, %get3A_218] {strides = array<i32>} : memref<80x64xi32, #tpu.memory_space<vmem>>, vector<16xi32>,
        %bitcast3A_220 = vector.bitcast %get3A_219 : vector<16xi32> to vector<32xbf16>
        %get3A_221 = arith.index_cast %add3A_197 : i32 to index
        %get3A_222 = arith.constant 32 : index
        %get3A_223 = tpu.vector_load %arg9[%get3A_221, %get3A_222] {strides = array<i32>} : memref<80x64xi32, #tpu.memory_space<vmem>>, vector<16xi32>,
        %bitcast3A_224 = vector.bitcast %get3A_223 : vector<16xi32> to vector<32xbf16>
        %mul3A_225 = arith.mulf %bitcast3A_220, %bitcast3A_224 : vector<32xbf16>
        %add3A_226 = arith.addf %add3A_216, %mul3A_225 : vector<32xbf16>
        %get3A_227 = arith.index_cast %add3A_197 : i32 to index
        %get3A_228 = arith.constant 48 : index
        %get3A_229 = tpu.vector_load %arg8[%get3A_227, %get3A_228] {strides = array<i32>} : memref<80x64xi32, #tpu.memory_space<vmem>>, vector<16xi32>,
        %bitcast3A_230 = vector.bitcast %get3A_229 : vector<16xi32> to vector<32xbf16>
        %get3A_231 = arith.index_cast %add3A_197 : i32 to index
        %get3A_232 = arith.constant 48 : index
        %get3A_233 = tpu.vector_load %arg9[%get3A_231, %get3A_232] {strides = array<i32>} : memref<80x64xi32, #tpu.memory_space<vmem>>, vector<16xi32>,
        %bitcast3A_234 = vector.bitcast %get3A_233 : vector<16xi32> to vector<32xbf16>
        %mul3A_235 = arith.mulf %bitcast3A_230, %bitcast3A_234 : vector<32xbf16>
        %add3A_236 = arith.addf %add3A_226, %mul3A_235 : vector<32xbf16>
        %bitcast3A_237 = vector.bitcast %add3A_236 : vector<32xbf16> to vector<16xi32>
        %swap3A_238 = arith.constant 2 : i32
        %swap3A_239 = arith.index_cast %swap3A_238 : i32 to index
        %swap3A_240 = arith.constant 0 : index
        %swap3A_241 = tpu.vector_load %arg12[%swap3A_239, %swap3A_240] {strides = array<i32>} : memref<16x16xi32, #tpu.memory_space<vmem>>, vector<16xi32>,
        tpu.vector_store %arg12[%swap3A_239, %swap3A_240], %bitcast3A_237 {strides = array<i32>} : memref<16x16xi32, #tpu.memory_space<vmem>>, vector<16xi32>,
        %add3A_242 = arith.constant 3 : i32
        %add3A_243 = arith.addi %mul3A_106, %add3A_242 : i32
        %get3A_244 = arith.index_cast %add3A_243 : i32 to index
        %get3A_245 = arith.constant 0 : index
        %get3A_246 = tpu.vector_load %arg8[%get3A_244, %get3A_245] {strides = array<i32>} : memref<80x64xi32, #tpu.memory_space<vmem>>, vector<16xi32>,
        %bitcast3A_247 = vector.bitcast %get3A_246 : vector<16xi32> to vector<32xbf16>
        %get3A_248 = arith.index_cast %add3A_243 : i32 to index
        %get3A_249 = arith.constant 0 : index
        %get3A_250 = tpu.vector_load %arg9[%get3A_248, %get3A_249] {strides = array<i32>} : memref<80x64xi32, #tpu.memory_space<vmem>>, vector<16xi32>,
        %bitcast3A_251 = vector.bitcast %get3A_250 : vector<16xi32> to vector<32xbf16>
        %mul3A_252 = arith.mulf %bitcast3A_247, %bitcast3A_251 : vector<32xbf16>
        %get3A_253 = arith.index_cast %add3A_243 : i32 to index
        %get3A_254 = arith.constant 16 : index
        %get3A_255 = tpu.vector_load %arg8[%get3A_253, %get3A_254] {strides = array<i32>} : memref<80x64xi32, #tpu.memory_space<vmem>>, vector<16xi32>,
        %bitcast3A_256 = vector.bitcast %get3A_255 : vector<16xi32> to vector<32xbf16>
        %get3A_257 = arith.index_cast %add3A_243 : i32 to index
        %get3A_258 = arith.constant 16 : index
        %get3A_259 = tpu.vector_load %arg9[%get3A_257, %get3A_258] {strides = array<i32>} : memref<80x64xi32, #tpu.memory_space<vmem>>, vector<16xi32>,
        %bitcast3A_260 = vector.bitcast %get3A_259 : vector<16xi32> to vector<32xbf16>
        %mul3A_261 = arith.mulf %bitcast3A_256, %bitcast3A_260 : vector<32xbf16>
        %add3A_262 = arith.addf %mul3A_252, %mul3A_261 : vector<32xbf16>
        %get3A_263 = arith.index_cast %add3A_243 : i32 to index
        %get3A_264 = arith.constant 32 : index
        %get3A_265 = tpu.vector_load %arg8[%get3A_263, %get3A_264] {strides = array<i32>} : memref<80x64xi32, #tpu.memory_space<vmem>>, vector<16xi32>,
        %bitcast3A_266 = vector.bitcast %get3A_265 : vector<16xi32> to vector<32xbf16>
        %get3A_267 = arith.index_cast %add3A_243 : i32 to index
        %get3A_268 = arith.constant 32 : index
        %get3A_269 = tpu.vector_load %arg9[%get3A_267, %get3A_268] {strides = array<i32>} : memref<80x64xi32, #tpu.memory_space<vmem>>, vector<16xi32>,
        %bitcast3A_270 = vector.bitcast %get3A_269 : vector<16xi32> to vector<32xbf16>
        %mul3A_271 = arith.mulf %bitcast3A_266, %bitcast3A_270 : vector<32xbf16>
        %add3A_272 = arith.addf %add3A_262, %mul3A_271 : vector<32xbf16>
        %get3A_273 = arith.index_cast %add3A_243 : i32 to index
        %get3A_274 = arith.constant 48 : index
        %get3A_275 = tpu.vector_load %arg8[%get3A_273, %get3A_274] {strides = array<i32>} : memref<80x64xi32, #tpu.memory_space<vmem>>, vector<16xi32>,
        %bitcast3A_276 = vector.bitcast %get3A_275 : vector<16xi32> to vector<32xbf16>
        %get3A_277 = arith.index_cast %add3A_243 : i32 to index
        %get3A_278 = arith.constant 48 : index
        %get3A_279 = tpu.vector_load %arg9[%get3A_277, %get3A_278] {strides = array<i32>} : memref<80x64xi32, #tpu.memory_space<vmem>>, vector<16xi32>,
        %bitcast3A_280 = vector.bitcast %get3A_279 : vector<16xi32> to vector<32xbf16>
        %mul3A_281 = arith.mulf %bitcast3A_276, %bitcast3A_280 : vector<32xbf16>
        %add3A_282 = arith.addf %add3A_272, %mul3A_281 : vector<32xbf16>
        %bitcast3A_283 = vector.bitcast %add3A_282 : vector<32xbf16> to vector<16xi32>
        %swap3A_284 = arith.constant 3 : i32
        %swap3A_285 = arith.index_cast %swap3A_284 : i32 to index
        %swap3A_286 = arith.constant 0 : index
        %swap3A_287 = tpu.vector_load %arg12[%swap3A_285, %swap3A_286] {strides = array<i32>} : memref<16x16xi32, #tpu.memory_space<vmem>>, vector<16xi32>,
        tpu.vector_store %arg12[%swap3A_285, %swap3A_286], %bitcast3A_283 {strides = array<i32>} : memref<16x16xi32, #tpu.memory_space<vmem>>, vector<16xi32>,
        %add3A_288 = arith.constant 4 : i32
        %add3A_289 = arith.addi %mul3A_106, %add3A_288 : i32
        %get3A_290 = arith.index_cast %add3A_289 : i32 to index
        %get3A_291 = arith.constant 0 : index
        %get3A_292 = tpu.vector_load %arg8[%get3A_290, %get3A_291] {strides = array<i32>} : memref<80x64xi32, #tpu.memory_space<vmem>>, vector<16xi32>,
        %bitcast3A_293 = vector.bitcast %get3A_292 : vector<16xi32> to vector<32xbf16>
        %get3A_294 = arith.index_cast %add3A_289 : i32 to index
        %get3A_295 = arith.constant 0 : index
        %get3A_296 = tpu.vector_load %arg9[%get3A_294, %get3A_295] {strides = array<i32>} : memref<80x64xi32, #tpu.memory_space<vmem>>, vector<16xi32>,
        %bitcast3A_297 = vector.bitcast %get3A_296 : vector<16xi32> to vector<32xbf16>
        %mul3A_298 = arith.mulf %bitcast3A_293, %bitcast3A_297 : vector<32xbf16>
        %get3A_299 = arith.index_cast %add3A_289 : i32 to index
        %get3A_300 = arith.constant 16 : index
        %get3A_301 = tpu.vector_load %arg8[%get3A_299, %get3A_300] {strides = array<i32>} : memref<80x64xi32, #tpu.memory_space<vmem>>, vector<16xi32>,
        %bitcast3A_302 = vector.bitcast %get3A_301 : vector<16xi32> to vector<32xbf16>
        %get3A_303 = arith.index_cast %add3A_289 : i32 to index
        %get3A_304 = arith.constant 16 : index
        %get3A_305 = tpu.vector_load %arg9[%get3A_303, %get3A_304] {strides = array<i32>} : memref<80x64xi32, #tpu.memory_space<vmem>>, vector<16xi32>,
        %bitcast3A_306 = vector.bitcast %get3A_305 : vector<16xi32> to vector<32xbf16>
        %mul3A_307 = arith.mulf %bitcast3A_302, %bitcast3A_306 : vector<32xbf16>
        %add3A_308 = arith.addf %mul3A_298, %mul3A_307 : vector<32xbf16>
        %get3A_309 = arith.index_cast %add3A_289 : i32 to index
        %get3A_310 = arith.constant 32 : index
        %get3A_311 = tpu.vector_load %arg8[%get3A_309, %get3A_310] {strides = array<i32>} : memref<80x64xi32, #tpu.memory_space<vmem>>, vector<16xi32>,
        %bitcast3A_312 = vector.bitcast %get3A_311 : vector<16xi32> to vector<32xbf16>
        %get3A_313 = arith.index_cast %add3A_289 : i32 to index
        %get3A_314 = arith.constant 32 : index
        %get3A_315 = tpu.vector_load %arg9[%get3A_313, %get3A_314] {strides = array<i32>} : memref<80x64xi32, #tpu.memory_space<vmem>>, vector<16xi32>,
        %bitcast3A_316 = vector.bitcast %get3A_315 : vector<16xi32> to vector<32xbf16>
        %mul3A_317 = arith.mulf %bitcast3A_312, %bitcast3A_316 : vector<32xbf16>
        %add3A_318 = arith.addf %add3A_308, %mul3A_317 : vector<32xbf16>
        %get3A_319 = arith.index_cast %add3A_289 : i32 to index
        %get3A_320 = arith.constant 48 : index
        %get3A_321 = tpu.vector_load %arg8[%get3A_319, %get3A_320] {strides = array<i32>} : memref<80x64xi32, #tpu.memory_space<vmem>>, vector<16xi32>,
        %bitcast3A_322 = vector.bitcast %get3A_321 : vector<16xi32> to vector<32xbf16>
        %get3A_323 = arith.index_cast %add3A_289 : i32 to index
        %get3A_324 = arith.constant 48 : index
        %get3A_325 = tpu.vector_load %arg9[%get3A_323, %get3A_324] {strides = array<i32>} : memref<80x64xi32, #tpu.memory_space<vmem>>, vector<16xi32>,
        %bitcast3A_326 = vector.bitcast %get3A_325 : vector<16xi32> to vector<32xbf16>
        %mul3A_327 = arith.mulf %bitcast3A_322, %bitcast3A_326 : vector<32xbf16>
        %add3A_328 = arith.addf %add3A_318, %mul3A_327 : vector<32xbf16>
        %bitcast3A_329 = vector.bitcast %add3A_328 : vector<32xbf16> to vector<16xi32>
        %swap3A_330 = arith.constant 4 : i32
        %swap3A_331 = arith.index_cast %swap3A_330 : i32 to index
        %swap3A_332 = arith.constant 0 : index
        %swap3A_333 = tpu.vector_load %arg12[%swap3A_331, %swap3A_332] {strides = array<i32>} : memref<16x16xi32, #tpu.memory_space<vmem>>, vector<16xi32>,
        tpu.vector_store %arg12[%swap3A_331, %swap3A_332], %bitcast3A_329 {strides = array<i32>} : memref<16x16xi32, #tpu.memory_space<vmem>>, vector<16xi32>,
        %add3A_334 = arith.constant 5 : i32
        %add3A_335 = arith.addi %mul3A_106, %add3A_334 : i32
        %get3A_336 = arith.index_cast %add3A_335 : i32 to index
        %get3A_337 = arith.constant 0 : index
        %get3A_338 = tpu.vector_load %arg8[%get3A_336, %get3A_337] {strides = array<i32>} : memref<80x64xi32, #tpu.memory_space<vmem>>, vector<16xi32>,
        %bitcast3A_339 = vector.bitcast %get3A_338 : vector<16xi32> to vector<32xbf16>
        %get3A_340 = arith.index_cast %add3A_335 : i32 to index
        %get3A_341 = arith.constant 0 : index
        %get3A_342 = tpu.vector_load %arg9[%get3A_340, %get3A_341] {strides = array<i32>} : memref<80x64xi32, #tpu.memory_space<vmem>>, vector<16xi32>,
        %bitcast3A_343 = vector.bitcast %get3A_342 : vector<16xi32> to vector<32xbf16>
        %mul3A_344 = arith.mulf %bitcast3A_339, %bitcast3A_343 : vector<32xbf16>
        %get3A_345 = arith.index_cast %add3A_335 : i32 to index
        %get3A_346 = arith.constant 16 : index
        %get3A_347 = tpu.vector_load %arg8[%get3A_345, %get3A_346] {strides = array<i32>} : memref<80x64xi32, #tpu.memory_space<vmem>>, vector<16xi32>,
        %bitcast3A_348 = vector.bitcast %get3A_347 : vector<16xi32> to vector<32xbf16>
        %get3A_349 = arith.index_cast %add3A_335 : i32 to index
        %get3A_350 = arith.constant 16 : index
        %get3A_351 = tpu.vector_load %arg9[%get3A_349, %get3A_350] {strides = array<i32>} : memref<80x64xi32, #tpu.memory_space<vmem>>, vector<16xi32>,
        %bitcast3A_352 = vector.bitcast %get3A_351 : vector<16xi32> to vector<32xbf16>
        %mul3A_353 = arith.mulf %bitcast3A_348, %bitcast3A_352 : vector<32xbf16>
        %add3A_354 = arith.addf %mul3A_344, %mul3A_353 : vector<32xbf16>
        %get3A_355 = arith.index_cast %add3A_335 : i32 to index
        %get3A_356 = arith.constant 32 : index
        %get3A_357 = tpu.vector_load %arg8[%get3A_355, %get3A_356] {strides = array<i32>} : memref<80x64xi32, #tpu.memory_space<vmem>>, vector<16xi32>,
        %bitcast3A_358 = vector.bitcast %get3A_357 : vector<16xi32> to vector<32xbf16>
        %get3A_359 = arith.index_cast %add3A_335 : i32 to index
        %get3A_360 = arith.constant 32 : index
        %get3A_361 = tpu.vector_load %arg9[%get3A_359, %get3A_360] {strides = array<i32>} : memref<80x64xi32, #tpu.memory_space<vmem>>, vector<16xi32>,
        %bitcast3A_362 = vector.bitcast %get3A_361 : vector<16xi32> to vector<32xbf16>
        %mul3A_363 = arith.mulf %bitcast3A_358, %bitcast3A_362 : vector<32xbf16>
        %add3A_364 = arith.addf %add3A_354, %mul3A_363 : vector<32xbf16>
        %get3A_365 = arith.index_cast %add3A_335 : i32 to index
        %get3A_366 = arith.constant 48 : index
        %get3A_367 = tpu.vector_load %arg8[%get3A_365, %get3A_366] {strides = array<i32>} : memref<80x64xi32, #tpu.memory_space<vmem>>, vector<16xi32>,
        %bitcast3A_368 = vector.bitcast %get3A_367 : vector<16xi32> to vector<32xbf16>
        %get3A_369 = arith.index_cast %add3A_335 : i32 to index
        %get3A_370 = arith.constant 48 : index
        %get3A_371 = tpu.vector_load %arg9[%get3A_369, %get3A_370] {strides = array<i32>} : memref<80x64xi32, #tpu.memory_space<vmem>>, vector<16xi32>,
        %bitcast3A_372 = vector.bitcast %get3A_371 : vector<16xi32> to vector<32xbf16>
        %mul3A_373 = arith.mulf %bitcast3A_368, %bitcast3A_372 : vector<32xbf16>
        %add3A_374 = arith.addf %add3A_364, %mul3A_373 : vector<32xbf16>
        %bitcast3A_375 = vector.bitcast %add3A_374 : vector<32xbf16> to vector<16xi32>
        %swap3A_376 = arith.constant 5 : i32
        %swap3A_377 = arith.index_cast %swap3A_376 : i32 to index
        %swap3A_378 = arith.constant 0 : index
        %swap3A_379 = tpu.vector_load %arg12[%swap3A_377, %swap3A_378] {strides = array<i32>} : memref<16x16xi32, #tpu.memory_space<vmem>>, vector<16xi32>,
        tpu.vector_store %arg12[%swap3A_377, %swap3A_378], %bitcast3A_375 {strides = array<i32>} : memref<16x16xi32, #tpu.memory_space<vmem>>, vector<16xi32>,
        %add3A_380 = arith.constant 6 : i32
        %add3A_381 = arith.addi %mul3A_106, %add3A_380 : i32
        %get3A_382 = arith.index_cast %add3A_381 : i32 to index
        %get3A_383 = arith.constant 0 : index
        %get3A_384 = tpu.vector_load %arg8[%get3A_382, %get3A_383] {strides = array<i32>} : memref<80x64xi32, #tpu.memory_space<vmem>>, vector<16xi32>,
        %bitcast3A_385 = vector.bitcast %get3A_384 : vector<16xi32> to vector<32xbf16>
        %get3A_386 = arith.index_cast %add3A_381 : i32 to index
        %get3A_387 = arith.constant 0 : index
        %get3A_388 = tpu.vector_load %arg9[%get3A_386, %get3A_387] {strides = array<i32>} : memref<80x64xi32, #tpu.memory_space<vmem>>, vector<16xi32>,
        %bitcast3A_389 = vector.bitcast %get3A_388 : vector<16xi32> to vector<32xbf16>
        %mul3A_390 = arith.mulf %bitcast3A_385, %bitcast3A_389 : vector<32xbf16>
        %get3A_391 = arith.index_cast %add3A_381 : i32 to index
        %get3A_392 = arith.constant 16 : index
        %get3A_393 = tpu.vector_load %arg8[%get3A_391, %get3A_392] {strides = array<i32>} : memref<80x64xi32, #tpu.memory_space<vmem>>, vector<16xi32>,
        %bitcast3A_394 = vector.bitcast %get3A_393 : vector<16xi32> to vector<32xbf16>
        %get3A_395 = arith.index_cast %add3A_381 : i32 to index
        %get3A_396 = arith.constant 16 : index
        %get3A_397 = tpu.vector_load %arg9[%get3A_395, %get3A_396] {strides = array<i32>} : memref<80x64xi32, #tpu.memory_space<vmem>>, vector<16xi32>,
        %bitcast3A_398 = vector.bitcast %get3A_397 : vector<16xi32> to vector<32xbf16>
        %mul3A_399 = arith.mulf %bitcast3A_394, %bitcast3A_398 : vector<32xbf16>
        %add3A_400 = arith.addf %mul3A_390, %mul3A_399 : vector<32xbf16>
        %get3A_401 = arith.index_cast %add3A_381 : i32 to index
        %get3A_402 = arith.constant 32 : index
        %get3A_403 = tpu.vector_load %arg8[%get3A_401, %get3A_402] {strides = array<i32>} : memref<80x64xi32, #tpu.memory_space<vmem>>, vector<16xi32>,
        %bitcast3A_404 = vector.bitcast %get3A_403 : vector<16xi32> to vector<32xbf16>
        %get3A_405 = arith.index_cast %add3A_381 : i32 to index
        %get3A_406 = arith.constant 32 : index
        %get3A_407 = tpu.vector_load %arg9[%get3A_405, %get3A_406] {strides = array<i32>} : memref<80x64xi32, #tpu.memory_space<vmem>>, vector<16xi32>,
        %bitcast3A_408 = vector.bitcast %get3A_407 : vector<16xi32> to vector<32xbf16>
        %mul3A_409 = arith.mulf %bitcast3A_404, %bitcast3A_408 : vector<32xbf16>
        %add3A_410 = arith.addf %add3A_400, %mul3A_409 : vector<32xbf16>
        %get3A_411 = arith.index_cast %add3A_381 : i32 to index
        %get3A_412 = arith.constant 48 : index
        %get3A_413 = tpu.vector_load %arg8[%get3A_411, %get3A_412] {strides = array<i32>} : memref<80x64xi32, #tpu.memory_space<vmem>>, vector<16xi32>,
        %bitcast3A_414 = vector.bitcast %get3A_413 : vector<16xi32> to vector<32xbf16>
        %get3A_415 = arith.index_cast %add3A_381 : i32 to index
        %get3A_416 = arith.constant 48 : index
        %get3A_417 = tpu.vector_load %arg9[%get3A_415, %get3A_416] {strides = array<i32>} : memref<80x64xi32, #tpu.memory_space<vmem>>, vector<16xi32>,
        %bitcast3A_418 = vector.bitcast %get3A_417 : vector<16xi32> to vector<32xbf16>
        %mul3A_419 = arith.mulf %bitcast3A_414, %bitcast3A_418 : vector<32xbf16>
        %add3A_420 = arith.addf %add3A_410, %mul3A_419 : vector<32xbf16>
        %bitcast3A_421 = vector.bitcast %add3A_420 : vector<32xbf16> to vector<16xi32>
        %swap3A_422 = arith.constant 6 : i32
        %swap3A_423 = arith.index_cast %swap3A_422 : i32 to index
        %swap3A_424 = arith.constant 0 : index
        %swap3A_425 = tpu.vector_load %arg12[%swap3A_423, %swap3A_424] {strides = array<i32>} : memref<16x16xi32, #tpu.memory_space<vmem>>, vector<16xi32>,
        tpu.vector_store %arg12[%swap3A_423, %swap3A_424], %bitcast3A_421 {strides = array<i32>} : memref<16x16xi32, #tpu.memory_space<vmem>>, vector<16xi32>,
        %add3A_426 = arith.constant 7 : i32
        %add3A_427 = arith.addi %mul3A_106, %add3A_426 : i32
        %get3A_428 = arith.index_cast %add3A_427 : i32 to index
        %get3A_429 = arith.constant 0 : index
        %get3A_430 = tpu.vector_load %arg8[%get3A_428, %get3A_429] {strides = array<i32>} : memref<80x64xi32, #tpu.memory_space<vmem>>, vector<16xi32>,
        %bitcast3A_431 = vector.bitcast %get3A_430 : vector<16xi32> to vector<32xbf16>
        %get3A_432 = arith.index_cast %add3A_427 : i32 to index
        %get3A_433 = arith.constant 0 : index
        %get3A_434 = tpu.vector_load %arg9[%get3A_432, %get3A_433] {strides = array<i32>} : memref<80x64xi32, #tpu.memory_space<vmem>>, vector<16xi32>,
        %bitcast3A_435 = vector.bitcast %get3A_434 : vector<16xi32> to vector<32xbf16>
        %mul3A_436 = arith.mulf %bitcast3A_431, %bitcast3A_435 : vector<32xbf16>
        %get3A_437 = arith.index_cast %add3A_427 : i32 to index
        %get3A_438 = arith.constant 16 : index
        %get3A_439 = tpu.vector_load %arg8[%get3A_437, %get3A_438] {strides = array<i32>} : memref<80x64xi32, #tpu.memory_space<vmem>>, vector<16xi32>,
        %bitcast3A_440 = vector.bitcast %get3A_439 : vector<16xi32> to vector<32xbf16>
        %get3A_441 = arith.index_cast %add3A_427 : i32 to index
        %get3A_442 = arith.constant 16 : index
        %get3A_443 = tpu.vector_load %arg9[%get3A_441, %get3A_442] {strides = array<i32>} : memref<80x64xi32, #tpu.memory_space<vmem>>, vector<16xi32>,
        %bitcast3A_444 = vector.bitcast %get3A_443 : vector<16xi32> to vector<32xbf16>
        %mul3A_445 = arith.mulf %bitcast3A_440, %bitcast3A_444 : vector<32xbf16>
        %add3A_446 = arith.addf %mul3A_436, %mul3A_445 : vector<32xbf16>
        %get3A_447 = arith.index_cast %add3A_427 : i32 to index
        %get3A_448 = arith.constant 32 : index
        %get3A_449 = tpu.vector_load %arg8[%get3A_447, %get3A_448] {strides = array<i32>} : memref<80x64xi32, #tpu.memory_space<vmem>>, vector<16xi32>,
        %bitcast3A_450 = vector.bitcast %get3A_449 : vector<16xi32> to vector<32xbf16>
        %get3A_451 = arith.index_cast %add3A_427 : i32 to index
        %get3A_452 = arith.constant 32 : index
        %get3A_453 = tpu.vector_load %arg9[%get3A_451, %get3A_452] {strides = array<i32>} : memref<80x64xi32, #tpu.memory_space<vmem>>, vector<16xi32>,
        %bitcast3A_454 = vector.bitcast %get3A_453 : vector<16xi32> to vector<32xbf16>
        %mul3A_455 = arith.mulf %bitcast3A_450, %bitcast3A_454 : vector<32xbf16>
        %add3A_456 = arith.addf %add3A_446, %mul3A_455 : vector<32xbf16>
        %get3A_457 = arith.index_cast %add3A_427 : i32 to index
        %get3A_458 = arith.constant 48 : index
        %get3A_459 = tpu.vector_load %arg8[%get3A_457, %get3A_458] {strides = array<i32>} : memref<80x64xi32, #tpu.memory_space<vmem>>, vector<16xi32>,
        %bitcast3A_460 = vector.bitcast %get3A_459 : vector<16xi32> to vector<32xbf16>
        %get3A_461 = arith.index_cast %add3A_427 : i32 to index
        %get3A_462 = arith.constant 48 : index
        %get3A_463 = tpu.vector_load %arg9[%get3A_461, %get3A_462] {strides = array<i32>} : memref<80x64xi32, #tpu.memory_space<vmem>>, vector<16xi32>,
        %bitcast3A_464 = vector.bitcast %get3A_463 : vector<16xi32> to vector<32xbf16>
        %mul3A_465 = arith.mulf %bitcast3A_460, %bitcast3A_464 : vector<32xbf16>
        %add3A_466 = arith.addf %add3A_456, %mul3A_465 : vector<32xbf16>
        %bitcast3A_467 = vector.bitcast %add3A_466 : vector<32xbf16> to vector<16xi32>
        %swap3A_468 = arith.constant 7 : i32
        %swap3A_469 = arith.index_cast %swap3A_468 : i32 to index
        %swap3A_470 = arith.constant 0 : index
        %swap3A_471 = tpu.vector_load %arg12[%swap3A_469, %swap3A_470] {strides = array<i32>} : memref<16x16xi32, #tpu.memory_space<vmem>>, vector<16xi32>,
        tpu.vector_store %arg12[%swap3A_469, %swap3A_470], %bitcast3A_467 {strides = array<i32>} : memref<16x16xi32, #tpu.memory_space<vmem>>, vector<16xi32>,
        %add3A_472 = arith.constant 8 : i32
        %add3A_473 = arith.addi %mul3A_106, %add3A_472 : i32
        %get3A_474 = arith.index_cast %add3A_473 : i32 to index
        %get3A_475 = arith.constant 0 : index
        %get3A_476 = tpu.vector_load %arg8[%get3A_474, %get3A_475] {strides = array<i32>} : memref<80x64xi32, #tpu.memory_space<vmem>>, vector<16xi32>,
        %bitcast3A_477 = vector.bitcast %get3A_476 : vector<16xi32> to vector<32xbf16>
        %get3A_478 = arith.index_cast %add3A_473 : i32 to index
        %get3A_479 = arith.constant 0 : index
        %get3A_480 = tpu.vector_load %arg9[%get3A_478, %get3A_479] {strides = array<i32>} : memref<80x64xi32, #tpu.memory_space<vmem>>, vector<16xi32>,
        %bitcast3A_481 = vector.bitcast %get3A_480 : vector<16xi32> to vector<32xbf16>
        %mul3A_482 = arith.mulf %bitcast3A_477, %bitcast3A_481 : vector<32xbf16>
        %get3A_483 = arith.index_cast %add3A_473 : i32 to index
        %get3A_484 = arith.constant 16 : index
        %get3A_485 = tpu.vector_load %arg8[%get3A_483, %get3A_484] {strides = array<i32>} : memref<80x64xi32, #tpu.memory_space<vmem>>, vector<16xi32>,
        %bitcast3A_486 = vector.bitcast %get3A_485 : vector<16xi32> to vector<32xbf16>
        %get3A_487 = arith.index_cast %add3A_473 : i32 to index
        %get3A_488 = arith.constant 16 : index
        %get3A_489 = tpu.vector_load %arg9[%get3A_487, %get3A_488] {strides = array<i32>} : memref<80x64xi32, #tpu.memory_space<vmem>>, vector<16xi32>,
        %bitcast3A_490 = vector.bitcast %get3A_489 : vector<16xi32> to vector<32xbf16>
        %mul3A_491 = arith.mulf %bitcast3A_486, %bitcast3A_490 : vector<32xbf16>
        %add3A_492 = arith.addf %mul3A_482, %mul3A_491 : vector<32xbf16>
        %get3A_493 = arith.index_cast %add3A_473 : i32 to index
        %get3A_494 = arith.constant 32 : index
        %get3A_495 = tpu.vector_load %arg8[%get3A_493, %get3A_494] {strides = array<i32>} : memref<80x64xi32, #tpu.memory_space<vmem>>, vector<16xi32>,
        %bitcast3A_496 = vector.bitcast %get3A_495 : vector<16xi32> to vector<32xbf16>
        %get3A_497 = arith.index_cast %add3A_473 : i32 to index
        %get3A_498 = arith.constant 32 : index
        %get3A_499 = tpu.vector_load %arg9[%get3A_497, %get3A_498] {strides = array<i32>} : memref<80x64xi32, #tpu.memory_space<vmem>>, vector<16xi32>,
        %bitcast3A_500 = vector.bitcast %get3A_499 : vector<16xi32> to vector<32xbf16>
        %mul3A_501 = arith.mulf %bitcast3A_496, %bitcast3A_500 : vector<32xbf16>
        %add3A_502 = arith.addf %add3A_492, %mul3A_501 : vector<32xbf16>
        %get3A_503 = arith.index_cast %add3A_473 : i32 to index
        %get3A_504 = arith.constant 48 : index
        %get3A_505 = tpu.vector_load %arg8[%get3A_503, %get3A_504] {strides = array<i32>} : memref<80x64xi32, #tpu.memory_space<vmem>>, vector<16xi32>,
        %bitcast3A_506 = vector.bitcast %get3A_505 : vector<16xi32> to vector<32xbf16>
        %get3A_507 = arith.index_cast %add3A_473 : i32 to index
        %get3A_508 = arith.constant 48 : index
        %get3A_509 = tpu.vector_load %arg9[%get3A_507, %get3A_508] {strides = array<i32>} : memref<80x64xi32, #tpu.memory_space<vmem>>, vector<16xi32>,
        %bitcast3A_510 = vector.bitcast %get3A_509 : vector<16xi32> to vector<32xbf16>
        %mul3A_511 = arith.mulf %bitcast3A_506, %bitcast3A_510 : vector<32xbf16>
        %add3A_512 = arith.addf %add3A_502, %mul3A_511 : vector<32xbf16>
        %bitcast3A_513 = vector.bitcast %add3A_512 : vector<32xbf16> to vector<16xi32>
        %swap3A_514 = arith.constant 8 : i32
        %swap3A_515 = arith.index_cast %swap3A_514 : i32 to index
        %swap3A_516 = arith.constant 0 : index
        %swap3A_517 = tpu.vector_load %arg12[%swap3A_515, %swap3A_516] {strides = array<i32>} : memref<16x16xi32, #tpu.memory_space<vmem>>, vector<16xi32>,
        tpu.vector_store %arg12[%swap3A_515, %swap3A_516], %bitcast3A_513 {strides = array<i32>} : memref<16x16xi32, #tpu.memory_space<vmem>>, vector<16xi32>,
        %add3A_518 = arith.constant 9 : i32
        %add3A_519 = arith.addi %mul3A_106, %add3A_518 : i32
        %get3A_520 = arith.index_cast %add3A_519 : i32 to index
        %get3A_521 = arith.constant 0 : index
        %get3A_522 = tpu.vector_load %arg8[%get3A_520, %get3A_521] {strides = array<i32>} : memref<80x64xi32, #tpu.memory_space<vmem>>, vector<16xi32>,
        %bitcast3A_523 = vector.bitcast %get3A_522 : vector<16xi32> to vector<32xbf16>
        %get3A_524 = arith.index_cast %add3A_519 : i32 to index
        %get3A_525 = arith.constant 0 : index
        %get3A_526 = tpu.vector_load %arg9[%get3A_524, %get3A_525] {strides = array<i32>} : memref<80x64xi32, #tpu.memory_space<vmem>>, vector<16xi32>,
        %bitcast3A_527 = vector.bitcast %get3A_526 : vector<16xi32> to vector<32xbf16>
        %mul3A_528 = arith.mulf %bitcast3A_523, %bitcast3A_527 : vector<32xbf16>
        %get3A_529 = arith.index_cast %add3A_519 : i32 to index
        %get3A_530 = arith.constant 16 : index
        %get3A_531 = tpu.vector_load %arg8[%get3A_529, %get3A_530] {strides = array<i32>} : memref<80x64xi32, #tpu.memory_space<vmem>>, vector<16xi32>,
        %bitcast3A_532 = vector.bitcast %get3A_531 : vector<16xi32> to vector<32xbf16>
        %get3A_533 = arith.index_cast %add3A_519 : i32 to index
        %get3A_534 = arith.constant 16 : index
        %get3A_535 = tpu.vector_load %arg9[%get3A_533, %get3A_534] {strides = array<i32>} : memref<80x64xi32, #tpu.memory_space<vmem>>, vector<16xi32>,
        %bitcast3A_536 = vector.bitcast %get3A_535 : vector<16xi32> to vector<32xbf16>
        %mul3A_537 = arith.mulf %bitcast3A_532, %bitcast3A_536 : vector<32xbf16>
        %add3A_538 = arith.addf %mul3A_528, %mul3A_537 : vector<32xbf16>
        %get3A_539 = arith.index_cast %add3A_519 : i32 to index
        %get3A_540 = arith.constant 32 : index
        %get3A_541 = tpu.vector_load %arg8[%get3A_539, %get3A_540] {strides = array<i32>} : memref<80x64xi32, #tpu.memory_space<vmem>>, vector<16xi32>,
        %bitcast3A_542 = vector.bitcast %get3A_541 : vector<16xi32> to vector<32xbf16>
        %get3A_543 = arith.index_cast %add3A_519 : i32 to index
        %get3A_544 = arith.constant 32 : index
        %get3A_545 = tpu.vector_load %arg9[%get3A_543, %get3A_544] {strides = array<i32>} : memref<80x64xi32, #tpu.memory_space<vmem>>, vector<16xi32>,
        %bitcast3A_546 = vector.bitcast %get3A_545 : vector<16xi32> to vector<32xbf16>
        %mul3A_547 = arith.mulf %bitcast3A_542, %bitcast3A_546 : vector<32xbf16>
        %add3A_548 = arith.addf %add3A_538, %mul3A_547 : vector<32xbf16>
        %get3A_549 = arith.index_cast %add3A_519 : i32 to index
        %get3A_550 = arith.constant 48 : index
        %get3A_551 = tpu.vector_load %arg8[%get3A_549, %get3A_550] {strides = array<i32>} : memref<80x64xi32, #tpu.memory_space<vmem>>, vector<16xi32>,
        %bitcast3A_552 = vector.bitcast %get3A_551 : vector<16xi32> to vector<32xbf16>
        %get3A_553 = arith.index_cast %add3A_519 : i32 to index
        %get3A_554 = arith.constant 48 : index
        %get3A_555 = tpu.vector_load %arg9[%get3A_553, %get3A_554] {strides = array<i32>} : memref<80x64xi32, #tpu.memory_space<vmem>>, vector<16xi32>,
        %bitcast3A_556 = vector.bitcast %get3A_555 : vector<16xi32> to vector<32xbf16>
        %mul3A_557 = arith.mulf %bitcast3A_552, %bitcast3A_556 : vector<32xbf16>
        %add3A_558 = arith.addf %add3A_548, %mul3A_557 : vector<32xbf16>
        %bitcast3A_559 = vector.bitcast %add3A_558 : vector<32xbf16> to vector<16xi32>
        %swap3A_560 = arith.constant 9 : i32
        %swap3A_561 = arith.index_cast %swap3A_560 : i32 to index
        %swap3A_562 = arith.constant 0 : index
        %swap3A_563 = tpu.vector_load %arg12[%swap3A_561, %swap3A_562] {strides = array<i32>} : memref<16x16xi32, #tpu.memory_space<vmem>>, vector<16xi32>,
        tpu.vector_store %arg12[%swap3A_561, %swap3A_562], %bitcast3A_559 {strides = array<i32>} : memref<16x16xi32, #tpu.memory_space<vmem>>, vector<16xi32>,
        %add3A_564 = arith.constant 10 : i32
        %add3A_565 = arith.addi %mul3A_106, %add3A_564 : i32
        %get3A_566 = arith.index_cast %add3A_565 : i32 to index
        %get3A_567 = arith.constant 0 : index
        %get3A_568 = tpu.vector_load %arg8[%get3A_566, %get3A_567] {strides = array<i32>} : memref<80x64xi32, #tpu.memory_space<vmem>>, vector<16xi32>,
        %bitcast3A_569 = vector.bitcast %get3A_568 : vector<16xi32> to vector<32xbf16>
        %get3A_570 = arith.index_cast %add3A_565 : i32 to index
        %get3A_571 = arith.constant 0 : index
        %get3A_572 = tpu.vector_load %arg9[%get3A_570, %get3A_571] {strides = array<i32>} : memref<80x64xi32, #tpu.memory_space<vmem>>, vector<16xi32>,
        %bitcast3A_573 = vector.bitcast %get3A_572 : vector<16xi32> to vector<32xbf16>
        %mul3A_574 = arith.mulf %bitcast3A_569, %bitcast3A_573 : vector<32xbf16>
        %get3A_575 = arith.index_cast %add3A_565 : i32 to index
        %get3A_576 = arith.constant 16 : index
        %get3A_577 = tpu.vector_load %arg8[%get3A_575, %get3A_576] {strides = array<i32>} : memref<80x64xi32, #tpu.memory_space<vmem>>, vector<16xi32>,
        %bitcast3A_578 = vector.bitcast %get3A_577 : vector<16xi32> to vector<32xbf16>
        %get3A_579 = arith.index_cast %add3A_565 : i32 to index
        %get3A_580 = arith.constant 16 : index
        %get3A_581 = tpu.vector_load %arg9[%get3A_579, %get3A_580] {strides = array<i32>} : memref<80x64xi32, #tpu.memory_space<vmem>>, vector<16xi32>,
        %bitcast3A_582 = vector.bitcast %get3A_581 : vector<16xi32> to vector<32xbf16>
        %mul3A_583 = arith.mulf %bitcast3A_578, %bitcast3A_582 : vector<32xbf16>
        %add3A_584 = arith.addf %mul3A_574, %mul3A_583 : vector<32xbf16>
        %get3A_585 = arith.index_cast %add3A_565 : i32 to index
        %get3A_586 = arith.constant 32 : index
        %get3A_587 = tpu.vector_load %arg8[%get3A_585, %get3A_586] {strides = array<i32>} : memref<80x64xi32, #tpu.memory_space<vmem>>, vector<16xi32>,
        %bitcast3A_588 = vector.bitcast %get3A_587 : vector<16xi32> to vector<32xbf16>
        %get3A_589 = arith.index_cast %add3A_565 : i32 to index
        %get3A_590 = arith.constant 32 : index
        %get3A_591 = tpu.vector_load %arg9[%get3A_589, %get3A_590] {strides = array<i32>} : memref<80x64xi32, #tpu.memory_space<vmem>>, vector<16xi32>,
        %bitcast3A_592 = vector.bitcast %get3A_591 : vector<16xi32> to vector<32xbf16>
        %mul3A_593 = arith.mulf %bitcast3A_588, %bitcast3A_592 : vector<32xbf16>
        %add3A_594 = arith.addf %add3A_584, %mul3A_593 : vector<32xbf16>
        %get3A_595 = arith.index_cast %add3A_565 : i32 to index
        %get3A_596 = arith.constant 48 : index
        %get3A_597 = tpu.vector_load %arg8[%get3A_595, %get3A_596] {strides = array<i32>} : memref<80x64xi32, #tpu.memory_space<vmem>>, vector<16xi32>,
        %bitcast3A_598 = vector.bitcast %get3A_597 : vector<16xi32> to vector<32xbf16>
        %get3A_599 = arith.index_cast %add3A_565 : i32 to index
        %get3A_600 = arith.constant 48 : index
        %get3A_601 = tpu.vector_load %arg9[%get3A_599, %get3A_600] {strides = array<i32>} : memref<80x64xi32, #tpu.memory_space<vmem>>, vector<16xi32>,
        %bitcast3A_602 = vector.bitcast %get3A_601 : vector<16xi32> to vector<32xbf16>
        %mul3A_603 = arith.mulf %bitcast3A_598, %bitcast3A_602 : vector<32xbf16>
        %add3A_604 = arith.addf %add3A_594, %mul3A_603 : vector<32xbf16>
        %bitcast3A_605 = vector.bitcast %add3A_604 : vector<32xbf16> to vector<16xi32>
        %swap3A_606 = arith.constant 10 : i32
        %swap3A_607 = arith.index_cast %swap3A_606 : i32 to index
        %swap3A_608 = arith.constant 0 : index
        %swap3A_609 = tpu.vector_load %arg12[%swap3A_607, %swap3A_608] {strides = array<i32>} : memref<16x16xi32, #tpu.memory_space<vmem>>, vector<16xi32>,
        tpu.vector_store %arg12[%swap3A_607, %swap3A_608], %bitcast3A_605 {strides = array<i32>} : memref<16x16xi32, #tpu.memory_space<vmem>>, vector<16xi32>,
        %add3A_610 = arith.constant 11 : i32
        %add3A_611 = arith.addi %mul3A_106, %add3A_610 : i32
        %get3A_612 = arith.index_cast %add3A_611 : i32 to index
        %get3A_613 = arith.constant 0 : index
        %get3A_614 = tpu.vector_load %arg8[%get3A_612, %get3A_613] {strides = array<i32>} : memref<80x64xi32, #tpu.memory_space<vmem>>, vector<16xi32>,
        %bitcast3A_615 = vector.bitcast %get3A_614 : vector<16xi32> to vector<32xbf16>
        %get3A_616 = arith.index_cast %add3A_611 : i32 to index
        %get3A_617 = arith.constant 0 : index
        %get3A_618 = tpu.vector_load %arg9[%get3A_616, %get3A_617] {strides = array<i32>} : memref<80x64xi32, #tpu.memory_space<vmem>>, vector<16xi32>,
        %bitcast3A_619 = vector.bitcast %get3A_618 : vector<16xi32> to vector<32xbf16>
        %mul3A_620 = arith.mulf %bitcast3A_615, %bitcast3A_619 : vector<32xbf16>
        %get3A_621 = arith.index_cast %add3A_611 : i32 to index
        %get3A_622 = arith.constant 16 : index
        %get3A_623 = tpu.vector_load %arg8[%get3A_621, %get3A_622] {strides = array<i32>} : memref<80x64xi32, #tpu.memory_space<vmem>>, vector<16xi32>,
        %bitcast3A_624 = vector.bitcast %get3A_623 : vector<16xi32> to vector<32xbf16>
        %get3A_625 = arith.index_cast %add3A_611 : i32 to index
        %get3A_626 = arith.constant 16 : index
        %get3A_627 = tpu.vector_load %arg9[%get3A_625, %get3A_626] {strides = array<i32>} : memref<80x64xi32, #tpu.memory_space<vmem>>, vector<16xi32>,
        %bitcast3A_628 = vector.bitcast %get3A_627 : vector<16xi32> to vector<32xbf16>
        %mul3A_629 = arith.mulf %bitcast3A_624, %bitcast3A_628 : vector<32xbf16>
        %add3A_630 = arith.addf %mul3A_620, %mul3A_629 : vector<32xbf16>
        %get3A_631 = arith.index_cast %add3A_611 : i32 to index
        %get3A_632 = arith.constant 32 : index
        %get3A_633 = tpu.vector_load %arg8[%get3A_631, %get3A_632] {strides = array<i32>} : memref<80x64xi32, #tpu.memory_space<vmem>>, vector<16xi32>,
        %bitcast3A_634 = vector.bitcast %get3A_633 : vector<16xi32> to vector<32xbf16>
        %get3A_635 = arith.index_cast %add3A_611 : i32 to index
        %get3A_636 = arith.constant 32 : index
        %get3A_637 = tpu.vector_load %arg9[%get3A_635, %get3A_636] {strides = array<i32>} : memref<80x64xi32, #tpu.memory_space<vmem>>, vector<16xi32>,
        %bitcast3A_638 = vector.bitcast %get3A_637 : vector<16xi32> to vector<32xbf16>
        %mul3A_639 = arith.mulf %bitcast3A_634, %bitcast3A_638 : vector<32xbf16>
        %add3A_640 = arith.addf %add3A_630, %mul3A_639 : vector<32xbf16>
        %get3A_641 = arith.index_cast %add3A_611 : i32 to index
        %get3A_642 = arith.constant 48 : index
        %get3A_643 = tpu.vector_load %arg8[%get3A_641, %get3A_642] {strides = array<i32>} : memref<80x64xi32, #tpu.memory_space<vmem>>, vector<16xi32>,
        %bitcast3A_644 = vector.bitcast %get3A_643 : vector<16xi32> to vector<32xbf16>
        %get3A_645 = arith.index_cast %add3A_611 : i32 to index
        %get3A_646 = arith.constant 48 : index
        %get3A_647 = tpu.vector_load %arg9[%get3A_645, %get3A_646] {strides = array<i32>} : memref<80x64xi32, #tpu.memory_space<vmem>>, vector<16xi32>,
        %bitcast3A_648 = vector.bitcast %get3A_647 : vector<16xi32> to vector<32xbf16>
        %mul3A_649 = arith.mulf %bitcast3A_644, %bitcast3A_648 : vector<32xbf16>
        %add3A_650 = arith.addf %add3A_640, %mul3A_649 : vector<32xbf16>
        %bitcast3A_651 = vector.bitcast %add3A_650 : vector<32xbf16> to vector<16xi32>
        %swap3A_652 = arith.constant 11 : i32
        %swap3A_653 = arith.index_cast %swap3A_652 : i32 to index
        %swap3A_654 = arith.constant 0 : index
        %swap3A_655 = tpu.vector_load %arg12[%swap3A_653, %swap3A_654] {strides = array<i32>} : memref<16x16xi32, #tpu.memory_space<vmem>>, vector<16xi32>,
        tpu.vector_store %arg12[%swap3A_653, %swap3A_654], %bitcast3A_651 {strides = array<i32>} : memref<16x16xi32, #tpu.memory_space<vmem>>, vector<16xi32>,
        %add3A_656 = arith.constant 12 : i32
        %add3A_657 = arith.addi %mul3A_106, %add3A_656 : i32
        %get3A_658 = arith.index_cast %add3A_657 : i32 to index
        %get3A_659 = arith.constant 0 : index
        %get3A_660 = tpu.vector_load %arg8[%get3A_658, %get3A_659] {strides = array<i32>} : memref<80x64xi32, #tpu.memory_space<vmem>>, vector<16xi32>,
        %bitcast3A_661 = vector.bitcast %get3A_660 : vector<16xi32> to vector<32xbf16>
        %get3A_662 = arith.index_cast %add3A_657 : i32 to index
        %get3A_663 = arith.constant 0 : index
        %get3A_664 = tpu.vector_load %arg9[%get3A_662, %get3A_663] {strides = array<i32>} : memref<80x64xi32, #tpu.memory_space<vmem>>, vector<16xi32>,
        %bitcast3A_665 = vector.bitcast %get3A_664 : vector<16xi32> to vector<32xbf16>
        %mul3A_666 = arith.mulf %bitcast3A_661, %bitcast3A_665 : vector<32xbf16>
        %get3A_667 = arith.index_cast %add3A_657 : i32 to index
        %get3A_668 = arith.constant 16 : index
        %get3A_669 = tpu.vector_load %arg8[%get3A_667, %get3A_668] {strides = array<i32>} : memref<80x64xi32, #tpu.memory_space<vmem>>, vector<16xi32>,
        %bitcast3A_670 = vector.bitcast %get3A_669 : vector<16xi32> to vector<32xbf16>
        %get3A_671 = arith.index_cast %add3A_657 : i32 to index
        %get3A_672 = arith.constant 16 : index
        %get3A_673 = tpu.vector_load %arg9[%get3A_671, %get3A_672] {strides = array<i32>} : memref<80x64xi32, #tpu.memory_space<vmem>>, vector<16xi32>,
        %bitcast3A_674 = vector.bitcast %get3A_673 : vector<16xi32> to vector<32xbf16>
        %mul3A_675 = arith.mulf %bitcast3A_670, %bitcast3A_674 : vector<32xbf16>
        %add3A_676 = arith.addf %mul3A_666, %mul3A_675 : vector<32xbf16>
        %get3A_677 = arith.index_cast %add3A_657 : i32 to index
        %get3A_678 = arith.constant 32 : index
        %get3A_679 = tpu.vector_load %arg8[%get3A_677, %get3A_678] {strides = array<i32>} : memref<80x64xi32, #tpu.memory_space<vmem>>, vector<16xi32>,
        %bitcast3A_680 = vector.bitcast %get3A_679 : vector<16xi32> to vector<32xbf16>
        %get3A_681 = arith.index_cast %add3A_657 : i32 to index
        %get3A_682 = arith.constant 32 : index
        %get3A_683 = tpu.vector_load %arg9[%get3A_681, %get3A_682] {strides = array<i32>} : memref<80x64xi32, #tpu.memory_space<vmem>>, vector<16xi32>,
        %bitcast3A_684 = vector.bitcast %get3A_683 : vector<16xi32> to vector<32xbf16>
        %mul3A_685 = arith.mulf %bitcast3A_680, %bitcast3A_684 : vector<32xbf16>
        %add3A_686 = arith.addf %add3A_676, %mul3A_685 : vector<32xbf16>
        %get3A_687 = arith.index_cast %add3A_657 : i32 to index
        %get3A_688 = arith.constant 48 : index
        %get3A_689 = tpu.vector_load %arg8[%get3A_687, %get3A_688] {strides = array<i32>} : memref<80x64xi32, #tpu.memory_space<vmem>>, vector<16xi32>,
        %bitcast3A_690 = vector.bitcast %get3A_689 : vector<16xi32> to vector<32xbf16>
        %get3A_691 = arith.index_cast %add3A_657 : i32 to index
        %get3A_692 = arith.constant 48 : index
        %get3A_693 = tpu.vector_load %arg9[%get3A_691, %get3A_692] {strides = array<i32>} : memref<80x64xi32, #tpu.memory_space<vmem>>, vector<16xi32>,
        %bitcast3A_694 = vector.bitcast %get3A_693 : vector<16xi32> to vector<32xbf16>
        %mul3A_695 = arith.mulf %bitcast3A_690, %bitcast3A_694 : vector<32xbf16>
        %add3A_696 = arith.addf %add3A_686, %mul3A_695 : vector<32xbf16>
        %bitcast3A_697 = vector.bitcast %add3A_696 : vector<32xbf16> to vector<16xi32>
        %swap3A_698 = arith.constant 12 : i32
        %swap3A_699 = arith.index_cast %swap3A_698 : i32 to index
        %swap3A_700 = arith.constant 0 : index
        %swap3A_701 = tpu.vector_load %arg12[%swap3A_699, %swap3A_700] {strides = array<i32>} : memref<16x16xi32, #tpu.memory_space<vmem>>, vector<16xi32>,
        tpu.vector_store %arg12[%swap3A_699, %swap3A_700], %bitcast3A_697 {strides = array<i32>} : memref<16x16xi32, #tpu.memory_space<vmem>>, vector<16xi32>,
        %add3A_702 = arith.constant 13 : i32
        %add3A_703 = arith.addi %mul3A_106, %add3A_702 : i32
        %get3A_704 = arith.index_cast %add3A_703 : i32 to index
        %get3A_705 = arith.constant 0 : index
        %get3A_706 = tpu.vector_load %arg8[%get3A_704, %get3A_705] {strides = array<i32>} : memref<80x64xi32, #tpu.memory_space<vmem>>, vector<16xi32>,
        %bitcast3A_707 = vector.bitcast %get3A_706 : vector<16xi32> to vector<32xbf16>
        %get3A_708 = arith.index_cast %add3A_703 : i32 to index
        %get3A_709 = arith.constant 0 : index
        %get3A_710 = tpu.vector_load %arg9[%get3A_708, %get3A_709] {strides = array<i32>} : memref<80x64xi32, #tpu.memory_space<vmem>>, vector<16xi32>,
        %bitcast3A_711 = vector.bitcast %get3A_710 : vector<16xi32> to vector<32xbf16>
        %mul3A_712 = arith.mulf %bitcast3A_707, %bitcast3A_711 : vector<32xbf16>
        %get3A_713 = arith.index_cast %add3A_703 : i32 to index
        %get3A_714 = arith.constant 16 : index
        %get3A_715 = tpu.vector_load %arg8[%get3A_713, %get3A_714] {strides = array<i32>} : memref<80x64xi32, #tpu.memory_space<vmem>>, vector<16xi32>,
        %bitcast3A_716 = vector.bitcast %get3A_715 : vector<16xi32> to vector<32xbf16>
        %get3A_717 = arith.index_cast %add3A_703 : i32 to index
        %get3A_718 = arith.constant 16 : index
        %get3A_719 = tpu.vector_load %arg9[%get3A_717, %get3A_718] {strides = array<i32>} : memref<80x64xi32, #tpu.memory_space<vmem>>, vector<16xi32>,
        %bitcast3A_720 = vector.bitcast %get3A_719 : vector<16xi32> to vector<32xbf16>
        %mul3A_721 = arith.mulf %bitcast3A_716, %bitcast3A_720 : vector<32xbf16>
        %add3A_722 = arith.addf %mul3A_712, %mul3A_721 : vector<32xbf16>
        %get3A_723 = arith.index_cast %add3A_703 : i32 to index
        %get3A_724 = arith.constant 32 : index
        %get3A_725 = tpu.vector_load %arg8[%get3A_723, %get3A_724] {strides = array<i32>} : memref<80x64xi32, #tpu.memory_space<vmem>>, vector<16xi32>,
        %bitcast3A_726 = vector.bitcast %get3A_725 : vector<16xi32> to vector<32xbf16>
        %get3A_727 = arith.index_cast %add3A_703 : i32 to index
        %get3A_728 = arith.constant 32 : index
        %get3A_729 = tpu.vector_load %arg9[%get3A_727, %get3A_728] {strides = array<i32>} : memref<80x64xi32, #tpu.memory_space<vmem>>, vector<16xi32>,
        %bitcast3A_730 = vector.bitcast %get3A_729 : vector<16xi32> to vector<32xbf16>
        %mul3A_731 = arith.mulf %bitcast3A_726, %bitcast3A_730 : vector<32xbf16>
        %add3A_732 = arith.addf %add3A_722, %mul3A_731 : vector<32xbf16>
        %get3A_733 = arith.index_cast %add3A_703 : i32 to index
        %get3A_734 = arith.constant 48 : index
        %get3A_735 = tpu.vector_load %arg8[%get3A_733, %get3A_734] {strides = array<i32>} : memref<80x64xi32, #tpu.memory_space<vmem>>, vector<16xi32>,
        %bitcast3A_736 = vector.bitcast %get3A_735 : vector<16xi32> to vector<32xbf16>
        %get3A_737 = arith.index_cast %add3A_703 : i32 to index
        %get3A_738 = arith.constant 48 : index
        %get3A_739 = tpu.vector_load %arg9[%get3A_737, %get3A_738] {strides = array<i32>} : memref<80x64xi32, #tpu.memory_space<vmem>>, vector<16xi32>,
        %bitcast3A_740 = vector.bitcast %get3A_739 : vector<16xi32> to vector<32xbf16>
        %mul3A_741 = arith.mulf %bitcast3A_736, %bitcast3A_740 : vector<32xbf16>
        %add3A_742 = arith.addf %add3A_732, %mul3A_741 : vector<32xbf16>
        %bitcast3A_743 = vector.bitcast %add3A_742 : vector<32xbf16> to vector<16xi32>
        %swap3A_744 = arith.constant 13 : i32
        %swap3A_745 = arith.index_cast %swap3A_744 : i32 to index
        %swap3A_746 = arith.constant 0 : index
        %swap3A_747 = tpu.vector_load %arg12[%swap3A_745, %swap3A_746] {strides = array<i32>} : memref<16x16xi32, #tpu.memory_space<vmem>>, vector<16xi32>,
        tpu.vector_store %arg12[%swap3A_745, %swap3A_746], %bitcast3A_743 {strides = array<i32>} : memref<16x16xi32, #tpu.memory_space<vmem>>, vector<16xi32>,
        %add3A_748 = arith.constant 14 : i32
        %add3A_749 = arith.addi %mul3A_106, %add3A_748 : i32
        %get3A_750 = arith.index_cast %add3A_749 : i32 to index
        %get3A_751 = arith.constant 0 : index
        %get3A_752 = tpu.vector_load %arg8[%get3A_750, %get3A_751] {strides = array<i32>} : memref<80x64xi32, #tpu.memory_space<vmem>>, vector<16xi32>,
        %bitcast3A_753 = vector.bitcast %get3A_752 : vector<16xi32> to vector<32xbf16>
        %get3A_754 = arith.index_cast %add3A_749 : i32 to index
        %get3A_755 = arith.constant 0 : index
        %get3A_756 = tpu.vector_load %arg9[%get3A_754, %get3A_755] {strides = array<i32>} : memref<80x64xi32, #tpu.memory_space<vmem>>, vector<16xi32>,
        %bitcast3A_757 = vector.bitcast %get3A_756 : vector<16xi32> to vector<32xbf16>
        %mul3A_758 = arith.mulf %bitcast3A_753, %bitcast3A_757 : vector<32xbf16>
        %get3A_759 = arith.index_cast %add3A_749 : i32 to index
        %get3A_760 = arith.constant 16 : index
        %get3A_761 = tpu.vector_load %arg8[%get3A_759, %get3A_760] {strides = array<i32>} : memref<80x64xi32, #tpu.memory_space<vmem>>, vector<16xi32>,
        %bitcast3A_762 = vector.bitcast %get3A_761 : vector<16xi32> to vector<32xbf16>
        %get3A_763 = arith.index_cast %add3A_749 : i32 to index
        %get3A_764 = arith.constant 16 : index
        %get3A_765 = tpu.vector_load %arg9[%get3A_763, %get3A_764] {strides = array<i32>} : memref<80x64xi32, #tpu.memory_space<vmem>>, vector<16xi32>,
        %bitcast3A_766 = vector.bitcast %get3A_765 : vector<16xi32> to vector<32xbf16>
        %mul3A_767 = arith.mulf %bitcast3A_762, %bitcast3A_766 : vector<32xbf16>
        %add3A_768 = arith.addf %mul3A_758, %mul3A_767 : vector<32xbf16>
        %get3A_769 = arith.index_cast %add3A_749 : i32 to index
        %get3A_770 = arith.constant 32 : index
        %get3A_771 = tpu.vector_load %arg8[%get3A_769, %get3A_770] {strides = array<i32>} : memref<80x64xi32, #tpu.memory_space<vmem>>, vector<16xi32>,
        %bitcast3A_772 = vector.bitcast %get3A_771 : vector<16xi32> to vector<32xbf16>
        %get3A_773 = arith.index_cast %add3A_749 : i32 to index
        %get3A_774 = arith.constant 32 : index
        %get3A_775 = tpu.vector_load %arg9[%get3A_773, %get3A_774] {strides = array<i32>} : memref<80x64xi32, #tpu.memory_space<vmem>>, vector<16xi32>,
        %bitcast3A_776 = vector.bitcast %get3A_775 : vector<16xi32> to vector<32xbf16>
        %mul3A_777 = arith.mulf %bitcast3A_772, %bitcast3A_776 : vector<32xbf16>
        %add3A_778 = arith.addf %add3A_768, %mul3A_777 : vector<32xbf16>
        %get3A_779 = arith.index_cast %add3A_749 : i32 to index
        %get3A_780 = arith.constant 48 : index
        %get3A_781 = tpu.vector_load %arg8[%get3A_779, %get3A_780] {strides = array<i32>} : memref<80x64xi32, #tpu.memory_space<vmem>>, vector<16xi32>,
        %bitcast3A_782 = vector.bitcast %get3A_781 : vector<16xi32> to vector<32xbf16>
        %get3A_783 = arith.index_cast %add3A_749 : i32 to index
        %get3A_784 = arith.constant 48 : index
        %get3A_785 = tpu.vector_load %arg9[%get3A_783, %get3A_784] {strides = array<i32>} : memref<80x64xi32, #tpu.memory_space<vmem>>, vector<16xi32>,
        %bitcast3A_786 = vector.bitcast %get3A_785 : vector<16xi32> to vector<32xbf16>
        %mul3A_787 = arith.mulf %bitcast3A_782, %bitcast3A_786 : vector<32xbf16>
        %add3A_788 = arith.addf %add3A_778, %mul3A_787 : vector<32xbf16>
        %bitcast3A_789 = vector.bitcast %add3A_788 : vector<32xbf16> to vector<16xi32>
        %swap3A_790 = arith.constant 14 : i32
        %swap3A_791 = arith.index_cast %swap3A_790 : i32 to index
        %swap3A_792 = arith.constant 0 : index
        %swap3A_793 = tpu.vector_load %arg12[%swap3A_791, %swap3A_792] {strides = array<i32>} : memref<16x16xi32, #tpu.memory_space<vmem>>, vector<16xi32>,
        tpu.vector_store %arg12[%swap3A_791, %swap3A_792], %bitcast3A_789 {strides = array<i32>} : memref<16x16xi32, #tpu.memory_space<vmem>>, vector<16xi32>,
        %add3A_794 = arith.constant 15 : i32
        %add3A_795 = arith.addi %mul3A_106, %add3A_794 : i32
        %get3A_796 = arith.index_cast %add3A_795 : i32 to index
        %get3A_797 = arith.constant 0 : index
        %get3A_798 = tpu.vector_load %arg8[%get3A_796, %get3A_797] {strides = array<i32>} : memref<80x64xi32, #tpu.memory_space<vmem>>, vector<16xi32>,
        %bitcast3A_799 = vector.bitcast %get3A_798 : vector<16xi32> to vector<32xbf16>
        %get3A_800 = arith.index_cast %add3A_795 : i32 to index
        %get3A_801 = arith.constant 0 : index
        %get3A_802 = tpu.vector_load %arg9[%get3A_800, %get3A_801] {strides = array<i32>} : memref<80x64xi32, #tpu.memory_space<vmem>>, vector<16xi32>,
        %bitcast3A_803 = vector.bitcast %get3A_802 : vector<16xi32> to vector<32xbf16>
        %mul3A_804 = arith.mulf %bitcast3A_799, %bitcast3A_803 : vector<32xbf16>
        %get3A_805 = arith.index_cast %add3A_795 : i32 to index
        %get3A_806 = arith.constant 16 : index
        %get3A_807 = tpu.vector_load %arg8[%get3A_805, %get3A_806] {strides = array<i32>} : memref<80x64xi32, #tpu.memory_space<vmem>>, vector<16xi32>,
        %bitcast3A_808 = vector.bitcast %get3A_807 : vector<16xi32> to vector<32xbf16>
        %get3A_809 = arith.index_cast %add3A_795 : i32 to index
        %get3A_810 = arith.constant 16 : index
        %get3A_811 = tpu.vector_load %arg9[%get3A_809, %get3A_810] {strides = array<i32>} : memref<80x64xi32, #tpu.memory_space<vmem>>, vector<16xi32>,
        %bitcast3A_812 = vector.bitcast %get3A_811 : vector<16xi32> to vector<32xbf16>
        %mul3A_813 = arith.mulf %bitcast3A_808, %bitcast3A_812 : vector<32xbf16>
        %add3A_814 = arith.addf %mul3A_804, %mul3A_813 : vector<32xbf16>
        %get3A_815 = arith.index_cast %add3A_795 : i32 to index
        %get3A_816 = arith.constant 32 : index
        %get3A_817 = tpu.vector_load %arg8[%get3A_815, %get3A_816] {strides = array<i32>} : memref<80x64xi32, #tpu.memory_space<vmem>>, vector<16xi32>,
        %bitcast3A_818 = vector.bitcast %get3A_817 : vector<16xi32> to vector<32xbf16>
        %get3A_819 = arith.index_cast %add3A_795 : i32 to index
        %get3A_820 = arith.constant 32 : index
        %get3A_821 = tpu.vector_load %arg9[%get3A_819, %get3A_820] {strides = array<i32>} : memref<80x64xi32, #tpu.memory_space<vmem>>, vector<16xi32>,
        %bitcast3A_822 = vector.bitcast %get3A_821 : vector<16xi32> to vector<32xbf16>
        %mul3A_823 = arith.mulf %bitcast3A_818, %bitcast3A_822 : vector<32xbf16>
        %add3A_824 = arith.addf %add3A_814, %mul3A_823 : vector<32xbf16>
        %get3A_825 = arith.index_cast %add3A_795 : i32 to index
        %get3A_826 = arith.constant 48 : index
        %get3A_827 = tpu.vector_load %arg8[%get3A_825, %get3A_826] {strides = array<i32>} : memref<80x64xi32, #tpu.memory_space<vmem>>, vector<16xi32>,
        %bitcast3A_828 = vector.bitcast %get3A_827 : vector<16xi32> to vector<32xbf16>
        %get3A_829 = arith.index_cast %add3A_795 : i32 to index
        %get3A_830 = arith.constant 48 : index
        %get3A_831 = tpu.vector_load %arg9[%get3A_829, %get3A_830] {strides = array<i32>} : memref<80x64xi32, #tpu.memory_space<vmem>>, vector<16xi32>,
        %bitcast3A_832 = vector.bitcast %get3A_831 : vector<16xi32> to vector<32xbf16>
        %mul3A_833 = arith.mulf %bitcast3A_828, %bitcast3A_832 : vector<32xbf16>
        %add3A_834 = arith.addf %add3A_824, %mul3A_833 : vector<32xbf16>
        %bitcast3A_835 = vector.bitcast %add3A_834 : vector<32xbf16> to vector<16xi32>
        %swap3A_836 = arith.constant 15 : i32
        %swap3A_837 = arith.index_cast %swap3A_836 : i32 to index
        %swap3A_838 = arith.constant 0 : index
        %swap3A_839 = tpu.vector_load %arg12[%swap3A_837, %swap3A_838] {strides = array<i32>} : memref<16x16xi32, #tpu.memory_space<vmem>>, vector<16xi32>,
        tpu.vector_store %arg12[%swap3A_837, %swap3A_838], %bitcast3A_835 {strides = array<i32>} : memref<16x16xi32, #tpu.memory_space<vmem>>, vector<16xi32>,
        %broadcast_in_dim3A = arith.constant 0 : i32
        %broadcast_in_dim3A_840 = vector.broadcast %broadcast_in_dim3A : i32 to vector<16xi32>
        %gather3A = tpu.vector_load_idx %arg12[%iota3A, %broadcast_in_dim3A_840] : memref<16x16xi32, #tpu.memory_space<vmem>>[vector<16xi32>, vector<16xi32>], vector<16xi32>,
        %bitcast3A_841 = vector.bitcast %gather3A : vector<16xi32> to vector<32xbf16>
        %broadcast_in_dim3A_842 = arith.constant 1 : i32
        %broadcast_in_dim3A_843 = vector.broadcast %broadcast_in_dim3A_842 : i32 to vector<16xi32>
        %gather3A_844 = tpu.vector_load_idx %arg12[%iota3A, %broadcast_in_dim3A_843] : memref<16x16xi32, #tpu.memory_space<vmem>>[vector<16xi32>, vector<16xi32>], vector<16xi32>,
        %bitcast3A_845 = vector.bitcast %gather3A_844 : vector<16xi32> to vector<32xbf16>
        %add3A_846 = arith.addf %bitcast3A_841, %bitcast3A_845 : vector<32xbf16>
        %broadcast_in_dim3A_847 = arith.constant 2 : i32
        %broadcast_in_dim3A_848 = vector.broadcast %broadcast_in_dim3A_847 : i32 to vector<16xi32>
        %gather3A_849 = tpu.vector_load_idx %arg12[%iota3A, %broadcast_in_dim3A_848] : memref<16x16xi32, #tpu.memory_space<vmem>>[vector<16xi32>, vector<16xi32>], vector<16xi32>,
        %bitcast3A_850 = vector.bitcast %gather3A_849 : vector<16xi32> to vector<32xbf16>
        %add3A_851 = arith.addf %add3A_846, %bitcast3A_850 : vector<32xbf16>
        %broadcast_in_dim3A_852 = arith.constant 3 : i32
        %broadcast_in_dim3A_853 = vector.broadcast %broadcast_in_dim3A_852 : i32 to vector<16xi32>
        %gather3A_854 = tpu.vector_load_idx %arg12[%iota3A, %broadcast_in_dim3A_853] : memref<16x16xi32, #tpu.memory_space<vmem>>[vector<16xi32>, vector<16xi32>], vector<16xi32>,
        %bitcast3A_855 = vector.bitcast %gather3A_854 : vector<16xi32> to vector<32xbf16>
        %add3A_856 = arith.addf %add3A_851, %bitcast3A_855 : vector<32xbf16>
        %unpack3A = tpu.unpack_subelements %add3A_856, 0 {pack_format = #tpu.pack_format<interleaved>} : vector<32xbf16> -> vector<16xf32>
        %unpack3A_857 = tpu.unpack_subelements %add3A_856, 1 {pack_format = #tpu.pack_format<interleaved>} : vector<32xbf16> -> vector<16xf32>
        %add3A_858 = arith.addf %unpack3A, %unpack3A_857 : vector<16xf32>
        %broadcast_in_dim3A_859 = arith.constant 4 : i32
        %broadcast_in_dim3A_860 = vector.broadcast %broadcast_in_dim3A_859 : i32 to vector<16xi32>
        %gather3A_861 = tpu.vector_load_idx %arg12[%iota3A, %broadcast_in_dim3A_860] : memref<16x16xi32, #tpu.memory_space<vmem>>[vector<16xi32>, vector<16xi32>], vector<16xi32>,
        %bitcast3A_862 = vector.bitcast %gather3A_861 : vector<16xi32> to vector<32xbf16>
        %broadcast_in_dim3A_863 = arith.constant 5 : i32
        %broadcast_in_dim3A_864 = vector.broadcast %broadcast_in_dim3A_863 : i32 to vector<16xi32>
        %gather3A_865 = tpu.vector_load_idx %arg12[%iota3A, %broadcast_in_dim3A_864] : memref<16x16xi32, #tpu.memory_space<vmem>>[vector<16xi32>, vector<16xi32>], vector<16xi32>,
        %bitcast3A_866 = vector.bitcast %gather3A_865 : vector<16xi32> to vector<32xbf16>
        %add3A_867 = arith.addf %bitcast3A_862, %bitcast3A_866 : vector<32xbf16>
        %broadcast_in_dim3A_868 = arith.constant 6 : i32
        %broadcast_in_dim3A_869 = vector.broadcast %broadcast_in_dim3A_868 : i32 to vector<16xi32>
        %gather3A_870 = tpu.vector_load_idx %arg12[%iota3A, %broadcast_in_dim3A_869] : memref<16x16xi32, #tpu.memory_space<vmem>>[vector<16xi32>, vector<16xi32>], vector<16xi32>,
        %bitcast3A_871 = vector.bitcast %gather3A_870 : vector<16xi32> to vector<32xbf16>
        %add3A_872 = arith.addf %add3A_867, %bitcast3A_871 : vector<32xbf16>
        %broadcast_in_dim3A_873 = arith.constant 7 : i32
        %broadcast_in_dim3A_874 = vector.broadcast %broadcast_in_dim3A_873 : i32 to vector<16xi32>
        %gather3A_875 = tpu.vector_load_idx %arg12[%iota3A, %broadcast_in_dim3A_874] : memref<16x16xi32, #tpu.memory_space<vmem>>[vector<16xi32>, vector<16xi32>], vector<16xi32>,
        %bitcast3A_876 = vector.bitcast %gather3A_875 : vector<16xi32> to vector<32xbf16>
        %add3A_877 = arith.addf %add3A_872, %bitcast3A_876 : vector<32xbf16>
        %unpack3A_878 = tpu.unpack_subelements %add3A_877, 0 {pack_format = #tpu.pack_format<interleaved>} : vector<32xbf16> -> vector<16xf32>
        %unpack3A_879 = tpu.unpack_subelements %add3A_877, 1 {pack_format = #tpu.pack_format<interleaved>} : vector<32xbf16> -> vector<16xf32>
        %add3A_880 = arith.addf %unpack3A_878, %unpack3A_879 : vector<16xf32>
        %add3A_881 = arith.addf %add3A_858, %add3A_880 : vector<16xf32>
        %broadcast_in_dim3A_882 = arith.constant 8 : i32
        %broadcast_in_dim3A_883 = vector.broadcast %broadcast_in_dim3A_882 : i32 to vector<16xi32>
        %gather3A_884 = tpu.vector_load_idx %arg12[%iota3A, %broadcast_in_dim3A_883] : memref<16x16xi32, #tpu.memory_space<vmem>>[vector<16xi32>, vector<16xi32>], vector<16xi32>,
        %bitcast3A_885 = vector.bitcast %gather3A_884 : vector<16xi32> to vector<32xbf16>
        %broadcast_in_dim3A_886 = arith.constant 9 : i32
        %broadcast_in_dim3A_887 = vector.broadcast %broadcast_in_dim3A_886 : i32 to vector<16xi32>
        %gather3A_888 = tpu.vector_load_idx %arg12[%iota3A, %broadcast_in_dim3A_887] : memref<16x16xi32, #tpu.memory_space<vmem>>[vector<16xi32>, vector<16xi32>], vector<16xi32>,
        %bitcast3A_889 = vector.bitcast %gather3A_888 : vector<16xi32> to vector<32xbf16>
        %add3A_890 = arith.addf %bitcast3A_885, %bitcast3A_889 : vector<32xbf16>
        %broadcast_in_dim3A_891 = arith.constant 10 : i32
        %broadcast_in_dim3A_892 = vector.broadcast %broadcast_in_dim3A_891 : i32 to vector<16xi32>
        %gather3A_893 = tpu.vector_load_idx %arg12[%iota3A, %broadcast_in_dim3A_892] : memref<16x16xi32, #tpu.memory_space<vmem>>[vector<16xi32>, vector<16xi32>], vector<16xi32>,
        %bitcast3A_894 = vector.bitcast %gather3A_893 : vector<16xi32> to vector<32xbf16>
        %add3A_895 = arith.addf %add3A_890, %bitcast3A_894 : vector<32xbf16>
        %broadcast_in_dim3A_896 = arith.constant 11 : i32
        %broadcast_in_dim3A_897 = vector.broadcast %broadcast_in_dim3A_896 : i32 to vector<16xi32>
        %gather3A_898 = tpu.vector_load_idx %arg12[%iota3A, %broadcast_in_dim3A_897] : memref<16x16xi32, #tpu.memory_space<vmem>>[vector<16xi32>, vector<16xi32>], vector<16xi32>,
        %bitcast3A_899 = vector.bitcast %gather3A_898 : vector<16xi32> to vector<32xbf16>
        %add3A_900 = arith.addf %add3A_895, %bitcast3A_899 : vector<32xbf16>
        %unpack3A_901 = tpu.unpack_subelements %add3A_900, 0 {pack_format = #tpu.pack_format<interleaved>} : vector<32xbf16> -> vector<16xf32>
        %unpack3A_902 = tpu.unpack_subelements %add3A_900, 1 {pack_format = #tpu.pack_format<interleaved>} : vector<32xbf16> -> vector<16xf32>
        %add3A_903 = arith.addf %unpack3A_901, %unpack3A_902 : vector<16xf32>
        %add3A_904 = arith.addf %add3A_881, %add3A_903 : vector<16xf32>
        %broadcast_in_dim3A_905 = arith.constant 12 : i32
        %broadcast_in_dim3A_906 = vector.broadcast %broadcast_in_dim3A_905 : i32 to vector<16xi32>
        %gather3A_907 = tpu.vector_load_idx %arg12[%iota3A, %broadcast_in_dim3A_906] : memref<16x16xi32, #tpu.memory_space<vmem>>[vector<16xi32>, vector<16xi32>], vector<16xi32>,
        %bitcast3A_908 = vector.bitcast %gather3A_907 : vector<16xi32> to vector<32xbf16>
        %broadcast_in_dim3A_909 = arith.constant 13 : i32
        %broadcast_in_dim3A_910 = vector.broadcast %broadcast_in_dim3A_909 : i32 to vector<16xi32>
        %gather3A_911 = tpu.vector_load_idx %arg12[%iota3A, %broadcast_in_dim3A_910] : memref<16x16xi32, #tpu.memory_space<vmem>>[vector<16xi32>, vector<16xi32>], vector<16xi32>,
        %bitcast3A_912 = vector.bitcast %gather3A_911 : vector<16xi32> to vector<32xbf16>
        %add3A_913 = arith.addf %bitcast3A_908, %bitcast3A_912 : vector<32xbf16>
        %broadcast_in_dim3A_914 = arith.constant 14 : i32
        %broadcast_in_dim3A_915 = vector.broadcast %broadcast_in_dim3A_914 : i32 to vector<16xi32>
        %gather3A_916 = tpu.vector_load_idx %arg12[%iota3A, %broadcast_in_dim3A_915] : memref<16x16xi32, #tpu.memory_space<vmem>>[vector<16xi32>, vector<16xi32>], vector<16xi32>,
        %bitcast3A_917 = vector.bitcast %gather3A_916 : vector<16xi32> to vector<32xbf16>
        %add3A_918 = arith.addf %add3A_913, %bitcast3A_917 : vector<32xbf16>
        %broadcast_in_dim3A_919 = arith.constant 15 : i32
        %broadcast_in_dim3A_920 = vector.broadcast %broadcast_in_dim3A_919 : i32 to vector<16xi32>
        %gather3A_921 = tpu.vector_load_idx %arg12[%iota3A, %broadcast_in_dim3A_920] : memref<16x16xi32, #tpu.memory_space<vmem>>[vector<16xi32>, vector<16xi32>], vector<16xi32>,
        %bitcast3A_922 = vector.bitcast %gather3A_921 : vector<16xi32> to vector<32xbf16>
        %add3A_923 = arith.addf %add3A_918, %bitcast3A_922 : vector<32xbf16>
        %unpack3A_924 = tpu.unpack_subelements %add3A_923, 0 {pack_format = #tpu.pack_format<interleaved>} : vector<32xbf16> -> vector<16xf32>
        %unpack3A_925 = tpu.unpack_subelements %add3A_923, 1 {pack_format = #tpu.pack_format<interleaved>} : vector<32xbf16> -> vector<16xf32>
        %add3A_926 = arith.addf %unpack3A_924, %unpack3A_925 : vector<16xf32>
        %add3A_927 = arith.addf %add3A_904, %add3A_926 : vector<16xf32>
        %add3A_928 = arith.addi %mul3A_62, %mul3A_106 : i32
        %swap3A_929 = arith.index_cast %add3A_928 : i32 to index
        %swap3A_930 = tpu.vector_load %arg13[%swap3A_929] {strides = array<i32>} : memref<10000xf32, #tpu.memory_space<vmem>>, vector<16xf32>,
        tpu.vector_store %arg13[%swap3A_929], %add3A_927 {strides = array<i32>} : memref<10000xf32, #tpu.memory_space<vmem>>, vector<16xf32>,
      }
      %scan3A_68 = arith.constant 5 : i32
      %add3A_69 = arith.constant 2 : i32
      %add3A_70 = arith.addi %add3A_48, %add3A_69 : i32
      %lt3A = arith.constant 125 : i32
      %lt3A_71 = arith.cmpi slt, %add3A_70, %lt3A : i32
      %convert_element_type3A = arith.extui %lt3A_71 : i1 to i32
      %cond3A = arith.constant 0 : i32
      %cond3A_72 = arith.cmpi ne, %convert_element_type3A, %cond3A : i32
      scf.if %cond3A_72 {
        %add3A_104 = arith.constant 2 : i32
        %add3A_105 = arith.addi %add3A_48, %add3A_104 : i32
        %mul3A_106 = arith.constant 80 : i32
        %mul3A_107 = arith.muli %add3A_105, %mul3A_106 : i32
        %dma_start3A_108 = tpu.memref_slice %arg6[%mul3A_107] : memref<10000xi32, #tpu.memory_space<vmem>> -> memref<80xi32, #tpu.memory_space<vmem>>
        %dma_start3A_109 = arith.constant 0 : i32
        %dma_start3A_110 = arith.constant 0 : i32
        %dma_start3A_111 = tpu.memref_slice %arg2[%dma_start3A_109, %dma_start3A_110] : memref<10000x64xi32, #tpu.memory_space<hbm>> -> memref<10000x64xi32, #tpu.memory_space<hbm>>
        tpu.enqueue_indirect_dma source(%dma_start3A_111 : memref<10000x64xi32, #tpu.memory_space<hbm>>) target(%arg8 : memref<80x64xi32, #tpu.memory_space<vmem>>) offsets(%dma_start3A_108 : memref<80xi32, #tpu.memory_space<vmem>>) semaphore(%arg14 : memref<!tpu.dma_semaphore, #tpu.memory_space<semaphore_mem>>)
        %dma_start3A_112 = tpu.memref_slice %arg7[%mul3A_107] : memref<10000xi32, #tpu.memory_space<vmem>> -> memref<80xi32, #tpu.memory_space<vmem>>
        %dma_start3A_113 = arith.constant 0 : i32
        %dma_start3A_114 = arith.constant 0 : i32
        %dma_start3A_115 = tpu.memref_slice %arg2[%dma_start3A_113, %dma_start3A_114] : memref<10000x64xi32, #tpu.memory_space<hbm>> -> memref<10000x64xi32, #tpu.memory_space<hbm>>
        tpu.enqueue_indirect_dma source(%dma_start3A_115 : memref<10000x64xi32, #tpu.memory_space<hbm>>) target(%arg9 : memref<80x64xi32, #tpu.memory_space<vmem>>) offsets(%dma_start3A_112 : memref<80xi32, #tpu.memory_space<vmem>>) semaphore(%arg14 : memref<!tpu.dma_semaphore, #tpu.memory_space<semaphore_mem>>)
      } else {
      }
      %mul3A_73 = arith.constant 2 : i32
      %mul3A_74 = arith.muli %scan3A_44, %mul3A_73 : i32
      %add3A_75 = arith.constant 1 : i32
      %add3A_76 = arith.addi %mul3A_74, %add3A_75 : i32
      %dma_wait3A_77 = arith.constant 0 : i32
      %dma_wait3A_78 = arith.constant 0 : i32
      %dma_wait3A_79 = tpu.memref_slice %arg2[%dma_wait3A_77, %dma_wait3A_78] : memref<10000x64xi32, #tpu.memory_space<hbm>> -> memref<80x64xi32, #tpu.memory_space<hbm>>
      %dma_wait3A_80 = arith.constant 0 : i32
      %dma_wait3A_81 = arith.constant 0 : i32
      %dma_wait3A_82 = tpu.memref_slice %arg2[%dma_wait3A_80, %dma_wait3A_81] : memref<10000x64xi32, #tpu.memory_space<hbm>> -> memref<80x64xi32, #tpu.memory_space<hbm>>
      tpu.wait_dma2 semaphore(%arg15 : memref<!tpu.dma_semaphore, #tpu.memory_space<semaphore_mem>>) src(%dma_wait3A_82 : memref<80x64xi32, #tpu.memory_space<hbm>>) dst(%arg10 : memref<80x64xi32, #tpu.memory_space<vmem>>)
      %dma_wait3A_83 = arith.constant 0 : i32
      %dma_wait3A_84 = arith.constant 0 : i32
      %dma_wait3A_85 = tpu.memref_slice %arg2[%dma_wait3A_83, %dma_wait3A_84] : memref<10000x64xi32, #tpu.memory_space<hbm>> -> memref<80x64xi32, #tpu.memory_space<hbm>>
      %dma_wait3A_86 = arith.constant 0 : i32
      %dma_wait3A_87 = arith.constant 0 : i32
      %dma_wait3A_88 = tpu.memref_slice %arg2[%dma_wait3A_86, %dma_wait3A_87] : memref<10000x64xi32, #tpu.memory_space<hbm>> -> memref<80x64xi32, #tpu.memory_space<hbm>>
      tpu.wait_dma2 semaphore(%arg15 : memref<!tpu.dma_semaphore, #tpu.memory_space<semaphore_mem>>) src(%dma_wait3A_88 : memref<80x64xi32, #tpu.memory_space<hbm>>) dst(%arg11 : memref<80x64xi32, #tpu.memory_space<vmem>>)
      %mul3A_89 = arith.constant 80 : i32
      %mul3A_90 = arith.muli %add3A_76, %mul3A_89 : i32
      %scan3A_91 = arith.constant 0 : i32
      %scan3A_92 = arith.constant 0 : i32
      %scan3A_93 = arith.constant 5 : i32
      %scan3A_94 = arith.addi %scan3A_92, %scan3A_93 : i32
      %scan3A_95 = arith.constant 1 : i32
      scf.for %scan3A_104 = %scan3A_92 to %scan3A_94 step %scan3A_95  : i32 {
        %mul3A_105 = arith.constant 16 : i32
        %mul3A_106 = arith.muli %scan3A_104, %mul3A_105 : i32
        %add3A_107 = arith.constant 0 : i32
        %add3A_108 = arith.addi %mul3A_106, %add3A_107 : i32
        %get3A = arith.index_cast %add3A_108 : i32 to index
        %get3A_109 = arith.constant 0 : index
        %get3A_110 = tpu.vector_load %arg10[%get3A, %get3A_109] {strides = array<i32>} : memref<80x64xi32, #tpu.memory_space<vmem>>, vector<16xi32>,
        %bitcast3A = vector.bitcast %get3A_110 : vector<16xi32> to vector<32xbf16>
        %get3A_111 = arith.index_cast %add3A_108 : i32 to index
        %get3A_112 = arith.constant 0 : index
        %get3A_113 = tpu.vector_load %arg11[%get3A_111, %get3A_112] {strides = array<i32>} : memref<80x64xi32, #tpu.memory_space<vmem>>, vector<16xi32>,
        %bitcast3A_114 = vector.bitcast %get3A_113 : vector<16xi32> to vector<32xbf16>
        %mul3A_115 = arith.mulf %bitcast3A, %bitcast3A_114 : vector<32xbf16>
        %get3A_116 = arith.index_cast %add3A_108 : i32 to index
        %get3A_117 = arith.constant 16 : index
        %get3A_118 = tpu.vector_load %arg10[%get3A_116, %get3A_117] {strides = array<i32>} : memref<80x64xi32, #tpu.memory_space<vmem>>, vector<16xi32>,
        %bitcast3A_119 = vector.bitcast %get3A_118 : vector<16xi32> to vector<32xbf16>
        %get3A_120 = arith.index_cast %add3A_108 : i32 to index
        %get3A_121 = arith.constant 16 : index
        %get3A_122 = tpu.vector_load %arg11[%get3A_120, %get3A_121] {strides = array<i32>} : memref<80x64xi32, #tpu.memory_space<vmem>>, vector<16xi32>,
        %bitcast3A_123 = vector.bitcast %get3A_122 : vector<16xi32> to vector<32xbf16>
        %mul3A_124 = arith.mulf %bitcast3A_119, %bitcast3A_123 : vector<32xbf16>
        %add3A_125 = arith.addf %mul3A_115, %mul3A_124 : vector<32xbf16>
        %get3A_126 = arith.index_cast %add3A_108 : i32 to index
        %get3A_127 = arith.constant 32 : index
        %get3A_128 = tpu.vector_load %arg10[%get3A_126, %get3A_127] {strides = array<i32>} : memref<80x64xi32, #tpu.memory_space<vmem>>, vector<16xi32>,
        %bitcast3A_129 = vector.bitcast %get3A_128 : vector<16xi32> to vector<32xbf16>
        %get3A_130 = arith.index_cast %add3A_108 : i32 to index
        %get3A_131 = arith.constant 32 : index
        %get3A_132 = tpu.vector_load %arg11[%get3A_130, %get3A_131] {strides = array<i32>} : memref<80x64xi32, #tpu.memory_space<vmem>>, vector<16xi32>,
        %bitcast3A_133 = vector.bitcast %get3A_132 : vector<16xi32> to vector<32xbf16>
        %mul3A_134 = arith.mulf %bitcast3A_129, %bitcast3A_133 : vector<32xbf16>
        %add3A_135 = arith.addf %add3A_125, %mul3A_134 : vector<32xbf16>
        %get3A_136 = arith.index_cast %add3A_108 : i32 to index
        %get3A_137 = arith.constant 48 : index
        %get3A_138 = tpu.vector_load %arg10[%get3A_136, %get3A_137] {strides = array<i32>} : memref<80x64xi32, #tpu.memory_space<vmem>>, vector<16xi32>,
        %bitcast3A_139 = vector.bitcast %get3A_138 : vector<16xi32> to vector<32xbf16>
        %get3A_140 = arith.index_cast %add3A_108 : i32 to index
        %get3A_141 = arith.constant 48 : index
        %get3A_142 = tpu.vector_load %arg11[%get3A_140, %get3A_141] {strides = array<i32>} : memref<80x64xi32, #tpu.memory_space<vmem>>, vector<16xi32>,
        %bitcast3A_143 = vector.bitcast %get3A_142 : vector<16xi32> to vector<32xbf16>
        %mul3A_144 = arith.mulf %bitcast3A_139, %bitcast3A_143 : vector<32xbf16>
        %add3A_145 = arith.addf %add3A_135, %mul3A_144 : vector<32xbf16>
        %bitcast3A_146 = vector.bitcast %add3A_145 : vector<32xbf16> to vector<16xi32>
        %swap3A = arith.constant 0 : i32
        %swap3A_147 = arith.index_cast %swap3A : i32 to index
        %swap3A_148 = arith.constant 0 : index
        %swap3A_149 = tpu.vector_load %arg12[%swap3A_147, %swap3A_148] {strides = array<i32>} : memref<16x16xi32, #tpu.memory_space<vmem>>, vector<16xi32>,
        tpu.vector_store %arg12[%swap3A_147, %swap3A_148], %bitcast3A_146 {strides = array<i32>} : memref<16x16xi32, #tpu.memory_space<vmem>>, vector<16xi32>,
        %add3A_150 = arith.constant 1 : i32
        %add3A_151 = arith.addi %mul3A_106, %add3A_150 : i32
        %get3A_152 = arith.index_cast %add3A_151 : i32 to index
        %get3A_153 = arith.constant 0 : index
        %get3A_154 = tpu.vector_load %arg10[%get3A_152, %get3A_153] {strides = array<i32>} : memref<80x64xi32, #tpu.memory_space<vmem>>, vector<16xi32>,
        %bitcast3A_155 = vector.bitcast %get3A_154 : vector<16xi32> to vector<32xbf16>
        %get3A_156 = arith.index_cast %add3A_151 : i32 to index
        %get3A_157 = arith.constant 0 : index
        %get3A_158 = tpu.vector_load %arg11[%get3A_156, %get3A_157] {strides = array<i32>} : memref<80x64xi32, #tpu.memory_space<vmem>>, vector<16xi32>,
        %bitcast3A_159 = vector.bitcast %get3A_158 : vector<16xi32> to vector<32xbf16>
        %mul3A_160 = arith.mulf %bitcast3A_155, %bitcast3A_159 : vector<32xbf16>
        %get3A_161 = arith.index_cast %add3A_151 : i32 to index
        %get3A_162 = arith.constant 16 : index
        %get3A_163 = tpu.vector_load %arg10[%get3A_161, %get3A_162] {strides = array<i32>} : memref<80x64xi32, #tpu.memory_space<vmem>>, vector<16xi32>,
        %bitcast3A_164 = vector.bitcast %get3A_163 : vector<16xi32> to vector<32xbf16>
        %get3A_165 = arith.index_cast %add3A_151 : i32 to index
        %get3A_166 = arith.constant 16 : index
        %get3A_167 = tpu.vector_load %arg11[%get3A_165, %get3A_166] {strides = array<i32>} : memref<80x64xi32, #tpu.memory_space<vmem>>, vector<16xi32>,
        %bitcast3A_168 = vector.bitcast %get3A_167 : vector<16xi32> to vector<32xbf16>
        %mul3A_169 = arith.mulf %bitcast3A_164, %bitcast3A_168 : vector<32xbf16>
        %add3A_170 = arith.addf %mul3A_160, %mul3A_169 : vector<32xbf16>
        %get3A_171 = arith.index_cast %add3A_151 : i32 to index
        %get3A_172 = arith.constant 32 : index
        %get3A_173 = tpu.vector_load %arg10[%get3A_171, %get3A_172] {strides = array<i32>} : memref<80x64xi32, #tpu.memory_space<vmem>>, vector<16xi32>,
        %bitcast3A_174 = vector.bitcast %get3A_173 : vector<16xi32> to vector<32xbf16>
        %get3A_175 = arith.index_cast %add3A_151 : i32 to index
        %get3A_176 = arith.constant 32 : index
        %get3A_177 = tpu.vector_load %arg11[%get3A_175, %get3A_176] {strides = array<i32>} : memref<80x64xi32, #tpu.memory_space<vmem>>, vector<16xi32>,
        %bitcast3A_178 = vector.bitcast %get3A_177 : vector<16xi32> to vector<32xbf16>
        %mul3A_179 = arith.mulf %bitcast3A_174, %bitcast3A_178 : vector<32xbf16>
        %add3A_180 = arith.addf %add3A_170, %mul3A_179 : vector<32xbf16>
        %get3A_181 = arith.index_cast %add3A_151 : i32 to index
        %get3A_182 = arith.constant 48 : index
        %get3A_183 = tpu.vector_load %arg10[%get3A_181, %get3A_182] {strides = array<i32>} : memref<80x64xi32, #tpu.memory_space<vmem>>, vector<16xi32>,
        %bitcast3A_184 = vector.bitcast %get3A_183 : vector<16xi32> to vector<32xbf16>
        %get3A_185 = arith.index_cast %add3A_151 : i32 to index
        %get3A_186 = arith.constant 48 : index
        %get3A_187 = tpu.vector_load %arg11[%get3A_185, %get3A_186] {strides = array<i32>} : memref<80x64xi32, #tpu.memory_space<vmem>>, vector<16xi32>,
        %bitcast3A_188 = vector.bitcast %get3A_187 : vector<16xi32> to vector<32xbf16>
        %mul3A_189 = arith.mulf %bitcast3A_184, %bitcast3A_188 : vector<32xbf16>
        %add3A_190 = arith.addf %add3A_180, %mul3A_189 : vector<32xbf16>
        %bitcast3A_191 = vector.bitcast %add3A_190 : vector<32xbf16> to vector<16xi32>
        %swap3A_192 = arith.constant 1 : i32
        %swap3A_193 = arith.index_cast %swap3A_192 : i32 to index
        %swap3A_194 = arith.constant 0 : index
        %swap3A_195 = tpu.vector_load %arg12[%swap3A_193, %swap3A_194] {strides = array<i32>} : memref<16x16xi32, #tpu.memory_space<vmem>>, vector<16xi32>,
        tpu.vector_store %arg12[%swap3A_193, %swap3A_194], %bitcast3A_191 {strides = array<i32>} : memref<16x16xi32, #tpu.memory_space<vmem>>, vector<16xi32>,
        %add3A_196 = arith.constant 2 : i32
        %add3A_197 = arith.addi %mul3A_106, %add3A_196 : i32
        %get3A_198 = arith.index_cast %add3A_197 : i32 to index
        %get3A_199 = arith.constant 0 : index
        %get3A_200 = tpu.vector_load %arg10[%get3A_198, %get3A_199] {strides = array<i32>} : memref<80x64xi32, #tpu.memory_space<vmem>>, vector<16xi32>,
        %bitcast3A_201 = vector.bitcast %get3A_200 : vector<16xi32> to vector<32xbf16>
        %get3A_202 = arith.index_cast %add3A_197 : i32 to index
        %get3A_203 = arith.constant 0 : index
        %get3A_204 = tpu.vector_load %arg11[%get3A_202, %get3A_203] {strides = array<i32>} : memref<80x64xi32, #tpu.memory_space<vmem>>, vector<16xi32>,
        %bitcast3A_205 = vector.bitcast %get3A_204 : vector<16xi32> to vector<32xbf16>
        %mul3A_206 = arith.mulf %bitcast3A_201, %bitcast3A_205 : vector<32xbf16>
        %get3A_207 = arith.index_cast %add3A_197 : i32 to index
        %get3A_208 = arith.constant 16 : index
        %get3A_209 = tpu.vector_load %arg10[%get3A_207, %get3A_208] {strides = array<i32>} : memref<80x64xi32, #tpu.memory_space<vmem>>, vector<16xi32>,
        %bitcast3A_210 = vector.bitcast %get3A_209 : vector<16xi32> to vector<32xbf16>
        %get3A_211 = arith.index_cast %add3A_197 : i32 to index
        %get3A_212 = arith.constant 16 : index
        %get3A_213 = tpu.vector_load %arg11[%get3A_211, %get3A_212] {strides = array<i32>} : memref<80x64xi32, #tpu.memory_space<vmem>>, vector<16xi32>,
        %bitcast3A_214 = vector.bitcast %get3A_213 : vector<16xi32> to vector<32xbf16>
        %mul3A_215 = arith.mulf %bitcast3A_210, %bitcast3A_214 : vector<32xbf16>
        %add3A_216 = arith.addf %mul3A_206, %mul3A_215 : vector<32xbf16>
        %get3A_217 = arith.index_cast %add3A_197 : i32 to index
        %get3A_218 = arith.constant 32 : index
        %get3A_219 = tpu.vector_load %arg10[%get3A_217, %get3A_218] {strides = array<i32>} : memref<80x64xi32, #tpu.memory_space<vmem>>, vector<16xi32>,
        %bitcast3A_220 = vector.bitcast %get3A_219 : vector<16xi32> to vector<32xbf16>
        %get3A_221 = arith.index_cast %add3A_197 : i32 to index
        %get3A_222 = arith.constant 32 : index
        %get3A_223 = tpu.vector_load %arg11[%get3A_221, %get3A_222] {strides = array<i32>} : memref<80x64xi32, #tpu.memory_space<vmem>>, vector<16xi32>,
        %bitcast3A_224 = vector.bitcast %get3A_223 : vector<16xi32> to vector<32xbf16>
        %mul3A_225 = arith.mulf %bitcast3A_220, %bitcast3A_224 : vector<32xbf16>
        %add3A_226 = arith.addf %add3A_216, %mul3A_225 : vector<32xbf16>
        %get3A_227 = arith.index_cast %add3A_197 : i32 to index
        %get3A_228 = arith.constant 48 : index
        %get3A_229 = tpu.vector_load %arg10[%get3A_227, %get3A_228] {strides = array<i32>} : memref<80x64xi32, #tpu.memory_space<vmem>>, vector<16xi32>,
        %bitcast3A_230 = vector.bitcast %get3A_229 : vector<16xi32> to vector<32xbf16>
        %get3A_231 = arith.index_cast %add3A_197 : i32 to index
        %get3A_232 = arith.constant 48 : index
        %get3A_233 = tpu.vector_load %arg11[%get3A_231, %get3A_232] {strides = array<i32>} : memref<80x64xi32, #tpu.memory_space<vmem>>, vector<16xi32>,
        %bitcast3A_234 = vector.bitcast %get3A_233 : vector<16xi32> to vector<32xbf16>
        %mul3A_235 = arith.mulf %bitcast3A_230, %bitcast3A_234 : vector<32xbf16>
        %add3A_236 = arith.addf %add3A_226, %mul3A_235 : vector<32xbf16>
        %bitcast3A_237 = vector.bitcast %add3A_236 : vector<32xbf16> to vector<16xi32>
        %swap3A_238 = arith.constant 2 : i32
        %swap3A_239 = arith.index_cast %swap3A_238 : i32 to index
        %swap3A_240 = arith.constant 0 : index
        %swap3A_241 = tpu.vector_load %arg12[%swap3A_239, %swap3A_240] {strides = array<i32>} : memref<16x16xi32, #tpu.memory_space<vmem>>, vector<16xi32>,
        tpu.vector_store %arg12[%swap3A_239, %swap3A_240], %bitcast3A_237 {strides = array<i32>} : memref<16x16xi32, #tpu.memory_space<vmem>>, vector<16xi32>,
        %add3A_242 = arith.constant 3 : i32
        %add3A_243 = arith.addi %mul3A_106, %add3A_242 : i32
        %get3A_244 = arith.index_cast %add3A_243 : i32 to index
        %get3A_245 = arith.constant 0 : index
        %get3A_246 = tpu.vector_load %arg10[%get3A_244, %get3A_245] {strides = array<i32>} : memref<80x64xi32, #tpu.memory_space<vmem>>, vector<16xi32>,
        %bitcast3A_247 = vector.bitcast %get3A_246 : vector<16xi32> to vector<32xbf16>
        %get3A_248 = arith.index_cast %add3A_243 : i32 to index
        %get3A_249 = arith.constant 0 : index
        %get3A_250 = tpu.vector_load %arg11[%get3A_248, %get3A_249] {strides = array<i32>} : memref<80x64xi32, #tpu.memory_space<vmem>>, vector<16xi32>,
        %bitcast3A_251 = vector.bitcast %get3A_250 : vector<16xi32> to vector<32xbf16>
        %mul3A_252 = arith.mulf %bitcast3A_247, %bitcast3A_251 : vector<32xbf16>
        %get3A_253 = arith.index_cast %add3A_243 : i32 to index
        %get3A_254 = arith.constant 16 : index
        %get3A_255 = tpu.vector_load %arg10[%get3A_253, %get3A_254] {strides = array<i32>} : memref<80x64xi32, #tpu.memory_space<vmem>>, vector<16xi32>,
        %bitcast3A_256 = vector.bitcast %get3A_255 : vector<16xi32> to vector<32xbf16>
        %get3A_257 = arith.index_cast %add3A_243 : i32 to index
        %get3A_258 = arith.constant 16 : index
        %get3A_259 = tpu.vector_load %arg11[%get3A_257, %get3A_258] {strides = array<i32>} : memref<80x64xi32, #tpu.memory_space<vmem>>, vector<16xi32>,
        %bitcast3A_260 = vector.bitcast %get3A_259 : vector<16xi32> to vector<32xbf16>
        %mul3A_261 = arith.mulf %bitcast3A_256, %bitcast3A_260 : vector<32xbf16>
        %add3A_262 = arith.addf %mul3A_252, %mul3A_261 : vector<32xbf16>
        %get3A_263 = arith.index_cast %add3A_243 : i32 to index
        %get3A_264 = arith.constant 32 : index
        %get3A_265 = tpu.vector_load %arg10[%get3A_263, %get3A_264] {strides = array<i32>} : memref<80x64xi32, #tpu.memory_space<vmem>>, vector<16xi32>,
        %bitcast3A_266 = vector.bitcast %get3A_265 : vector<16xi32> to vector<32xbf16>
        %get3A_267 = arith.index_cast %add3A_243 : i32 to index
        %get3A_268 = arith.constant 32 : index
        %get3A_269 = tpu.vector_load %arg11[%get3A_267, %get3A_268] {strides = array<i32>} : memref<80x64xi32, #tpu.memory_space<vmem>>, vector<16xi32>,
        %bitcast3A_270 = vector.bitcast %get3A_269 : vector<16xi32> to vector<32xbf16>
        %mul3A_271 = arith.mulf %bitcast3A_266, %bitcast3A_270 : vector<32xbf16>
        %add3A_272 = arith.addf %add3A_262, %mul3A_271 : vector<32xbf16>
        %get3A_273 = arith.index_cast %add3A_243 : i32 to index
        %get3A_274 = arith.constant 48 : index
        %get3A_275 = tpu.vector_load %arg10[%get3A_273, %get3A_274] {strides = array<i32>} : memref<80x64xi32, #tpu.memory_space<vmem>>, vector<16xi32>,
        %bitcast3A_276 = vector.bitcast %get3A_275 : vector<16xi32> to vector<32xbf16>
        %get3A_277 = arith.index_cast %add3A_243 : i32 to index
        %get3A_278 = arith.constant 48 : index
        %get3A_279 = tpu.vector_load %arg11[%get3A_277, %get3A_278] {strides = array<i32>} : memref<80x64xi32, #tpu.memory_space<vmem>>, vector<16xi32>,
        %bitcast3A_280 = vector.bitcast %get3A_279 : vector<16xi32> to vector<32xbf16>
        %mul3A_281 = arith.mulf %bitcast3A_276, %bitcast3A_280 : vector<32xbf16>
        %add3A_282 = arith.addf %add3A_272, %mul3A_281 : vector<32xbf16>
        %bitcast3A_283 = vector.bitcast %add3A_282 : vector<32xbf16> to vector<16xi32>
        %swap3A_284 = arith.constant 3 : i32
        %swap3A_285 = arith.index_cast %swap3A_284 : i32 to index
        %swap3A_286 = arith.constant 0 : index
        %swap3A_287 = tpu.vector_load %arg12[%swap3A_285, %swap3A_286] {strides = array<i32>} : memref<16x16xi32, #tpu.memory_space<vmem>>, vector<16xi32>,
        tpu.vector_store %arg12[%swap3A_285, %swap3A_286], %bitcast3A_283 {strides = array<i32>} : memref<16x16xi32, #tpu.memory_space<vmem>>, vector<16xi32>,
        %add3A_288 = arith.constant 4 : i32
        %add3A_289 = arith.addi %mul3A_106, %add3A_288 : i32
        %get3A_290 = arith.index_cast %add3A_289 : i32 to index
        %get3A_291 = arith.constant 0 : index
        %get3A_292 = tpu.vector_load %arg10[%get3A_290, %get3A_291] {strides = array<i32>} : memref<80x64xi32, #tpu.memory_space<vmem>>, vector<16xi32>,
        %bitcast3A_293 = vector.bitcast %get3A_292 : vector<16xi32> to vector<32xbf16>
        %get3A_294 = arith.index_cast %add3A_289 : i32 to index
        %get3A_295 = arith.constant 0 : index
        %get3A_296 = tpu.vector_load %arg11[%get3A_294, %get3A_295] {strides = array<i32>} : memref<80x64xi32, #tpu.memory_space<vmem>>, vector<16xi32>,
        %bitcast3A_297 = vector.bitcast %get3A_296 : vector<16xi32> to vector<32xbf16>
        %mul3A_298 = arith.mulf %bitcast3A_293, %bitcast3A_297 : vector<32xbf16>
        %get3A_299 = arith.index_cast %add3A_289 : i32 to index
        %get3A_300 = arith.constant 16 : index
        %get3A_301 = tpu.vector_load %arg10[%get3A_299, %get3A_300] {strides = array<i32>} : memref<80x64xi32, #tpu.memory_space<vmem>>, vector<16xi32>,
        %bitcast3A_302 = vector.bitcast %get3A_301 : vector<16xi32> to vector<32xbf16>
        %get3A_303 = arith.index_cast %add3A_289 : i32 to index
        %get3A_304 = arith.constant 16 : index
        %get3A_305 = tpu.vector_load %arg11[%get3A_303, %get3A_304] {strides = array<i32>} : memref<80x64xi32, #tpu.memory_space<vmem>>, vector<16xi32>,
        %bitcast3A_306 = vector.bitcast %get3A_305 : vector<16xi32> to vector<32xbf16>
        %mul3A_307 = arith.mulf %bitcast3A_302, %bitcast3A_306 : vector<32xbf16>
        %add3A_308 = arith.addf %mul3A_298, %mul3A_307 : vector<32xbf16>
        %get3A_309 = arith.index_cast %add3A_289 : i32 to index
        %get3A_310 = arith.constant 32 : index
        %get3A_311 = tpu.vector_load %arg10[%get3A_309, %get3A_310] {strides = array<i32>} : memref<80x64xi32, #tpu.memory_space<vmem>>, vector<16xi32>,
        %bitcast3A_312 = vector.bitcast %get3A_311 : vector<16xi32> to vector<32xbf16>
        %get3A_313 = arith.index_cast %add3A_289 : i32 to index
        %get3A_314 = arith.constant 32 : index
        %get3A_315 = tpu.vector_load %arg11[%get3A_313, %get3A_314] {strides = array<i32>} : memref<80x64xi32, #tpu.memory_space<vmem>>, vector<16xi32>,
        %bitcast3A_316 = vector.bitcast %get3A_315 : vector<16xi32> to vector<32xbf16>
        %mul3A_317 = arith.mulf %bitcast3A_312, %bitcast3A_316 : vector<32xbf16>
        %add3A_318 = arith.addf %add3A_308, %mul3A_317 : vector<32xbf16>
        %get3A_319 = arith.index_cast %add3A_289 : i32 to index
        %get3A_320 = arith.constant 48 : index
        %get3A_321 = tpu.vector_load %arg10[%get3A_319, %get3A_320] {strides = array<i32>} : memref<80x64xi32, #tpu.memory_space<vmem>>, vector<16xi32>,
        %bitcast3A_322 = vector.bitcast %get3A_321 : vector<16xi32> to vector<32xbf16>
        %get3A_323 = arith.index_cast %add3A_289 : i32 to index
        %get3A_324 = arith.constant 48 : index
        %get3A_325 = tpu.vector_load %arg11[%get3A_323, %get3A_324] {strides = array<i32>} : memref<80x64xi32, #tpu.memory_space<vmem>>, vector<16xi32>,
        %bitcast3A_326 = vector.bitcast %get3A_325 : vector<16xi32> to vector<32xbf16>
        %mul3A_327 = arith.mulf %bitcast3A_322, %bitcast3A_326 : vector<32xbf16>
        %add3A_328 = arith.addf %add3A_318, %mul3A_327 : vector<32xbf16>
        %bitcast3A_329 = vector.bitcast %add3A_328 : vector<32xbf16> to vector<16xi32>
        %swap3A_330 = arith.constant 4 : i32
        %swap3A_331 = arith.index_cast %swap3A_330 : i32 to index
        %swap3A_332 = arith.constant 0 : index
        %swap3A_333 = tpu.vector_load %arg12[%swap3A_331, %swap3A_332] {strides = array<i32>} : memref<16x16xi32, #tpu.memory_space<vmem>>, vector<16xi32>,
        tpu.vector_store %arg12[%swap3A_331, %swap3A_332], %bitcast3A_329 {strides = array<i32>} : memref<16x16xi32, #tpu.memory_space<vmem>>, vector<16xi32>,
        %add3A_334 = arith.constant 5 : i32
        %add3A_335 = arith.addi %mul3A_106, %add3A_334 : i32
        %get3A_336 = arith.index_cast %add3A_335 : i32 to index
        %get3A_337 = arith.constant 0 : index
        %get3A_338 = tpu.vector_load %arg10[%get3A_336, %get3A_337] {strides = array<i32>} : memref<80x64xi32, #tpu.memory_space<vmem>>, vector<16xi32>,
        %bitcast3A_339 = vector.bitcast %get3A_338 : vector<16xi32> to vector<32xbf16>
        %get3A_340 = arith.index_cast %add3A_335 : i32 to index
        %get3A_341 = arith.constant 0 : index
        %get3A_342 = tpu.vector_load %arg11[%get3A_340, %get3A_341] {strides = array<i32>} : memref<80x64xi32, #tpu.memory_space<vmem>>, vector<16xi32>,
        %bitcast3A_343 = vector.bitcast %get3A_342 : vector<16xi32> to vector<32xbf16>
        %mul3A_344 = arith.mulf %bitcast3A_339, %bitcast3A_343 : vector<32xbf16>
        %get3A_345 = arith.index_cast %add3A_335 : i32 to index
        %get3A_346 = arith.constant 16 : index
        %get3A_347 = tpu.vector_load %arg10[%get3A_345, %get3A_346] {strides = array<i32>} : memref<80x64xi32, #tpu.memory_space<vmem>>, vector<16xi32>,
        %bitcast3A_348 = vector.bitcast %get3A_347 : vector<16xi32> to vector<32xbf16>
        %get3A_349 = arith.index_cast %add3A_335 : i32 to index
        %get3A_350 = arith.constant 16 : index
        %get3A_351 = tpu.vector_load %arg11[%get3A_349, %get3A_350] {strides = array<i32>} : memref<80x64xi32, #tpu.memory_space<vmem>>, vector<16xi32>,
        %bitcast3A_352 = vector.bitcast %get3A_351 : vector<16xi32> to vector<32xbf16>
        %mul3A_353 = arith.mulf %bitcast3A_348, %bitcast3A_352 : vector<32xbf16>
        %add3A_354 = arith.addf %mul3A_344, %mul3A_353 : vector<32xbf16>
        %get3A_355 = arith.index_cast %add3A_335 : i32 to index
        %get3A_356 = arith.constant 32 : index
        %get3A_357 = tpu.vector_load %arg10[%get3A_355, %get3A_356] {strides = array<i32>} : memref<80x64xi32, #tpu.memory_space<vmem>>, vector<16xi32>,
        %bitcast3A_358 = vector.bitcast %get3A_357 : vector<16xi32> to vector<32xbf16>
        %get3A_359 = arith.index_cast %add3A_335 : i32 to index
        %get3A_360 = arith.constant 32 : index
        %get3A_361 = tpu.vector_load %arg11[%get3A_359, %get3A_360] {strides = array<i32>} : memref<80x64xi32, #tpu.memory_space<vmem>>, vector<16xi32>,
        %bitcast3A_362 = vector.bitcast %get3A_361 : vector<16xi32> to vector<32xbf16>
        %mul3A_363 = arith.mulf %bitcast3A_358, %bitcast3A_362 : vector<32xbf16>
        %add3A_364 = arith.addf %add3A_354, %mul3A_363 : vector<32xbf16>
        %get3A_365 = arith.index_cast %add3A_335 : i32 to index
        %get3A_366 = arith.constant 48 : index
        %get3A_367 = tpu.vector_load %arg10[%get3A_365, %get3A_366] {strides = array<i32>} : memref<80x64xi32, #tpu.memory_space<vmem>>, vector<16xi32>,
        %bitcast3A_368 = vector.bitcast %get3A_367 : vector<16xi32> to vector<32xbf16>
        %get3A_369 = arith.index_cast %add3A_335 : i32 to index
        %get3A_370 = arith.constant 48 : index
        %get3A_371 = tpu.vector_load %arg11[%get3A_369, %get3A_370] {strides = array<i32>} : memref<80x64xi32, #tpu.memory_space<vmem>>, vector<16xi32>,
        %bitcast3A_372 = vector.bitcast %get3A_371 : vector<16xi32> to vector<32xbf16>
        %mul3A_373 = arith.mulf %bitcast3A_368, %bitcast3A_372 : vector<32xbf16>
        %add3A_374 = arith.addf %add3A_364, %mul3A_373 : vector<32xbf16>
        %bitcast3A_375 = vector.bitcast %add3A_374 : vector<32xbf16> to vector<16xi32>
        %swap3A_376 = arith.constant 5 : i32
        %swap3A_377 = arith.index_cast %swap3A_376 : i32 to index
        %swap3A_378 = arith.constant 0 : index
        %swap3A_379 = tpu.vector_load %arg12[%swap3A_377, %swap3A_378] {strides = array<i32>} : memref<16x16xi32, #tpu.memory_space<vmem>>, vector<16xi32>,
        tpu.vector_store %arg12[%swap3A_377, %swap3A_378], %bitcast3A_375 {strides = array<i32>} : memref<16x16xi32, #tpu.memory_space<vmem>>, vector<16xi32>,
        %add3A_380 = arith.constant 6 : i32
        %add3A_381 = arith.addi %mul3A_106, %add3A_380 : i32
        %get3A_382 = arith.index_cast %add3A_381 : i32 to index
        %get3A_383 = arith.constant 0 : index
        %get3A_384 = tpu.vector_load %arg10[%get3A_382, %get3A_383] {strides = array<i32>} : memref<80x64xi32, #tpu.memory_space<vmem>>, vector<16xi32>,
        %bitcast3A_385 = vector.bitcast %get3A_384 : vector<16xi32> to vector<32xbf16>
        %get3A_386 = arith.index_cast %add3A_381 : i32 to index
        %get3A_387 = arith.constant 0 : index
        %get3A_388 = tpu.vector_load %arg11[%get3A_386, %get3A_387] {strides = array<i32>} : memref<80x64xi32, #tpu.memory_space<vmem>>, vector<16xi32>,
        %bitcast3A_389 = vector.bitcast %get3A_388 : vector<16xi32> to vector<32xbf16>
        %mul3A_390 = arith.mulf %bitcast3A_385, %bitcast3A_389 : vector<32xbf16>
        %get3A_391 = arith.index_cast %add3A_381 : i32 to index
        %get3A_392 = arith.constant 16 : index
        %get3A_393 = tpu.vector_load %arg10[%get3A_391, %get3A_392] {strides = array<i32>} : memref<80x64xi32, #tpu.memory_space<vmem>>, vector<16xi32>,
        %bitcast3A_394 = vector.bitcast %get3A_393 : vector<16xi32> to vector<32xbf16>
        %get3A_395 = arith.index_cast %add3A_381 : i32 to index
        %get3A_396 = arith.constant 16 : index
        %get3A_397 = tpu.vector_load %arg11[%get3A_395, %get3A_396] {strides = array<i32>} : memref<80x64xi32, #tpu.memory_space<vmem>>, vector<16xi32>,
        %bitcast3A_398 = vector.bitcast %get3A_397 : vector<16xi32> to vector<32xbf16>
        %mul3A_399 = arith.mulf %bitcast3A_394, %bitcast3A_398 : vector<32xbf16>
        %add3A_400 = arith.addf %mul3A_390, %mul3A_399 : vector<32xbf16>
        %get3A_401 = arith.index_cast %add3A_381 : i32 to index
        %get3A_402 = arith.constant 32 : index
        %get3A_403 = tpu.vector_load %arg10[%get3A_401, %get3A_402] {strides = array<i32>} : memref<80x64xi32, #tpu.memory_space<vmem>>, vector<16xi32>,
        %bitcast3A_404 = vector.bitcast %get3A_403 : vector<16xi32> to vector<32xbf16>
        %get3A_405 = arith.index_cast %add3A_381 : i32 to index
        %get3A_406 = arith.constant 32 : index
        %get3A_407 = tpu.vector_load %arg11[%get3A_405, %get3A_406] {strides = array<i32>} : memref<80x64xi32, #tpu.memory_space<vmem>>, vector<16xi32>,
        %bitcast3A_408 = vector.bitcast %get3A_407 : vector<16xi32> to vector<32xbf16>
        %mul3A_409 = arith.mulf %bitcast3A_404, %bitcast3A_408 : vector<32xbf16>
        %add3A_410 = arith.addf %add3A_400, %mul3A_409 : vector<32xbf16>
        %get3A_411 = arith.index_cast %add3A_381 : i32 to index
        %get3A_412 = arith.constant 48 : index
        %get3A_413 = tpu.vector_load %arg10[%get3A_411, %get3A_412] {strides = array<i32>} : memref<80x64xi32, #tpu.memory_space<vmem>>, vector<16xi32>,
        %bitcast3A_414 = vector.bitcast %get3A_413 : vector<16xi32> to vector<32xbf16>
        %get3A_415 = arith.index_cast %add3A_381 : i32 to index
        %get3A_416 = arith.constant 48 : index
        %get3A_417 = tpu.vector_load %arg11[%get3A_415, %get3A_416] {strides = array<i32>} : memref<80x64xi32, #tpu.memory_space<vmem>>, vector<16xi32>,
        %bitcast3A_418 = vector.bitcast %get3A_417 : vector<16xi32> to vector<32xbf16>
        %mul3A_419 = arith.mulf %bitcast3A_414, %bitcast3A_418 : vector<32xbf16>
        %add3A_420 = arith.addf %add3A_410, %mul3A_419 : vector<32xbf16>
        %bitcast3A_421 = vector.bitcast %add3A_420 : vector<32xbf16> to vector<16xi32>
        %swap3A_422 = arith.constant 6 : i32
        %swap3A_423 = arith.index_cast %swap3A_422 : i32 to index
        %swap3A_424 = arith.constant 0 : index
        %swap3A_425 = tpu.vector_load %arg12[%swap3A_423, %swap3A_424] {strides = array<i32>} : memref<16x16xi32, #tpu.memory_space<vmem>>, vector<16xi32>,
        tpu.vector_store %arg12[%swap3A_423, %swap3A_424], %bitcast3A_421 {strides = array<i32>} : memref<16x16xi32, #tpu.memory_space<vmem>>, vector<16xi32>,
        %add3A_426 = arith.constant 7 : i32
        %add3A_427 = arith.addi %mul3A_106, %add3A_426 : i32
        %get3A_428 = arith.index_cast %add3A_427 : i32 to index
        %get3A_429 = arith.constant 0 : index
        %get3A_430 = tpu.vector_load %arg10[%get3A_428, %get3A_429] {strides = array<i32>} : memref<80x64xi32, #tpu.memory_space<vmem>>, vector<16xi32>,
        %bitcast3A_431 = vector.bitcast %get3A_430 : vector<16xi32> to vector<32xbf16>
        %get3A_432 = arith.index_cast %add3A_427 : i32 to index
        %get3A_433 = arith.constant 0 : index
        %get3A_434 = tpu.vector_load %arg11[%get3A_432, %get3A_433] {strides = array<i32>} : memref<80x64xi32, #tpu.memory_space<vmem>>, vector<16xi32>,
        %bitcast3A_435 = vector.bitcast %get3A_434 : vector<16xi32> to vector<32xbf16>
        %mul3A_436 = arith.mulf %bitcast3A_431, %bitcast3A_435 : vector<32xbf16>
        %get3A_437 = arith.index_cast %add3A_427 : i32 to index
        %get3A_438 = arith.constant 16 : index
        %get3A_439 = tpu.vector_load %arg10[%get3A_437, %get3A_438] {strides = array<i32>} : memref<80x64xi32, #tpu.memory_space<vmem>>, vector<16xi32>,
        %bitcast3A_440 = vector.bitcast %get3A_439 : vector<16xi32> to vector<32xbf16>
        %get3A_441 = arith.index_cast %add3A_427 : i32 to index
        %get3A_442 = arith.constant 16 : index
        %get3A_443 = tpu.vector_load %arg11[%get3A_441, %get3A_442] {strides = array<i32>} : memref<80x64xi32, #tpu.memory_space<vmem>>, vector<16xi32>,
        %bitcast3A_444 = vector.bitcast %get3A_443 : vector<16xi32> to vector<32xbf16>
        %mul3A_445 = arith.mulf %bitcast3A_440, %bitcast3A_444 : vector<32xbf16>
        %add3A_446 = arith.addf %mul3A_436, %mul3A_445 : vector<32xbf16>
        %get3A_447 = arith.index_cast %add3A_427 : i32 to index
        %get3A_448 = arith.constant 32 : index
        %get3A_449 = tpu.vector_load %arg10[%get3A_447, %get3A_448] {strides = array<i32>} : memref<80x64xi32, #tpu.memory_space<vmem>>, vector<16xi32>,
        %bitcast3A_450 = vector.bitcast %get3A_449 : vector<16xi32> to vector<32xbf16>
        %get3A_451 = arith.index_cast %add3A_427 : i32 to index
        %get3A_452 = arith.constant 32 : index
        %get3A_453 = tpu.vector_load %arg11[%get3A_451, %get3A_452] {strides = array<i32>} : memref<80x64xi32, #tpu.memory_space<vmem>>, vector<16xi32>,
        %bitcast3A_454 = vector.bitcast %get3A_453 : vector<16xi32> to vector<32xbf16>
        %mul3A_455 = arith.mulf %bitcast3A_450, %bitcast3A_454 : vector<32xbf16>
        %add3A_456 = arith.addf %add3A_446, %mul3A_455 : vector<32xbf16>
        %get3A_457 = arith.index_cast %add3A_427 : i32 to index
        %get3A_458 = arith.constant 48 : index
        %get3A_459 = tpu.vector_load %arg10[%get3A_457, %get3A_458] {strides = array<i32>} : memref<80x64xi32, #tpu.memory_space<vmem>>, vector<16xi32>,
        %bitcast3A_460 = vector.bitcast %get3A_459 : vector<16xi32> to vector<32xbf16>
        %get3A_461 = arith.index_cast %add3A_427 : i32 to index
        %get3A_462 = arith.constant 48 : index
        %get3A_463 = tpu.vector_load %arg11[%get3A_461, %get3A_462] {strides = array<i32>} : memref<80x64xi32, #tpu.memory_space<vmem>>, vector<16xi32>,
        %bitcast3A_464 = vector.bitcast %get3A_463 : vector<16xi32> to vector<32xbf16>
        %mul3A_465 = arith.mulf %bitcast3A_460, %bitcast3A_464 : vector<32xbf16>
        %add3A_466 = arith.addf %add3A_456, %mul3A_465 : vector<32xbf16>
        %bitcast3A_467 = vector.bitcast %add3A_466 : vector<32xbf16> to vector<16xi32>
        %swap3A_468 = arith.constant 7 : i32
        %swap3A_469 = arith.index_cast %swap3A_468 : i32 to index
        %swap3A_470 = arith.constant 0 : index
        %swap3A_471 = tpu.vector_load %arg12[%swap3A_469, %swap3A_470] {strides = array<i32>} : memref<16x16xi32, #tpu.memory_space<vmem>>, vector<16xi32>,
        tpu.vector_store %arg12[%swap3A_469, %swap3A_470], %bitcast3A_467 {strides = array<i32>} : memref<16x16xi32, #tpu.memory_space<vmem>>, vector<16xi32>,
        %add3A_472 = arith.constant 8 : i32
        %add3A_473 = arith.addi %mul3A_106, %add3A_472 : i32
        %get3A_474 = arith.index_cast %add3A_473 : i32 to index
        %get3A_475 = arith.constant 0 : index
        %get3A_476 = tpu.vector_load %arg10[%get3A_474, %get3A_475] {strides = array<i32>} : memref<80x64xi32, #tpu.memory_space<vmem>>, vector<16xi32>,
        %bitcast3A_477 = vector.bitcast %get3A_476 : vector<16xi32> to vector<32xbf16>
        %get3A_478 = arith.index_cast %add3A_473 : i32 to index
        %get3A_479 = arith.constant 0 : index
        %get3A_480 = tpu.vector_load %arg11[%get3A_478, %get3A_479] {strides = array<i32>} : memref<80x64xi32, #tpu.memory_space<vmem>>, vector<16xi32>,
        %bitcast3A_481 = vector.bitcast %get3A_480 : vector<16xi32> to vector<32xbf16>
        %mul3A_482 = arith.mulf %bitcast3A_477, %bitcast3A_481 : vector<32xbf16>
        %get3A_483 = arith.index_cast %add3A_473 : i32 to index
        %get3A_484 = arith.constant 16 : index
        %get3A_485 = tpu.vector_load %arg10[%get3A_483, %get3A_484] {strides = array<i32>} : memref<80x64xi32, #tpu.memory_space<vmem>>, vector<16xi32>,
        %bitcast3A_486 = vector.bitcast %get3A_485 : vector<16xi32> to vector<32xbf16>
        %get3A_487 = arith.index_cast %add3A_473 : i32 to index
        %get3A_488 = arith.constant 16 : index
        %get3A_489 = tpu.vector_load %arg11[%get3A_487, %get3A_488] {strides = array<i32>} : memref<80x64xi32, #tpu.memory_space<vmem>>, vector<16xi32>,
        %bitcast3A_490 = vector.bitcast %get3A_489 : vector<16xi32> to vector<32xbf16>
        %mul3A_491 = arith.mulf %bitcast3A_486, %bitcast3A_490 : vector<32xbf16>
        %add3A_492 = arith.addf %mul3A_482, %mul3A_491 : vector<32xbf16>
        %get3A_493 = arith.index_cast %add3A_473 : i32 to index
        %get3A_494 = arith.constant 32 : index
        %get3A_495 = tpu.vector_load %arg10[%get3A_493, %get3A_494] {strides = array<i32>} : memref<80x64xi32, #tpu.memory_space<vmem>>, vector<16xi32>,
        %bitcast3A_496 = vector.bitcast %get3A_495 : vector<16xi32> to vector<32xbf16>
        %get3A_497 = arith.index_cast %add3A_473 : i32 to index
        %get3A_498 = arith.constant 32 : index
        %get3A_499 = tpu.vector_load %arg11[%get3A_497, %get3A_498] {strides = array<i32>} : memref<80x64xi32, #tpu.memory_space<vmem>>, vector<16xi32>,
        %bitcast3A_500 = vector.bitcast %get3A_499 : vector<16xi32> to vector<32xbf16>
        %mul3A_501 = arith.mulf %bitcast3A_496, %bitcast3A_500 : vector<32xbf16>
        %add3A_502 = arith.addf %add3A_492, %mul3A_501 : vector<32xbf16>
        %get3A_503 = arith.index_cast %add3A_473 : i32 to index
        %get3A_504 = arith.constant 48 : index
        %get3A_505 = tpu.vector_load %arg10[%get3A_503, %get3A_504] {strides = array<i32>} : memref<80x64xi32, #tpu.memory_space<vmem>>, vector<16xi32>,
        %bitcast3A_506 = vector.bitcast %get3A_505 : vector<16xi32> to vector<32xbf16>
        %get3A_507 = arith.index_cast %add3A_473 : i32 to index
        %get3A_508 = arith.constant 48 : index
        %get3A_509 = tpu.vector_load %arg11[%get3A_507, %get3A_508] {strides = array<i32>} : memref<80x64xi32, #tpu.memory_space<vmem>>, vector<16xi32>,
        %bitcast3A_510 = vector.bitcast %get3A_509 : vector<16xi32> to vector<32xbf16>
        %mul3A_511 = arith.mulf %bitcast3A_506, %bitcast3A_510 : vector<32xbf16>
        %add3A_512 = arith.addf %add3A_502, %mul3A_511 : vector<32xbf16>
        %bitcast3A_513 = vector.bitcast %add3A_512 : vector<32xbf16> to vector<16xi32>
        %swap3A_514 = arith.constant 8 : i32
        %swap3A_515 = arith.index_cast %swap3A_514 : i32 to index
        %swap3A_516 = arith.constant 0 : index
        %swap3A_517 = tpu.vector_load %arg12[%swap3A_515, %swap3A_516] {strides = array<i32>} : memref<16x16xi32, #tpu.memory_space<vmem>>, vector<16xi32>,
        tpu.vector_store %arg12[%swap3A_515, %swap3A_516], %bitcast3A_513 {strides = array<i32>} : memref<16x16xi32, #tpu.memory_space<vmem>>, vector<16xi32>,
        %add3A_518 = arith.constant 9 : i32
        %add3A_519 = arith.addi %mul3A_106, %add3A_518 : i32
        %get3A_520 = arith.index_cast %add3A_519 : i32 to index
        %get3A_521 = arith.constant 0 : index
        %get3A_522 = tpu.vector_load %arg10[%get3A_520, %get3A_521] {strides = array<i32>} : memref<80x64xi32, #tpu.memory_space<vmem>>, vector<16xi32>,
        %bitcast3A_523 = vector.bitcast %get3A_522 : vector<16xi32> to vector<32xbf16>
        %get3A_524 = arith.index_cast %add3A_519 : i32 to index
        %get3A_525 = arith.constant 0 : index
        %get3A_526 = tpu.vector_load %arg11[%get3A_524, %get3A_525] {strides = array<i32>} : memref<80x64xi32, #tpu.memory_space<vmem>>, vector<16xi32>,
        %bitcast3A_527 = vector.bitcast %get3A_526 : vector<16xi32> to vector<32xbf16>
        %mul3A_528 = arith.mulf %bitcast3A_523, %bitcast3A_527 : vector<32xbf16>
        %get3A_529 = arith.index_cast %add3A_519 : i32 to index
        %get3A_530 = arith.constant 16 : index
        %get3A_531 = tpu.vector_load %arg10[%get3A_529, %get3A_530] {strides = array<i32>} : memref<80x64xi32, #tpu.memory_space<vmem>>, vector<16xi32>,
        %bitcast3A_532 = vector.bitcast %get3A_531 : vector<16xi32> to vector<32xbf16>
        %get3A_533 = arith.index_cast %add3A_519 : i32 to index
        %get3A_534 = arith.constant 16 : index
        %get3A_535 = tpu.vector_load %arg11[%get3A_533, %get3A_534] {strides = array<i32>} : memref<80x64xi32, #tpu.memory_space<vmem>>, vector<16xi32>,
        %bitcast3A_536 = vector.bitcast %get3A_535 : vector<16xi32> to vector<32xbf16>
        %mul3A_537 = arith.mulf %bitcast3A_532, %bitcast3A_536 : vector<32xbf16>
        %add3A_538 = arith.addf %mul3A_528, %mul3A_537 : vector<32xbf16>
        %get3A_539 = arith.index_cast %add3A_519 : i32 to index
        %get3A_540 = arith.constant 32 : index
        %get3A_541 = tpu.vector_load %arg10[%get3A_539, %get3A_540] {strides = array<i32>} : memref<80x64xi32, #tpu.memory_space<vmem>>, vector<16xi32>,
        %bitcast3A_542 = vector.bitcast %get3A_541 : vector<16xi32> to vector<32xbf16>
        %get3A_543 = arith.index_cast %add3A_519 : i32 to index
        %get3A_544 = arith.constant 32 : index
        %get3A_545 = tpu.vector_load %arg11[%get3A_543, %get3A_544] {strides = array<i32>} : memref<80x64xi32, #tpu.memory_space<vmem>>, vector<16xi32>,
        %bitcast3A_546 = vector.bitcast %get3A_545 : vector<16xi32> to vector<32xbf16>
        %mul3A_547 = arith.mulf %bitcast3A_542, %bitcast3A_546 : vector<32xbf16>
        %add3A_548 = arith.addf %add3A_538, %mul3A_547 : vector<32xbf16>
        %get3A_549 = arith.index_cast %add3A_519 : i32 to index
        %get3A_550 = arith.constant 48 : index
        %get3A_551 = tpu.vector_load %arg10[%get3A_549, %get3A_550] {strides = array<i32>} : memref<80x64xi32, #tpu.memory_space<vmem>>, vector<16xi32>,
        %bitcast3A_552 = vector.bitcast %get3A_551 : vector<16xi32> to vector<32xbf16>
        %get3A_553 = arith.index_cast %add3A_519 : i32 to index
        %get3A_554 = arith.constant 48 : index
        %get3A_555 = tpu.vector_load %arg11[%get3A_553, %get3A_554] {strides = array<i32>} : memref<80x64xi32, #tpu.memory_space<vmem>>, vector<16xi32>,
        %bitcast3A_556 = vector.bitcast %get3A_555 : vector<16xi32> to vector<32xbf16>
        %mul3A_557 = arith.mulf %bitcast3A_552, %bitcast3A_556 : vector<32xbf16>
        %add3A_558 = arith.addf %add3A_548, %mul3A_557 : vector<32xbf16>
        %bitcast3A_559 = vector.bitcast %add3A_558 : vector<32xbf16> to vector<16xi32>
        %swap3A_560 = arith.constant 9 : i32
        %swap3A_561 = arith.index_cast %swap3A_560 : i32 to index
        %swap3A_562 = arith.constant 0 : index
        %swap3A_563 = tpu.vector_load %arg12[%swap3A_561, %swap3A_562] {strides = array<i32>} : memref<16x16xi32, #tpu.memory_space<vmem>>, vector<16xi32>,
        tpu.vector_store %arg12[%swap3A_561, %swap3A_562], %bitcast3A_559 {strides = array<i32>} : memref<16x16xi32, #tpu.memory_space<vmem>>, vector<16xi32>,
        %add3A_564 = arith.constant 10 : i32
        %add3A_565 = arith.addi %mul3A_106, %add3A_564 : i32
        %get3A_566 = arith.index_cast %add3A_565 : i32 to index
        %get3A_567 = arith.constant 0 : index
        %get3A_568 = tpu.vector_load %arg10[%get3A_566, %get3A_567] {strides = array<i32>} : memref<80x64xi32, #tpu.memory_space<vmem>>, vector<16xi32>,
        %bitcast3A_569 = vector.bitcast %get3A_568 : vector<16xi32> to vector<32xbf16>
        %get3A_570 = arith.index_cast %add3A_565 : i32 to index
        %get3A_571 = arith.constant 0 : index
        %get3A_572 = tpu.vector_load %arg11[%get3A_570, %get3A_571] {strides = array<i32>} : memref<80x64xi32, #tpu.memory_space<vmem>>, vector<16xi32>,
        %bitcast3A_573 = vector.bitcast %get3A_572 : vector<16xi32> to vector<32xbf16>
        %mul3A_574 = arith.mulf %bitcast3A_569, %bitcast3A_573 : vector<32xbf16>
        %get3A_575 = arith.index_cast %add3A_565 : i32 to index
        %get3A_576 = arith.constant 16 : index
        %get3A_577 = tpu.vector_load %arg10[%get3A_575, %get3A_576] {strides = array<i32>} : memref<80x64xi32, #tpu.memory_space<vmem>>, vector<16xi32>,
        %bitcast3A_578 = vector.bitcast %get3A_577 : vector<16xi32> to vector<32xbf16>
        %get3A_579 = arith.index_cast %add3A_565 : i32 to index
        %get3A_580 = arith.constant 16 : index
        %get3A_581 = tpu.vector_load %arg11[%get3A_579, %get3A_580] {strides = array<i32>} : memref<80x64xi32, #tpu.memory_space<vmem>>, vector<16xi32>,
        %bitcast3A_582 = vector.bitcast %get3A_581 : vector<16xi32> to vector<32xbf16>
        %mul3A_583 = arith.mulf %bitcast3A_578, %bitcast3A_582 : vector<32xbf16>
        %add3A_584 = arith.addf %mul3A_574, %mul3A_583 : vector<32xbf16>
        %get3A_585 = arith.index_cast %add3A_565 : i32 to index
        %get3A_586 = arith.constant 32 : index
        %get3A_587 = tpu.vector_load %arg10[%get3A_585, %get3A_586] {strides = array<i32>} : memref<80x64xi32, #tpu.memory_space<vmem>>, vector<16xi32>,
        %bitcast3A_588 = vector.bitcast %get3A_587 : vector<16xi32> to vector<32xbf16>
        %get3A_589 = arith.index_cast %add3A_565 : i32 to index
        %get3A_590 = arith.constant 32 : index
        %get3A_591 = tpu.vector_load %arg11[%get3A_589, %get3A_590] {strides = array<i32>} : memref<80x64xi32, #tpu.memory_space<vmem>>, vector<16xi32>,
        %bitcast3A_592 = vector.bitcast %get3A_591 : vector<16xi32> to vector<32xbf16>
        %mul3A_593 = arith.mulf %bitcast3A_588, %bitcast3A_592 : vector<32xbf16>
        %add3A_594 = arith.addf %add3A_584, %mul3A_593 : vector<32xbf16>
        %get3A_595 = arith.index_cast %add3A_565 : i32 to index
        %get3A_596 = arith.constant 48 : index
        %get3A_597 = tpu.vector_load %arg10[%get3A_595, %get3A_596] {strides = array<i32>} : memref<80x64xi32, #tpu.memory_space<vmem>>, vector<16xi32>,
        %bitcast3A_598 = vector.bitcast %get3A_597 : vector<16xi32> to vector<32xbf16>
        %get3A_599 = arith.index_cast %add3A_565 : i32 to index
        %get3A_600 = arith.constant 48 : index
        %get3A_601 = tpu.vector_load %arg11[%get3A_599, %get3A_600] {strides = array<i32>} : memref<80x64xi32, #tpu.memory_space<vmem>>, vector<16xi32>,
        %bitcast3A_602 = vector.bitcast %get3A_601 : vector<16xi32> to vector<32xbf16>
        %mul3A_603 = arith.mulf %bitcast3A_598, %bitcast3A_602 : vector<32xbf16>
        %add3A_604 = arith.addf %add3A_594, %mul3A_603 : vector<32xbf16>
        %bitcast3A_605 = vector.bitcast %add3A_604 : vector<32xbf16> to vector<16xi32>
        %swap3A_606 = arith.constant 10 : i32
        %swap3A_607 = arith.index_cast %swap3A_606 : i32 to index
        %swap3A_608 = arith.constant 0 : index
        %swap3A_609 = tpu.vector_load %arg12[%swap3A_607, %swap3A_608] {strides = array<i32>} : memref<16x16xi32, #tpu.memory_space<vmem>>, vector<16xi32>,
        tpu.vector_store %arg12[%swap3A_607, %swap3A_608], %bitcast3A_605 {strides = array<i32>} : memref<16x16xi32, #tpu.memory_space<vmem>>, vector<16xi32>,
        %add3A_610 = arith.constant 11 : i32
        %add3A_611 = arith.addi %mul3A_106, %add3A_610 : i32
        %get3A_612 = arith.index_cast %add3A_611 : i32 to index
        %get3A_613 = arith.constant 0 : index
        %get3A_614 = tpu.vector_load %arg10[%get3A_612, %get3A_613] {strides = array<i32>} : memref<80x64xi32, #tpu.memory_space<vmem>>, vector<16xi32>,
        %bitcast3A_615 = vector.bitcast %get3A_614 : vector<16xi32> to vector<32xbf16>
        %get3A_616 = arith.index_cast %add3A_611 : i32 to index
        %get3A_617 = arith.constant 0 : index
        %get3A_618 = tpu.vector_load %arg11[%get3A_616, %get3A_617] {strides = array<i32>} : memref<80x64xi32, #tpu.memory_space<vmem>>, vector<16xi32>,
        %bitcast3A_619 = vector.bitcast %get3A_618 : vector<16xi32> to vector<32xbf16>
        %mul3A_620 = arith.mulf %bitcast3A_615, %bitcast3A_619 : vector<32xbf16>
        %get3A_621 = arith.index_cast %add3A_611 : i32 to index
        %get3A_622 = arith.constant 16 : index
        %get3A_623 = tpu.vector_load %arg10[%get3A_621, %get3A_622] {strides = array<i32>} : memref<80x64xi32, #tpu.memory_space<vmem>>, vector<16xi32>,
        %bitcast3A_624 = vector.bitcast %get3A_623 : vector<16xi32> to vector<32xbf16>
        %get3A_625 = arith.index_cast %add3A_611 : i32 to index
        %get3A_626 = arith.constant 16 : index
        %get3A_627 = tpu.vector_load %arg11[%get3A_625, %get3A_626] {strides = array<i32>} : memref<80x64xi32, #tpu.memory_space<vmem>>, vector<16xi32>,
        %bitcast3A_628 = vector.bitcast %get3A_627 : vector<16xi32> to vector<32xbf16>
        %mul3A_629 = arith.mulf %bitcast3A_624, %bitcast3A_628 : vector<32xbf16>
        %add3A_630 = arith.addf %mul3A_620, %mul3A_629 : vector<32xbf16>
        %get3A_631 = arith.index_cast %add3A_611 : i32 to index
        %get3A_632 = arith.constant 32 : index
        %get3A_633 = tpu.vector_load %arg10[%get3A_631, %get3A_632] {strides = array<i32>} : memref<80x64xi32, #tpu.memory_space<vmem>>, vector<16xi32>,
        %bitcast3A_634 = vector.bitcast %get3A_633 : vector<16xi32> to vector<32xbf16>
        %get3A_635 = arith.index_cast %add3A_611 : i32 to index
        %get3A_636 = arith.constant 32 : index
        %get3A_637 = tpu.vector_load %arg11[%get3A_635, %get3A_636] {strides = array<i32>} : memref<80x64xi32, #tpu.memory_space<vmem>>, vector<16xi32>,
        %bitcast3A_638 = vector.bitcast %get3A_637 : vector<16xi32> to vector<32xbf16>
        %mul3A_639 = arith.mulf %bitcast3A_634, %bitcast3A_638 : vector<32xbf16>
        %add3A_640 = arith.addf %add3A_630, %mul3A_639 : vector<32xbf16>
        %get3A_641 = arith.index_cast %add3A_611 : i32 to index
        %get3A_642 = arith.constant 48 : index
        %get3A_643 = tpu.vector_load %arg10[%get3A_641, %get3A_642] {strides = array<i32>} : memref<80x64xi32, #tpu.memory_space<vmem>>, vector<16xi32>,
        %bitcast3A_644 = vector.bitcast %get3A_643 : vector<16xi32> to vector<32xbf16>
        %get3A_645 = arith.index_cast %add3A_611 : i32 to index
        %get3A_646 = arith.constant 48 : index
        %get3A_647 = tpu.vector_load %arg11[%get3A_645, %get3A_646] {strides = array<i32>} : memref<80x64xi32, #tpu.memory_space<vmem>>, vector<16xi32>,
        %bitcast3A_648 = vector.bitcast %get3A_647 : vector<16xi32> to vector<32xbf16>
        %mul3A_649 = arith.mulf %bitcast3A_644, %bitcast3A_648 : vector<32xbf16>
        %add3A_650 = arith.addf %add3A_640, %mul3A_649 : vector<32xbf16>
        %bitcast3A_651 = vector.bitcast %add3A_650 : vector<32xbf16> to vector<16xi32>
        %swap3A_652 = arith.constant 11 : i32
        %swap3A_653 = arith.index_cast %swap3A_652 : i32 to index
        %swap3A_654 = arith.constant 0 : index
        %swap3A_655 = tpu.vector_load %arg12[%swap3A_653, %swap3A_654] {strides = array<i32>} : memref<16x16xi32, #tpu.memory_space<vmem>>, vector<16xi32>,
        tpu.vector_store %arg12[%swap3A_653, %swap3A_654], %bitcast3A_651 {strides = array<i32>} : memref<16x16xi32, #tpu.memory_space<vmem>>, vector<16xi32>,
        %add3A_656 = arith.constant 12 : i32
        %add3A_657 = arith.addi %mul3A_106, %add3A_656 : i32
        %get3A_658 = arith.index_cast %add3A_657 : i32 to index
        %get3A_659 = arith.constant 0 : index
        %get3A_660 = tpu.vector_load %arg10[%get3A_658, %get3A_659] {strides = array<i32>} : memref<80x64xi32, #tpu.memory_space<vmem>>, vector<16xi32>,
        %bitcast3A_661 = vector.bitcast %get3A_660 : vector<16xi32> to vector<32xbf16>
        %get3A_662 = arith.index_cast %add3A_657 : i32 to index
        %get3A_663 = arith.constant 0 : index
        %get3A_664 = tpu.vector_load %arg11[%get3A_662, %get3A_663] {strides = array<i32>} : memref<80x64xi32, #tpu.memory_space<vmem>>, vector<16xi32>,
        %bitcast3A_665 = vector.bitcast %get3A_664 : vector<16xi32> to vector<32xbf16>
        %mul3A_666 = arith.mulf %bitcast3A_661, %bitcast3A_665 : vector<32xbf16>
        %get3A_667 = arith.index_cast %add3A_657 : i32 to index
        %get3A_668 = arith.constant 16 : index
        %get3A_669 = tpu.vector_load %arg10[%get3A_667, %get3A_668] {strides = array<i32>} : memref<80x64xi32, #tpu.memory_space<vmem>>, vector<16xi32>,
        %bitcast3A_670 = vector.bitcast %get3A_669 : vector<16xi32> to vector<32xbf16>
        %get3A_671 = arith.index_cast %add3A_657 : i32 to index
        %get3A_672 = arith.constant 16 : index
        %get3A_673 = tpu.vector_load %arg11[%get3A_671, %get3A_672] {strides = array<i32>} : memref<80x64xi32, #tpu.memory_space<vmem>>, vector<16xi32>,
        %bitcast3A_674 = vector.bitcast %get3A_673 : vector<16xi32> to vector<32xbf16>
        %mul3A_675 = arith.mulf %bitcast3A_670, %bitcast3A_674 : vector<32xbf16>
        %add3A_676 = arith.addf %mul3A_666, %mul3A_675 : vector<32xbf16>
        %get3A_677 = arith.index_cast %add3A_657 : i32 to index
        %get3A_678 = arith.constant 32 : index
        %get3A_679 = tpu.vector_load %arg10[%get3A_677, %get3A_678] {strides = array<i32>} : memref<80x64xi32, #tpu.memory_space<vmem>>, vector<16xi32>,
        %bitcast3A_680 = vector.bitcast %get3A_679 : vector<16xi32> to vector<32xbf16>
        %get3A_681 = arith.index_cast %add3A_657 : i32 to index
        %get3A_682 = arith.constant 32 : index
        %get3A_683 = tpu.vector_load %arg11[%get3A_681, %get3A_682] {strides = array<i32>} : memref<80x64xi32, #tpu.memory_space<vmem>>, vector<16xi32>,
        %bitcast3A_684 = vector.bitcast %get3A_683 : vector<16xi32> to vector<32xbf16>
        %mul3A_685 = arith.mulf %bitcast3A_680, %bitcast3A_684 : vector<32xbf16>
        %add3A_686 = arith.addf %add3A_676, %mul3A_685 : vector<32xbf16>
        %get3A_687 = arith.index_cast %add3A_657 : i32 to index
        %get3A_688 = arith.constant 48 : index
        %get3A_689 = tpu.vector_load %arg10[%get3A_687, %get3A_688] {strides = array<i32>} : memref<80x64xi32, #tpu.memory_space<vmem>>, vector<16xi32>,
        %bitcast3A_690 = vector.bitcast %get3A_689 : vector<16xi32> to vector<32xbf16>
        %get3A_691 = arith.index_cast %add3A_657 : i32 to index
        %get3A_692 = arith.constant 48 : index
        %get3A_693 = tpu.vector_load %arg11[%get3A_691, %get3A_692] {strides = array<i32>} : memref<80x64xi32, #tpu.memory_space<vmem>>, vector<16xi32>,
        %bitcast3A_694 = vector.bitcast %get3A_693 : vector<16xi32> to vector<32xbf16>
        %mul3A_695 = arith.mulf %bitcast3A_690, %bitcast3A_694 : vector<32xbf16>
        %add3A_696 = arith.addf %add3A_686, %mul3A_695 : vector<32xbf16>
        %bitcast3A_697 = vector.bitcast %add3A_696 : vector<32xbf16> to vector<16xi32>
        %swap3A_698 = arith.constant 12 : i32
        %swap3A_699 = arith.index_cast %swap3A_698 : i32 to index
        %swap3A_700 = arith.constant 0 : index
        %swap3A_701 = tpu.vector_load %arg12[%swap3A_699, %swap3A_700] {strides = array<i32>} : memref<16x16xi32, #tpu.memory_space<vmem>>, vector<16xi32>,
        tpu.vector_store %arg12[%swap3A_699, %swap3A_700], %bitcast3A_697 {strides = array<i32>} : memref<16x16xi32, #tpu.memory_space<vmem>>, vector<16xi32>,
        %add3A_702 = arith.constant 13 : i32
        %add3A_703 = arith.addi %mul3A_106, %add3A_702 : i32
        %get3A_704 = arith.index_cast %add3A_703 : i32 to index
        %get3A_705 = arith.constant 0 : index
        %get3A_706 = tpu.vector_load %arg10[%get3A_704, %get3A_705] {strides = array<i32>} : memref<80x64xi32, #tpu.memory_space<vmem>>, vector<16xi32>,
        %bitcast3A_707 = vector.bitcast %get3A_706 : vector<16xi32> to vector<32xbf16>
        %get3A_708 = arith.index_cast %add3A_703 : i32 to index
        %get3A_709 = arith.constant 0 : index
        %get3A_710 = tpu.vector_load %arg11[%get3A_708, %get3A_709] {strides = array<i32>} : memref<80x64xi32, #tpu.memory_space<vmem>>, vector<16xi32>,
        %bitcast3A_711 = vector.bitcast %get3A_710 : vector<16xi32> to vector<32xbf16>
        %mul3A_712 = arith.mulf %bitcast3A_707, %bitcast3A_711 : vector<32xbf16>
        %get3A_713 = arith.index_cast %add3A_703 : i32 to index
        %get3A_714 = arith.constant 16 : index
        %get3A_715 = tpu.vector_load %arg10[%get3A_713, %get3A_714] {strides = array<i32>} : memref<80x64xi32, #tpu.memory_space<vmem>>, vector<16xi32>,
        %bitcast3A_716 = vector.bitcast %get3A_715 : vector<16xi32> to vector<32xbf16>
        %get3A_717 = arith.index_cast %add3A_703 : i32 to index
        %get3A_718 = arith.constant 16 : index
        %get3A_719 = tpu.vector_load %arg11[%get3A_717, %get3A_718] {strides = array<i32>} : memref<80x64xi32, #tpu.memory_space<vmem>>, vector<16xi32>,
        %bitcast3A_720 = vector.bitcast %get3A_719 : vector<16xi32> to vector<32xbf16>
        %mul3A_721 = arith.mulf %bitcast3A_716, %bitcast3A_720 : vector<32xbf16>
        %add3A_722 = arith.addf %mul3A_712, %mul3A_721 : vector<32xbf16>
        %get3A_723 = arith.index_cast %add3A_703 : i32 to index
        %get3A_724 = arith.constant 32 : index
        %get3A_725 = tpu.vector_load %arg10[%get3A_723, %get3A_724] {strides = array<i32>} : memref<80x64xi32, #tpu.memory_space<vmem>>, vector<16xi32>,
        %bitcast3A_726 = vector.bitcast %get3A_725 : vector<16xi32> to vector<32xbf16>
        %get3A_727 = arith.index_cast %add3A_703 : i32 to index
        %get3A_728 = arith.constant 32 : index
        %get3A_729 = tpu.vector_load %arg11[%get3A_727, %get3A_728] {strides = array<i32>} : memref<80x64xi32, #tpu.memory_space<vmem>>, vector<16xi32>,
        %bitcast3A_730 = vector.bitcast %get3A_729 : vector<16xi32> to vector<32xbf16>
        %mul3A_731 = arith.mulf %bitcast3A_726, %bitcast3A_730 : vector<32xbf16>
        %add3A_732 = arith.addf %add3A_722, %mul3A_731 : vector<32xbf16>
        %get3A_733 = arith.index_cast %add3A_703 : i32 to index
        %get3A_734 = arith.constant 48 : index
        %get3A_735 = tpu.vector_load %arg10[%get3A_733, %get3A_734] {strides = array<i32>} : memref<80x64xi32, #tpu.memory_space<vmem>>, vector<16xi32>,
        %bitcast3A_736 = vector.bitcast %get3A_735 : vector<16xi32> to vector<32xbf16>
        %get3A_737 = arith.index_cast %add3A_703 : i32 to index
        %get3A_738 = arith.constant 48 : index
        %get3A_739 = tpu.vector_load %arg11[%get3A_737, %get3A_738] {strides = array<i32>} : memref<80x64xi32, #tpu.memory_space<vmem>>, vector<16xi32>,
        %bitcast3A_740 = vector.bitcast %get3A_739 : vector<16xi32> to vector<32xbf16>
        %mul3A_741 = arith.mulf %bitcast3A_736, %bitcast3A_740 : vector<32xbf16>
        %add3A_742 = arith.addf %add3A_732, %mul3A_741 : vector<32xbf16>
        %bitcast3A_743 = vector.bitcast %add3A_742 : vector<32xbf16> to vector<16xi32>
        %swap3A_744 = arith.constant 13 : i32
        %swap3A_745 = arith.index_cast %swap3A_744 : i32 to index
        %swap3A_746 = arith.constant 0 : index
        %swap3A_747 = tpu.vector_load %arg12[%swap3A_745, %swap3A_746] {strides = array<i32>} : memref<16x16xi32, #tpu.memory_space<vmem>>, vector<16xi32>,
        tpu.vector_store %arg12[%swap3A_745, %swap3A_746], %bitcast3A_743 {strides = array<i32>} : memref<16x16xi32, #tpu.memory_space<vmem>>, vector<16xi32>,
        %add3A_748 = arith.constant 14 : i32
        %add3A_749 = arith.addi %mul3A_106, %add3A_748 : i32
        %get3A_750 = arith.index_cast %add3A_749 : i32 to index
        %get3A_751 = arith.constant 0 : index
        %get3A_752 = tpu.vector_load %arg10[%get3A_750, %get3A_751] {strides = array<i32>} : memref<80x64xi32, #tpu.memory_space<vmem>>, vector<16xi32>,
        %bitcast3A_753 = vector.bitcast %get3A_752 : vector<16xi32> to vector<32xbf16>
        %get3A_754 = arith.index_cast %add3A_749 : i32 to index
        %get3A_755 = arith.constant 0 : index
        %get3A_756 = tpu.vector_load %arg11[%get3A_754, %get3A_755] {strides = array<i32>} : memref<80x64xi32, #tpu.memory_space<vmem>>, vector<16xi32>,
        %bitcast3A_757 = vector.bitcast %get3A_756 : vector<16xi32> to vector<32xbf16>
        %mul3A_758 = arith.mulf %bitcast3A_753, %bitcast3A_757 : vector<32xbf16>
        %get3A_759 = arith.index_cast %add3A_749 : i32 to index
        %get3A_760 = arith.constant 16 : index
        %get3A_761 = tpu.vector_load %arg10[%get3A_759, %get3A_760] {strides = array<i32>} : memref<80x64xi32, #tpu.memory_space<vmem>>, vector<16xi32>,
        %bitcast3A_762 = vector.bitcast %get3A_761 : vector<16xi32> to vector<32xbf16>
        %get3A_763 = arith.index_cast %add3A_749 : i32 to index
        %get3A_764 = arith.constant 16 : index
        %get3A_765 = tpu.vector_load %arg11[%get3A_763, %get3A_764] {strides = array<i32>} : memref<80x64xi32, #tpu.memory_space<vmem>>, vector<16xi32>,
        %bitcast3A_766 = vector.bitcast %get3A_765 : vector<16xi32> to vector<32xbf16>
        %mul3A_767 = arith.mulf %bitcast3A_762, %bitcast3A_766 : vector<32xbf16>
        %add3A_768 = arith.addf %mul3A_758, %mul3A_767 : vector<32xbf16>
        %get3A_769 = arith.index_cast %add3A_749 : i32 to index
        %get3A_770 = arith.constant 32 : index
        %get3A_771 = tpu.vector_load %arg10[%get3A_769, %get3A_770] {strides = array<i32>} : memref<80x64xi32, #tpu.memory_space<vmem>>, vector<16xi32>,
        %bitcast3A_772 = vector.bitcast %get3A_771 : vector<16xi32> to vector<32xbf16>
        %get3A_773 = arith.index_cast %add3A_749 : i32 to index
        %get3A_774 = arith.constant 32 : index
        %get3A_775 = tpu.vector_load %arg11[%get3A_773, %get3A_774] {strides = array<i32>} : memref<80x64xi32, #tpu.memory_space<vmem>>, vector<16xi32>,
        %bitcast3A_776 = vector.bitcast %get3A_775 : vector<16xi32> to vector<32xbf16>
        %mul3A_777 = arith.mulf %bitcast3A_772, %bitcast3A_776 : vector<32xbf16>
        %add3A_778 = arith.addf %add3A_768, %mul3A_777 : vector<32xbf16>
        %get3A_779 = arith.index_cast %add3A_749 : i32 to index
        %get3A_780 = arith.constant 48 : index
        %get3A_781 = tpu.vector_load %arg10[%get3A_779, %get3A_780] {strides = array<i32>} : memref<80x64xi32, #tpu.memory_space<vmem>>, vector<16xi32>,
        %bitcast3A_782 = vector.bitcast %get3A_781 : vector<16xi32> to vector<32xbf16>
        %get3A_783 = arith.index_cast %add3A_749 : i32 to index
        %get3A_784 = arith.constant 48 : index
        %get3A_785 = tpu.vector_load %arg11[%get3A_783, %get3A_784] {strides = array<i32>} : memref<80x64xi32, #tpu.memory_space<vmem>>, vector<16xi32>,
        %bitcast3A_786 = vector.bitcast %get3A_785 : vector<16xi32> to vector<32xbf16>
        %mul3A_787 = arith.mulf %bitcast3A_782, %bitcast3A_786 : vector<32xbf16>
        %add3A_788 = arith.addf %add3A_778, %mul3A_787 : vector<32xbf16>
        %bitcast3A_789 = vector.bitcast %add3A_788 : vector<32xbf16> to vector<16xi32>
        %swap3A_790 = arith.constant 14 : i32
        %swap3A_791 = arith.index_cast %swap3A_790 : i32 to index
        %swap3A_792 = arith.constant 0 : index
        %swap3A_793 = tpu.vector_load %arg12[%swap3A_791, %swap3A_792] {strides = array<i32>} : memref<16x16xi32, #tpu.memory_space<vmem>>, vector<16xi32>,
        tpu.vector_store %arg12[%swap3A_791, %swap3A_792], %bitcast3A_789 {strides = array<i32>} : memref<16x16xi32, #tpu.memory_space<vmem>>, vector<16xi32>,
        %add3A_794 = arith.constant 15 : i32
        %add3A_795 = arith.addi %mul3A_106, %add3A_794 : i32
        %get3A_796 = arith.index_cast %add3A_795 : i32 to index
        %get3A_797 = arith.constant 0 : index
        %get3A_798 = tpu.vector_load %arg10[%get3A_796, %get3A_797] {strides = array<i32>} : memref<80x64xi32, #tpu.memory_space<vmem>>, vector<16xi32>,
        %bitcast3A_799 = vector.bitcast %get3A_798 : vector<16xi32> to vector<32xbf16>
        %get3A_800 = arith.index_cast %add3A_795 : i32 to index
        %get3A_801 = arith.constant 0 : index
        %get3A_802 = tpu.vector_load %arg11[%get3A_800, %get3A_801] {strides = array<i32>} : memref<80x64xi32, #tpu.memory_space<vmem>>, vector<16xi32>,
        %bitcast3A_803 = vector.bitcast %get3A_802 : vector<16xi32> to vector<32xbf16>
        %mul3A_804 = arith.mulf %bitcast3A_799, %bitcast3A_803 : vector<32xbf16>
        %get3A_805 = arith.index_cast %add3A_795 : i32 to index
        %get3A_806 = arith.constant 16 : index
        %get3A_807 = tpu.vector_load %arg10[%get3A_805, %get3A_806] {strides = array<i32>} : memref<80x64xi32, #tpu.memory_space<vmem>>, vector<16xi32>,
        %bitcast3A_808 = vector.bitcast %get3A_807 : vector<16xi32> to vector<32xbf16>
        %get3A_809 = arith.index_cast %add3A_795 : i32 to index
        %get3A_810 = arith.constant 16 : index
        %get3A_811 = tpu.vector_load %arg11[%get3A_809, %get3A_810] {strides = array<i32>} : memref<80x64xi32, #tpu.memory_space<vmem>>, vector<16xi32>,
        %bitcast3A_812 = vector.bitcast %get3A_811 : vector<16xi32> to vector<32xbf16>
        %mul3A_813 = arith.mulf %bitcast3A_808, %bitcast3A_812 : vector<32xbf16>
        %add3A_814 = arith.addf %mul3A_804, %mul3A_813 : vector<32xbf16>
        %get3A_815 = arith.index_cast %add3A_795 : i32 to index
        %get3A_816 = arith.constant 32 : index
        %get3A_817 = tpu.vector_load %arg10[%get3A_815, %get3A_816] {strides = array<i32>} : memref<80x64xi32, #tpu.memory_space<vmem>>, vector<16xi32>,
        %bitcast3A_818 = vector.bitcast %get3A_817 : vector<16xi32> to vector<32xbf16>
        %get3A_819 = arith.index_cast %add3A_795 : i32 to index
        %get3A_820 = arith.constant 32 : index
        %get3A_821 = tpu.vector_load %arg11[%get3A_819, %get3A_820] {strides = array<i32>} : memref<80x64xi32, #tpu.memory_space<vmem>>, vector<16xi32>,
        %bitcast3A_822 = vector.bitcast %get3A_821 : vector<16xi32> to vector<32xbf16>
        %mul3A_823 = arith.mulf %bitcast3A_818, %bitcast3A_822 : vector<32xbf16>
        %add3A_824 = arith.addf %add3A_814, %mul3A_823 : vector<32xbf16>
        %get3A_825 = arith.index_cast %add3A_795 : i32 to index
        %get3A_826 = arith.constant 48 : index
        %get3A_827 = tpu.vector_load %arg10[%get3A_825, %get3A_826] {strides = array<i32>} : memref<80x64xi32, #tpu.memory_space<vmem>>, vector<16xi32>,
        %bitcast3A_828 = vector.bitcast %get3A_827 : vector<16xi32> to vector<32xbf16>
        %get3A_829 = arith.index_cast %add3A_795 : i32 to index
        %get3A_830 = arith.constant 48 : index
        %get3A_831 = tpu.vector_load %arg11[%get3A_829, %get3A_830] {strides = array<i32>} : memref<80x64xi32, #tpu.memory_space<vmem>>, vector<16xi32>,
        %bitcast3A_832 = vector.bitcast %get3A_831 : vector<16xi32> to vector<32xbf16>
        %mul3A_833 = arith.mulf %bitcast3A_828, %bitcast3A_832 : vector<32xbf16>
        %add3A_834 = arith.addf %add3A_824, %mul3A_833 : vector<32xbf16>
        %bitcast3A_835 = vector.bitcast %add3A_834 : vector<32xbf16> to vector<16xi32>
        %swap3A_836 = arith.constant 15 : i32
        %swap3A_837 = arith.index_cast %swap3A_836 : i32 to index
        %swap3A_838 = arith.constant 0 : index
        %swap3A_839 = tpu.vector_load %arg12[%swap3A_837, %swap3A_838] {strides = array<i32>} : memref<16x16xi32, #tpu.memory_space<vmem>>, vector<16xi32>,
        tpu.vector_store %arg12[%swap3A_837, %swap3A_838], %bitcast3A_835 {strides = array<i32>} : memref<16x16xi32, #tpu.memory_space<vmem>>, vector<16xi32>,
        %broadcast_in_dim3A = arith.constant 0 : i32
        %broadcast_in_dim3A_840 = vector.broadcast %broadcast_in_dim3A : i32 to vector<16xi32>
        %gather3A = tpu.vector_load_idx %arg12[%iota3A, %broadcast_in_dim3A_840] : memref<16x16xi32, #tpu.memory_space<vmem>>[vector<16xi32>, vector<16xi32>], vector<16xi32>,
        %bitcast3A_841 = vector.bitcast %gather3A : vector<16xi32> to vector<32xbf16>
        %broadcast_in_dim3A_842 = arith.constant 1 : i32
        %broadcast_in_dim3A_843 = vector.broadcast %broadcast_in_dim3A_842 : i32 to vector<16xi32>
        %gather3A_844 = tpu.vector_load_idx %arg12[%iota3A, %broadcast_in_dim3A_843] : memref<16x16xi32, #tpu.memory_space<vmem>>[vector<16xi32>, vector<16xi32>], vector<16xi32>,
        %bitcast3A_845 = vector.bitcast %gather3A_844 : vector<16xi32> to vector<32xbf16>
        %add3A_846 = arith.addf %bitcast3A_841, %bitcast3A_845 : vector<32xbf16>
        %broadcast_in_dim3A_847 = arith.constant 2 : i32
        %broadcast_in_dim3A_848 = vector.broadcast %broadcast_in_dim3A_847 : i32 to vector<16xi32>
        %gather3A_849 = tpu.vector_load_idx %arg12[%iota3A, %broadcast_in_dim3A_848] : memref<16x16xi32, #tpu.memory_space<vmem>>[vector<16xi32>, vector<16xi32>], vector<16xi32>,
        %bitcast3A_850 = vector.bitcast %gather3A_849 : vector<16xi32> to vector<32xbf16>
        %add3A_851 = arith.addf %add3A_846, %bitcast3A_850 : vector<32xbf16>
        %broadcast_in_dim3A_852 = arith.constant 3 : i32
        %broadcast_in_dim3A_853 = vector.broadcast %broadcast_in_dim3A_852 : i32 to vector<16xi32>
        %gather3A_854 = tpu.vector_load_idx %arg12[%iota3A, %broadcast_in_dim3A_853] : memref<16x16xi32, #tpu.memory_space<vmem>>[vector<16xi32>, vector<16xi32>], vector<16xi32>,
        %bitcast3A_855 = vector.bitcast %gather3A_854 : vector<16xi32> to vector<32xbf16>
        %add3A_856 = arith.addf %add3A_851, %bitcast3A_855 : vector<32xbf16>
        %unpack3A = tpu.unpack_subelements %add3A_856, 0 {pack_format = #tpu.pack_format<interleaved>} : vector<32xbf16> -> vector<16xf32>
        %unpack3A_857 = tpu.unpack_subelements %add3A_856, 1 {pack_format = #tpu.pack_format<interleaved>} : vector<32xbf16> -> vector<16xf32>
        %add3A_858 = arith.addf %unpack3A, %unpack3A_857 : vector<16xf32>
        %broadcast_in_dim3A_859 = arith.constant 4 : i32
        %broadcast_in_dim3A_860 = vector.broadcast %broadcast_in_dim3A_859 : i32 to vector<16xi32>
        %gather3A_861 = tpu.vector_load_idx %arg12[%iota3A, %broadcast_in_dim3A_860] : memref<16x16xi32, #tpu.memory_space<vmem>>[vector<16xi32>, vector<16xi32>], vector<16xi32>,
        %bitcast3A_862 = vector.bitcast %gather3A_861 : vector<16xi32> to vector<32xbf16>
        %broadcast_in_dim3A_863 = arith.constant 5 : i32
        %broadcast_in_dim3A_864 = vector.broadcast %broadcast_in_dim3A_863 : i32 to vector<16xi32>
        %gather3A_865 = tpu.vector_load_idx %arg12[%iota3A, %broadcast_in_dim3A_864] : memref<16x16xi32, #tpu.memory_space<vmem>>[vector<16xi32>, vector<16xi32>], vector<16xi32>,
        %bitcast3A_866 = vector.bitcast %gather3A_865 : vector<16xi32> to vector<32xbf16>
        %add3A_867 = arith.addf %bitcast3A_862, %bitcast3A_866 : vector<32xbf16>
        %broadcast_in_dim3A_868 = arith.constant 6 : i32
        %broadcast_in_dim3A_869 = vector.broadcast %broadcast_in_dim3A_868 : i32 to vector<16xi32>
        %gather3A_870 = tpu.vector_load_idx %arg12[%iota3A, %broadcast_in_dim3A_869] : memref<16x16xi32, #tpu.memory_space<vmem>>[vector<16xi32>, vector<16xi32>], vector<16xi32>,
        %bitcast3A_871 = vector.bitcast %gather3A_870 : vector<16xi32> to vector<32xbf16>
        %add3A_872 = arith.addf %add3A_867, %bitcast3A_871 : vector<32xbf16>
        %broadcast_in_dim3A_873 = arith.constant 7 : i32
        %broadcast_in_dim3A_874 = vector.broadcast %broadcast_in_dim3A_873 : i32 to vector<16xi32>
        %gather3A_875 = tpu.vector_load_idx %arg12[%iota3A, %broadcast_in_dim3A_874] : memref<16x16xi32, #tpu.memory_space<vmem>>[vector<16xi32>, vector<16xi32>], vector<16xi32>,
        %bitcast3A_876 = vector.bitcast %gather3A_875 : vector<16xi32> to vector<32xbf16>
        %add3A_877 = arith.addf %add3A_872, %bitcast3A_876 : vector<32xbf16>
        %unpack3A_878 = tpu.unpack_subelements %add3A_877, 0 {pack_format = #tpu.pack_format<interleaved>} : vector<32xbf16> -> vector<16xf32>
        %unpack3A_879 = tpu.unpack_subelements %add3A_877, 1 {pack_format = #tpu.pack_format<interleaved>} : vector<32xbf16> -> vector<16xf32>
        %add3A_880 = arith.addf %unpack3A_878, %unpack3A_879 : vector<16xf32>
        %add3A_881 = arith.addf %add3A_858, %add3A_880 : vector<16xf32>
        %broadcast_in_dim3A_882 = arith.constant 8 : i32
        %broadcast_in_dim3A_883 = vector.broadcast %broadcast_in_dim3A_882 : i32 to vector<16xi32>
        %gather3A_884 = tpu.vector_load_idx %arg12[%iota3A, %broadcast_in_dim3A_883] : memref<16x16xi32, #tpu.memory_space<vmem>>[vector<16xi32>, vector<16xi32>], vector<16xi32>,
        %bitcast3A_885 = vector.bitcast %gather3A_884 : vector<16xi32> to vector<32xbf16>
        %broadcast_in_dim3A_886 = arith.constant 9 : i32
        %broadcast_in_dim3A_887 = vector.broadcast %broadcast_in_dim3A_886 : i32 to vector<16xi32>
        %gather3A_888 = tpu.vector_load_idx %arg12[%iota3A, %broadcast_in_dim3A_887] : memref<16x16xi32, #tpu.memory_space<vmem>>[vector<16xi32>, vector<16xi32>], vector<16xi32>,
        %bitcast3A_889 = vector.bitcast %gather3A_888 : vector<16xi32> to vector<32xbf16>
        %add3A_890 = arith.addf %bitcast3A_885, %bitcast3A_889 : vector<32xbf16>
        %broadcast_in_dim3A_891 = arith.constant 10 : i32
        %broadcast_in_dim3A_892 = vector.broadcast %broadcast_in_dim3A_891 : i32 to vector<16xi32>
        %gather3A_893 = tpu.vector_load_idx %arg12[%iota3A, %broadcast_in_dim3A_892] : memref<16x16xi32, #tpu.memory_space<vmem>>[vector<16xi32>, vector<16xi32>], vector<16xi32>,
        %bitcast3A_894 = vector.bitcast %gather3A_893 : vector<16xi32> to vector<32xbf16>
        %add3A_895 = arith.addf %add3A_890, %bitcast3A_894 : vector<32xbf16>
        %broadcast_in_dim3A_896 = arith.constant 11 : i32
        %broadcast_in_dim3A_897 = vector.broadcast %broadcast_in_dim3A_896 : i32 to vector<16xi32>
        %gather3A_898 = tpu.vector_load_idx %arg12[%iota3A, %broadcast_in_dim3A_897] : memref<16x16xi32, #tpu.memory_space<vmem>>[vector<16xi32>, vector<16xi32>], vector<16xi32>,
        %bitcast3A_899 = vector.bitcast %gather3A_898 : vector<16xi32> to vector<32xbf16>
        %add3A_900 = arith.addf %add3A_895, %bitcast3A_899 : vector<32xbf16>
        %unpack3A_901 = tpu.unpack_subelements %add3A_900, 0 {pack_format = #tpu.pack_format<interleaved>} : vector<32xbf16> -> vector<16xf32>
        %unpack3A_902 = tpu.unpack_subelements %add3A_900, 1 {pack_format = #tpu.pack_format<interleaved>} : vector<32xbf16> -> vector<16xf32>
        %add3A_903 = arith.addf %unpack3A_901, %unpack3A_902 : vector<16xf32>
        %add3A_904 = arith.addf %add3A_881, %add3A_903 : vector<16xf32>
        %broadcast_in_dim3A_905 = arith.constant 12 : i32
        %broadcast_in_dim3A_906 = vector.broadcast %broadcast_in_dim3A_905 : i32 to vector<16xi32>
        %gather3A_907 = tpu.vector_load_idx %arg12[%iota3A, %broadcast_in_dim3A_906] : memref<16x16xi32, #tpu.memory_space<vmem>>[vector<16xi32>, vector<16xi32>], vector<16xi32>,
        %bitcast3A_908 = vector.bitcast %gather3A_907 : vector<16xi32> to vector<32xbf16>
        %broadcast_in_dim3A_909 = arith.constant 13 : i32
        %broadcast_in_dim3A_910 = vector.broadcast %broadcast_in_dim3A_909 : i32 to vector<16xi32>
        %gather3A_911 = tpu.vector_load_idx %arg12[%iota3A, %broadcast_in_dim3A_910] : memref<16x16xi32, #tpu.memory_space<vmem>>[vector<16xi32>, vector<16xi32>], vector<16xi32>,
        %bitcast3A_912 = vector.bitcast %gather3A_911 : vector<16xi32> to vector<32xbf16>
        %add3A_913 = arith.addf %bitcast3A_908, %bitcast3A_912 : vector<32xbf16>
        %broadcast_in_dim3A_914 = arith.constant 14 : i32
        %broadcast_in_dim3A_915 = vector.broadcast %broadcast_in_dim3A_914 : i32 to vector<16xi32>
        %gather3A_916 = tpu.vector_load_idx %arg12[%iota3A, %broadcast_in_dim3A_915] : memref<16x16xi32, #tpu.memory_space<vmem>>[vector<16xi32>, vector<16xi32>], vector<16xi32>,
        %bitcast3A_917 = vector.bitcast %gather3A_916 : vector<16xi32> to vector<32xbf16>
        %add3A_918 = arith.addf %add3A_913, %bitcast3A_917 : vector<32xbf16>
        %broadcast_in_dim3A_919 = arith.constant 15 : i32
        %broadcast_in_dim3A_920 = vector.broadcast %broadcast_in_dim3A_919 : i32 to vector<16xi32>
        %gather3A_921 = tpu.vector_load_idx %arg12[%iota3A, %broadcast_in_dim3A_920] : memref<16x16xi32, #tpu.memory_space<vmem>>[vector<16xi32>, vector<16xi32>], vector<16xi32>,
        %bitcast3A_922 = vector.bitcast %gather3A_921 : vector<16xi32> to vector<32xbf16>
        %add3A_923 = arith.addf %add3A_918, %bitcast3A_922 : vector<32xbf16>
        %unpack3A_924 = tpu.unpack_subelements %add3A_923, 0 {pack_format = #tpu.pack_format<interleaved>} : vector<32xbf16> -> vector<16xf32>
        %unpack3A_925 = tpu.unpack_subelements %add3A_923, 1 {pack_format = #tpu.pack_format<interleaved>} : vector<32xbf16> -> vector<16xf32>
        %add3A_926 = arith.addf %unpack3A_924, %unpack3A_925 : vector<16xf32>
        %add3A_927 = arith.addf %add3A_904, %add3A_926 : vector<16xf32>
        %add3A_928 = arith.addi %mul3A_90, %mul3A_106 : i32
        %swap3A_929 = arith.index_cast %add3A_928 : i32 to index
        %swap3A_930 = tpu.vector_load %arg13[%swap3A_929] {strides = array<i32>} : memref<10000xf32, #tpu.memory_space<vmem>>, vector<16xf32>,
        tpu.vector_store %arg13[%swap3A_929], %add3A_927 {strides = array<i32>} : memref<10000xf32, #tpu.memory_space<vmem>>, vector<16xf32>,
      }
      %scan3A_96 = arith.constant 5 : i32
      %add3A_97 = arith.constant 2 : i32
      %add3A_98 = arith.addi %add3A_76, %add3A_97 : i32
      %lt3A_99 = arith.constant 125 : i32
      %lt3A_100 = arith.cmpi slt, %add3A_98, %lt3A_99 : i32
      %convert_element_type3A_101 = arith.extui %lt3A_100 : i1 to i32
      %cond3A_102 = arith.constant 0 : i32
      %cond3A_103 = arith.cmpi ne, %convert_element_type3A_101, %cond3A_102 : i32
      scf.if %cond3A_103 {
        %add3A_104 = arith.constant 2 : i32
        %add3A_105 = arith.addi %add3A_76, %add3A_104 : i32
        %mul3A_106 = arith.constant 80 : i32
        %mul3A_107 = arith.muli %add3A_105, %mul3A_106 : i32
        %dma_start3A_108 = tpu.memref_slice %arg6[%mul3A_107] : memref<10000xi32, #tpu.memory_space<vmem>> -> memref<80xi32, #tpu.memory_space<vmem>>
        %dma_start3A_109 = arith.constant 0 : i32
        %dma_start3A_110 = arith.constant 0 : i32
        %dma_start3A_111 = tpu.memref_slice %arg2[%dma_start3A_109, %dma_start3A_110] : memref<10000x64xi32, #tpu.memory_space<hbm>> -> memref<10000x64xi32, #tpu.memory_space<hbm>>
        tpu.enqueue_indirect_dma source(%dma_start3A_111 : memref<10000x64xi32, #tpu.memory_space<hbm>>) target(%arg10 : memref<80x64xi32, #tpu.memory_space<vmem>>) offsets(%dma_start3A_108 : memref<80xi32, #tpu.memory_space<vmem>>) semaphore(%arg15 : memref<!tpu.dma_semaphore, #tpu.memory_space<semaphore_mem>>)
        %dma_start3A_112 = tpu.memref_slice %arg7[%mul3A_107] : memref<10000xi32, #tpu.memory_space<vmem>> -> memref<80xi32, #tpu.memory_space<vmem>>
        %dma_start3A_113 = arith.constant 0 : i32
        %dma_start3A_114 = arith.constant 0 : i32
        %dma_start3A_115 = tpu.memref_slice %arg2[%dma_start3A_113, %dma_start3A_114] : memref<10000x64xi32, #tpu.memory_space<hbm>> -> memref<10000x64xi32, #tpu.memory_space<hbm>>
        tpu.enqueue_indirect_dma source(%dma_start3A_115 : memref<10000x64xi32, #tpu.memory_space<hbm>>) target(%arg11 : memref<80x64xi32, #tpu.memory_space<vmem>>) offsets(%dma_start3A_112 : memref<80xi32, #tpu.memory_space<vmem>>) semaphore(%arg15 : memref<!tpu.dma_semaphore, #tpu.memory_space<semaphore_mem>>)
      } else {
      }
    }
    %scan3A_26 = arith.constant 62 : i32
    %dma_wait3A = arith.constant 0 : i32
    %dma_wait3A_27 = arith.constant 0 : i32
    %dma_wait3A_28 = tpu.memref_slice %arg2[%dma_wait3A, %dma_wait3A_27] : memref<10000x64xi32, #tpu.memory_space<hbm>> -> memref<80x64xi32, #tpu.memory_space<hbm>>
    %dma_wait3A_29 = arith.constant 0 : i32
    %dma_wait3A_30 = arith.constant 0 : i32
    %dma_wait3A_31 = tpu.memref_slice %arg2[%dma_wait3A_29, %dma_wait3A_30] : memref<10000x64xi32, #tpu.memory_space<hbm>> -> memref<80x64xi32, #tpu.memory_space<hbm>>
    tpu.wait_dma2 semaphore(%arg14 : memref<!tpu.dma_semaphore, #tpu.memory_space<semaphore_mem>>) src(%dma_wait3A_31 : memref<80x64xi32, #tpu.memory_space<hbm>>) dst(%arg8 : memref<80x64xi32, #tpu.memory_space<vmem>>)
    %dma_wait3A_32 = arith.constant 0 : i32
    %dma_wait3A_33 = arith.constant 0 : i32
    %dma_wait3A_34 = tpu.memref_slice %arg2[%dma_wait3A_32, %dma_wait3A_33] : memref<10000x64xi32, #tpu.memory_space<hbm>> -> memref<80x64xi32, #tpu.memory_space<hbm>>
    %dma_wait3A_35 = arith.constant 0 : i32
    %dma_wait3A_36 = arith.constant 0 : i32
    %dma_wait3A_37 = tpu.memref_slice %arg2[%dma_wait3A_35, %dma_wait3A_36] : memref<10000x64xi32, #tpu.memory_space<hbm>> -> memref<80x64xi32, #tpu.memory_space<hbm>>
    tpu.wait_dma2 semaphore(%arg14 : memref<!tpu.dma_semaphore, #tpu.memory_space<semaphore_mem>>) src(%dma_wait3A_37 : memref<80x64xi32, #tpu.memory_space<hbm>>) dst(%arg9 : memref<80x64xi32, #tpu.memory_space<vmem>>)
    %scan3A_38 = arith.constant 0 : i32
    %scan3A_39 = arith.constant 0 : i32
    %scan3A_40 = arith.constant 5 : i32
    %scan3A_41 = arith.addi %scan3A_39, %scan3A_40 : i32
    %scan3A_42 = arith.constant 1 : i32
    scf.for %scan3A_44 = %scan3A_39 to %scan3A_41 step %scan3A_42  : i32 {
      %mul3A_45 = arith.constant 16 : i32
      %mul3A_46 = arith.muli %scan3A_44, %mul3A_45 : i32
      %add3A_47 = arith.constant 0 : i32
      %add3A_48 = arith.addi %mul3A_46, %add3A_47 : i32
      %get3A = arith.index_cast %add3A_48 : i32 to index
      %get3A_49 = arith.constant 0 : index
      %get3A_50 = tpu.vector_load %arg8[%get3A, %get3A_49] {strides = array<i32>} : memref<80x64xi32, #tpu.memory_space<vmem>>, vector<16xi32>,
      %bitcast3A = vector.bitcast %get3A_50 : vector<16xi32> to vector<32xbf16>
      %get3A_51 = arith.index_cast %add3A_48 : i32 to index
      %get3A_52 = arith.constant 0 : index
      %get3A_53 = tpu.vector_load %arg9[%get3A_51, %get3A_52] {strides = array<i32>} : memref<80x64xi32, #tpu.memory_space<vmem>>, vector<16xi32>,
      %bitcast3A_54 = vector.bitcast %get3A_53 : vector<16xi32> to vector<32xbf16>
      %mul3A_55 = arith.mulf %bitcast3A, %bitcast3A_54 : vector<32xbf16>
      %get3A_56 = arith.index_cast %add3A_48 : i32 to index
      %get3A_57 = arith.constant 16 : index
      %get3A_58 = tpu.vector_load %arg8[%get3A_56, %get3A_57] {strides = array<i32>} : memref<80x64xi32, #tpu.memory_space<vmem>>, vector<16xi32>,
      %bitcast3A_59 = vector.bitcast %get3A_58 : vector<16xi32> to vector<32xbf16>
      %get3A_60 = arith.index_cast %add3A_48 : i32 to index
      %get3A_61 = arith.constant 16 : index
      %get3A_62 = tpu.vector_load %arg9[%get3A_60, %get3A_61] {strides = array<i32>} : memref<80x64xi32, #tpu.memory_space<vmem>>, vector<16xi32>,
      %bitcast3A_63 = vector.bitcast %get3A_62 : vector<16xi32> to vector<32xbf16>
      %mul3A_64 = arith.mulf %bitcast3A_59, %bitcast3A_63 : vector<32xbf16>
      %add3A_65 = arith.addf %mul3A_55, %mul3A_64 : vector<32xbf16>
      %get3A_66 = arith.index_cast %add3A_48 : i32 to index
      %get3A_67 = arith.constant 32 : index
      %get3A_68 = tpu.vector_load %arg8[%get3A_66, %get3A_67] {strides = array<i32>} : memref<80x64xi32, #tpu.memory_space<vmem>>, vector<16xi32>,
      %bitcast3A_69 = vector.bitcast %get3A_68 : vector<16xi32> to vector<32xbf16>
      %get3A_70 = arith.index_cast %add3A_48 : i32 to index
      %get3A_71 = arith.constant 32 : index
      %get3A_72 = tpu.vector_load %arg9[%get3A_70, %get3A_71] {strides = array<i32>} : memref<80x64xi32, #tpu.memory_space<vmem>>, vector<16xi32>,
      %bitcast3A_73 = vector.bitcast %get3A_72 : vector<16xi32> to vector<32xbf16>
      %mul3A_74 = arith.mulf %bitcast3A_69, %bitcast3A_73 : vector<32xbf16>
      %add3A_75 = arith.addf %add3A_65, %mul3A_74 : vector<32xbf16>
      %get3A_76 = arith.index_cast %add3A_48 : i32 to index
      %get3A_77 = arith.constant 48 : index
      %get3A_78 = tpu.vector_load %arg8[%get3A_76, %get3A_77] {strides = array<i32>} : memref<80x64xi32, #tpu.memory_space<vmem>>, vector<16xi32>,
      %bitcast3A_79 = vector.bitcast %get3A_78 : vector<16xi32> to vector<32xbf16>
      %get3A_80 = arith.index_cast %add3A_48 : i32 to index
      %get3A_81 = arith.constant 48 : index
      %get3A_82 = tpu.vector_load %arg9[%get3A_80, %get3A_81] {strides = array<i32>} : memref<80x64xi32, #tpu.memory_space<vmem>>, vector<16xi32>,
      %bitcast3A_83 = vector.bitcast %get3A_82 : vector<16xi32> to vector<32xbf16>
      %mul3A_84 = arith.mulf %bitcast3A_79, %bitcast3A_83 : vector<32xbf16>
      %add3A_85 = arith.addf %add3A_75, %mul3A_84 : vector<32xbf16>
      %bitcast3A_86 = vector.bitcast %add3A_85 : vector<32xbf16> to vector<16xi32>
      %swap3A = arith.constant 0 : i32
      %swap3A_87 = arith.index_cast %swap3A : i32 to index
      %swap3A_88 = arith.constant 0 : index
      %swap3A_89 = tpu.vector_load %arg12[%swap3A_87, %swap3A_88] {strides = array<i32>} : memref<16x16xi32, #tpu.memory_space<vmem>>, vector<16xi32>,
      tpu.vector_store %arg12[%swap3A_87, %swap3A_88], %bitcast3A_86 {strides = array<i32>} : memref<16x16xi32, #tpu.memory_space<vmem>>, vector<16xi32>,
      %add3A_90 = arith.constant 1 : i32
      %add3A_91 = arith.addi %mul3A_46, %add3A_90 : i32
      %get3A_92 = arith.index_cast %add3A_91 : i32 to index
      %get3A_93 = arith.constant 0 : index
      %get3A_94 = tpu.vector_load %arg8[%get3A_92, %get3A_93] {strides = array<i32>} : memref<80x64xi32, #tpu.memory_space<vmem>>, vector<16xi32>,
      %bitcast3A_95 = vector.bitcast %get3A_94 : vector<16xi32> to vector<32xbf16>
      %get3A_96 = arith.index_cast %add3A_91 : i32 to index
      %get3A_97 = arith.constant 0 : index
      %get3A_98 = tpu.vector_load %arg9[%get3A_96, %get3A_97] {strides = array<i32>} : memref<80x64xi32, #tpu.memory_space<vmem>>, vector<16xi32>,
      %bitcast3A_99 = vector.bitcast %get3A_98 : vector<16xi32> to vector<32xbf16>
      %mul3A_100 = arith.mulf %bitcast3A_95, %bitcast3A_99 : vector<32xbf16>
      %get3A_101 = arith.index_cast %add3A_91 : i32 to index
      %get3A_102 = arith.constant 16 : index
      %get3A_103 = tpu.vector_load %arg8[%get3A_101, %get3A_102] {strides = array<i32>} : memref<80x64xi32, #tpu.memory_space<vmem>>, vector<16xi32>,
      %bitcast3A_104 = vector.bitcast %get3A_103 : vector<16xi32> to vector<32xbf16>
      %get3A_105 = arith.index_cast %add3A_91 : i32 to index
      %get3A_106 = arith.constant 16 : index
      %get3A_107 = tpu.vector_load %arg9[%get3A_105, %get3A_106] {strides = array<i32>} : memref<80x64xi32, #tpu.memory_space<vmem>>, vector<16xi32>,
      %bitcast3A_108 = vector.bitcast %get3A_107 : vector<16xi32> to vector<32xbf16>
      %mul3A_109 = arith.mulf %bitcast3A_104, %bitcast3A_108 : vector<32xbf16>
      %add3A_110 = arith.addf %mul3A_100, %mul3A_109 : vector<32xbf16>
      %get3A_111 = arith.index_cast %add3A_91 : i32 to index
      %get3A_112 = arith.constant 32 : index
      %get3A_113 = tpu.vector_load %arg8[%get3A_111, %get3A_112] {strides = array<i32>} : memref<80x64xi32, #tpu.memory_space<vmem>>, vector<16xi32>,
      %bitcast3A_114 = vector.bitcast %get3A_113 : vector<16xi32> to vector<32xbf16>
      %get3A_115 = arith.index_cast %add3A_91 : i32 to index
      %get3A_116 = arith.constant 32 : index
      %get3A_117 = tpu.vector_load %arg9[%get3A_115, %get3A_116] {strides = array<i32>} : memref<80x64xi32, #tpu.memory_space<vmem>>, vector<16xi32>,
      %bitcast3A_118 = vector.bitcast %get3A_117 : vector<16xi32> to vector<32xbf16>
      %mul3A_119 = arith.mulf %bitcast3A_114, %bitcast3A_118 : vector<32xbf16>
      %add3A_120 = arith.addf %add3A_110, %mul3A_119 : vector<32xbf16>
      %get3A_121 = arith.index_cast %add3A_91 : i32 to index
      %get3A_122 = arith.constant 48 : index
      %get3A_123 = tpu.vector_load %arg8[%get3A_121, %get3A_122] {strides = array<i32>} : memref<80x64xi32, #tpu.memory_space<vmem>>, vector<16xi32>,
      %bitcast3A_124 = vector.bitcast %get3A_123 : vector<16xi32> to vector<32xbf16>
      %get3A_125 = arith.index_cast %add3A_91 : i32 to index
      %get3A_126 = arith.constant 48 : index
      %get3A_127 = tpu.vector_load %arg9[%get3A_125, %get3A_126] {strides = array<i32>} : memref<80x64xi32, #tpu.memory_space<vmem>>, vector<16xi32>,
      %bitcast3A_128 = vector.bitcast %get3A_127 : vector<16xi32> to vector<32xbf16>
      %mul3A_129 = arith.mulf %bitcast3A_124, %bitcast3A_128 : vector<32xbf16>
      %add3A_130 = arith.addf %add3A_120, %mul3A_129 : vector<32xbf16>
      %bitcast3A_131 = vector.bitcast %add3A_130 : vector<32xbf16> to vector<16xi32>
      %swap3A_132 = arith.constant 1 : i32
      %swap3A_133 = arith.index_cast %swap3A_132 : i32 to index
      %swap3A_134 = arith.constant 0 : index
      %swap3A_135 = tpu.vector_load %arg12[%swap3A_133, %swap3A_134] {strides = array<i32>} : memref<16x16xi32, #tpu.memory_space<vmem>>, vector<16xi32>,
      tpu.vector_store %arg12[%swap3A_133, %swap3A_134], %bitcast3A_131 {strides = array<i32>} : memref<16x16xi32, #tpu.memory_space<vmem>>, vector<16xi32>,
      %add3A_136 = arith.constant 2 : i32
      %add3A_137 = arith.addi %mul3A_46, %add3A_136 : i32
      %get3A_138 = arith.index_cast %add3A_137 : i32 to index
      %get3A_139 = arith.constant 0 : index
      %get3A_140 = tpu.vector_load %arg8[%get3A_138, %get3A_139] {strides = array<i32>} : memref<80x64xi32, #tpu.memory_space<vmem>>, vector<16xi32>,
      %bitcast3A_141 = vector.bitcast %get3A_140 : vector<16xi32> to vector<32xbf16>
      %get3A_142 = arith.index_cast %add3A_137 : i32 to index
      %get3A_143 = arith.constant 0 : index
      %get3A_144 = tpu.vector_load %arg9[%get3A_142, %get3A_143] {strides = array<i32>} : memref<80x64xi32, #tpu.memory_space<vmem>>, vector<16xi32>,
      %bitcast3A_145 = vector.bitcast %get3A_144 : vector<16xi32> to vector<32xbf16>
      %mul3A_146 = arith.mulf %bitcast3A_141, %bitcast3A_145 : vector<32xbf16>
      %get3A_147 = arith.index_cast %add3A_137 : i32 to index
      %get3A_148 = arith.constant 16 : index
      %get3A_149 = tpu.vector_load %arg8[%get3A_147, %get3A_148] {strides = array<i32>} : memref<80x64xi32, #tpu.memory_space<vmem>>, vector<16xi32>,
      %bitcast3A_150 = vector.bitcast %get3A_149 : vector<16xi32> to vector<32xbf16>
      %get3A_151 = arith.index_cast %add3A_137 : i32 to index
      %get3A_152 = arith.constant 16 : index
      %get3A_153 = tpu.vector_load %arg9[%get3A_151, %get3A_152] {strides = array<i32>} : memref<80x64xi32, #tpu.memory_space<vmem>>, vector<16xi32>,
      %bitcast3A_154 = vector.bitcast %get3A_153 : vector<16xi32> to vector<32xbf16>
      %mul3A_155 = arith.mulf %bitcast3A_150, %bitcast3A_154 : vector<32xbf16>
      %add3A_156 = arith.addf %mul3A_146, %mul3A_155 : vector<32xbf16>
      %get3A_157 = arith.index_cast %add3A_137 : i32 to index
      %get3A_158 = arith.constant 32 : index
      %get3A_159 = tpu.vector_load %arg8[%get3A_157, %get3A_158] {strides = array<i32>} : memref<80x64xi32, #tpu.memory_space<vmem>>, vector<16xi32>,
      %bitcast3A_160 = vector.bitcast %get3A_159 : vector<16xi32> to vector<32xbf16>
      %get3A_161 = arith.index_cast %add3A_137 : i32 to index
      %get3A_162 = arith.constant 32 : index
      %get3A_163 = tpu.vector_load %arg9[%get3A_161, %get3A_162] {strides = array<i32>} : memref<80x64xi32, #tpu.memory_space<vmem>>, vector<16xi32>,
      %bitcast3A_164 = vector.bitcast %get3A_163 : vector<16xi32> to vector<32xbf16>
      %mul3A_165 = arith.mulf %bitcast3A_160, %bitcast3A_164 : vector<32xbf16>
      %add3A_166 = arith.addf %add3A_156, %mul3A_165 : vector<32xbf16>
      %get3A_167 = arith.index_cast %add3A_137 : i32 to index
      %get3A_168 = arith.constant 48 : index
      %get3A_169 = tpu.vector_load %arg8[%get3A_167, %get3A_168] {strides = array<i32>} : memref<80x64xi32, #tpu.memory_space<vmem>>, vector<16xi32>,
      %bitcast3A_170 = vector.bitcast %get3A_169 : vector<16xi32> to vector<32xbf16>
      %get3A_171 = arith.index_cast %add3A_137 : i32 to index
      %get3A_172 = arith.constant 48 : index
      %get3A_173 = tpu.vector_load %arg9[%get3A_171, %get3A_172] {strides = array<i32>} : memref<80x64xi32, #tpu.memory_space<vmem>>, vector<16xi32>,
      %bitcast3A_174 = vector.bitcast %get3A_173 : vector<16xi32> to vector<32xbf16>
      %mul3A_175 = arith.mulf %bitcast3A_170, %bitcast3A_174 : vector<32xbf16>
      %add3A_176 = arith.addf %add3A_166, %mul3A_175 : vector<32xbf16>
      %bitcast3A_177 = vector.bitcast %add3A_176 : vector<32xbf16> to vector<16xi32>
      %swap3A_178 = arith.constant 2 : i32
      %swap3A_179 = arith.index_cast %swap3A_178 : i32 to index
      %swap3A_180 = arith.constant 0 : index
      %swap3A_181 = tpu.vector_load %arg12[%swap3A_179, %swap3A_180] {strides = array<i32>} : memref<16x16xi32, #tpu.memory_space<vmem>>, vector<16xi32>,
      tpu.vector_store %arg12[%swap3A_179, %swap3A_180], %bitcast3A_177 {strides = array<i32>} : memref<16x16xi32, #tpu.memory_space<vmem>>, vector<16xi32>,
      %add3A_182 = arith.constant 3 : i32
      %add3A_183 = arith.addi %mul3A_46, %add3A_182 : i32
      %get3A_184 = arith.index_cast %add3A_183 : i32 to index
      %get3A_185 = arith.constant 0 : index
      %get3A_186 = tpu.vector_load %arg8[%get3A_184, %get3A_185] {strides = array<i32>} : memref<80x64xi32, #tpu.memory_space<vmem>>, vector<16xi32>,
      %bitcast3A_187 = vector.bitcast %get3A_186 : vector<16xi32> to vector<32xbf16>
      %get3A_188 = arith.index_cast %add3A_183 : i32 to index
      %get3A_189 = arith.constant 0 : index
      %get3A_190 = tpu.vector_load %arg9[%get3A_188, %get3A_189] {strides = array<i32>} : memref<80x64xi32, #tpu.memory_space<vmem>>, vector<16xi32>,
      %bitcast3A_191 = vector.bitcast %get3A_190 : vector<16xi32> to vector<32xbf16>
      %mul3A_192 = arith.mulf %bitcast3A_187, %bitcast3A_191 : vector<32xbf16>
      %get3A_193 = arith.index_cast %add3A_183 : i32 to index
      %get3A_194 = arith.constant 16 : index
      %get3A_195 = tpu.vector_load %arg8[%get3A_193, %get3A_194] {strides = array<i32>} : memref<80x64xi32, #tpu.memory_space<vmem>>, vector<16xi32>,
      %bitcast3A_196 = vector.bitcast %get3A_195 : vector<16xi32> to vector<32xbf16>
      %get3A_197 = arith.index_cast %add3A_183 : i32 to index
      %get3A_198 = arith.constant 16 : index
      %get3A_199 = tpu.vector_load %arg9[%get3A_197, %get3A_198] {strides = array<i32>} : memref<80x64xi32, #tpu.memory_space<vmem>>, vector<16xi32>,
      %bitcast3A_200 = vector.bitcast %get3A_199 : vector<16xi32> to vector<32xbf16>
      %mul3A_201 = arith.mulf %bitcast3A_196, %bitcast3A_200 : vector<32xbf16>
      %add3A_202 = arith.addf %mul3A_192, %mul3A_201 : vector<32xbf16>
      %get3A_203 = arith.index_cast %add3A_183 : i32 to index
      %get3A_204 = arith.constant 32 : index
      %get3A_205 = tpu.vector_load %arg8[%get3A_203, %get3A_204] {strides = array<i32>} : memref<80x64xi32, #tpu.memory_space<vmem>>, vector<16xi32>,
      %bitcast3A_206 = vector.bitcast %get3A_205 : vector<16xi32> to vector<32xbf16>
      %get3A_207 = arith.index_cast %add3A_183 : i32 to index
      %get3A_208 = arith.constant 32 : index
      %get3A_209 = tpu.vector_load %arg9[%get3A_207, %get3A_208] {strides = array<i32>} : memref<80x64xi32, #tpu.memory_space<vmem>>, vector<16xi32>,
      %bitcast3A_210 = vector.bitcast %get3A_209 : vector<16xi32> to vector<32xbf16>
      %mul3A_211 = arith.mulf %bitcast3A_206, %bitcast3A_210 : vector<32xbf16>
      %add3A_212 = arith.addf %add3A_202, %mul3A_211 : vector<32xbf16>
      %get3A_213 = arith.index_cast %add3A_183 : i32 to index
      %get3A_214 = arith.constant 48 : index
      %get3A_215 = tpu.vector_load %arg8[%get3A_213, %get3A_214] {strides = array<i32>} : memref<80x64xi32, #tpu.memory_space<vmem>>, vector<16xi32>,
      %bitcast3A_216 = vector.bitcast %get3A_215 : vector<16xi32> to vector<32xbf16>
      %get3A_217 = arith.index_cast %add3A_183 : i32 to index
      %get3A_218 = arith.constant 48 : index
      %get3A_219 = tpu.vector_load %arg9[%get3A_217, %get3A_218] {strides = array<i32>} : memref<80x64xi32, #tpu.memory_space<vmem>>, vector<16xi32>,
      %bitcast3A_220 = vector.bitcast %get3A_219 : vector<16xi32> to vector<32xbf16>
      %mul3A_221 = arith.mulf %bitcast3A_216, %bitcast3A_220 : vector<32xbf16>
      %add3A_222 = arith.addf %add3A_212, %mul3A_221 : vector<32xbf16>
      %bitcast3A_223 = vector.bitcast %add3A_222 : vector<32xbf16> to vector<16xi32>
      %swap3A_224 = arith.constant 3 : i32
      %swap3A_225 = arith.index_cast %swap3A_224 : i32 to index
      %swap3A_226 = arith.constant 0 : index
      %swap3A_227 = tpu.vector_load %arg12[%swap3A_225, %swap3A_226] {strides = array<i32>} : memref<16x16xi32, #tpu.memory_space<vmem>>, vector<16xi32>,
      tpu.vector_store %arg12[%swap3A_225, %swap3A_226], %bitcast3A_223 {strides = array<i32>} : memref<16x16xi32, #tpu.memory_space<vmem>>, vector<16xi32>,
      %add3A_228 = arith.constant 4 : i32
      %add3A_229 = arith.addi %mul3A_46, %add3A_228 : i32
      %get3A_230 = arith.index_cast %add3A_229 : i32 to index
      %get3A_231 = arith.constant 0 : index
      %get3A_232 = tpu.vector_load %arg8[%get3A_230, %get3A_231] {strides = array<i32>} : memref<80x64xi32, #tpu.memory_space<vmem>>, vector<16xi32>,
      %bitcast3A_233 = vector.bitcast %get3A_232 : vector<16xi32> to vector<32xbf16>
      %get3A_234 = arith.index_cast %add3A_229 : i32 to index
      %get3A_235 = arith.constant 0 : index
      %get3A_236 = tpu.vector_load %arg9[%get3A_234, %get3A_235] {strides = array<i32>} : memref<80x64xi32, #tpu.memory_space<vmem>>, vector<16xi32>,
      %bitcast3A_237 = vector.bitcast %get3A_236 : vector<16xi32> to vector<32xbf16>
      %mul3A_238 = arith.mulf %bitcast3A_233, %bitcast3A_237 : vector<32xbf16>
      %get3A_239 = arith.index_cast %add3A_229 : i32 to index
      %get3A_240 = arith.constant 16 : index
      %get3A_241 = tpu.vector_load %arg8[%get3A_239, %get3A_240] {strides = array<i32>} : memref<80x64xi32, #tpu.memory_space<vmem>>, vector<16xi32>,
      %bitcast3A_242 = vector.bitcast %get3A_241 : vector<16xi32> to vector<32xbf16>
      %get3A_243 = arith.index_cast %add3A_229 : i32 to index
      %get3A_244 = arith.constant 16 : index
      %get3A_245 = tpu.vector_load %arg9[%get3A_243, %get3A_244] {strides = array<i32>} : memref<80x64xi32, #tpu.memory_space<vmem>>, vector<16xi32>,
      %bitcast3A_246 = vector.bitcast %get3A_245 : vector<16xi32> to vector<32xbf16>
      %mul3A_247 = arith.mulf %bitcast3A_242, %bitcast3A_246 : vector<32xbf16>
      %add3A_248 = arith.addf %mul3A_238, %mul3A_247 : vector<32xbf16>
      %get3A_249 = arith.index_cast %add3A_229 : i32 to index
      %get3A_250 = arith.constant 32 : index
      %get3A_251 = tpu.vector_load %arg8[%get3A_249, %get3A_250] {strides = array<i32>} : memref<80x64xi32, #tpu.memory_space<vmem>>, vector<16xi32>,
      %bitcast3A_252 = vector.bitcast %get3A_251 : vector<16xi32> to vector<32xbf16>
      %get3A_253 = arith.index_cast %add3A_229 : i32 to index
      %get3A_254 = arith.constant 32 : index
      %get3A_255 = tpu.vector_load %arg9[%get3A_253, %get3A_254] {strides = array<i32>} : memref<80x64xi32, #tpu.memory_space<vmem>>, vector<16xi32>,
      %bitcast3A_256 = vector.bitcast %get3A_255 : vector<16xi32> to vector<32xbf16>
      %mul3A_257 = arith.mulf %bitcast3A_252, %bitcast3A_256 : vector<32xbf16>
      %add3A_258 = arith.addf %add3A_248, %mul3A_257 : vector<32xbf16>
      %get3A_259 = arith.index_cast %add3A_229 : i32 to index
      %get3A_260 = arith.constant 48 : index
      %get3A_261 = tpu.vector_load %arg8[%get3A_259, %get3A_260] {strides = array<i32>} : memref<80x64xi32, #tpu.memory_space<vmem>>, vector<16xi32>,
      %bitcast3A_262 = vector.bitcast %get3A_261 : vector<16xi32> to vector<32xbf16>
      %get3A_263 = arith.index_cast %add3A_229 : i32 to index
      %get3A_264 = arith.constant 48 : index
      %get3A_265 = tpu.vector_load %arg9[%get3A_263, %get3A_264] {strides = array<i32>} : memref<80x64xi32, #tpu.memory_space<vmem>>, vector<16xi32>,
      %bitcast3A_266 = vector.bitcast %get3A_265 : vector<16xi32> to vector<32xbf16>
      %mul3A_267 = arith.mulf %bitcast3A_262, %bitcast3A_266 : vector<32xbf16>
      %add3A_268 = arith.addf %add3A_258, %mul3A_267 : vector<32xbf16>
      %bitcast3A_269 = vector.bitcast %add3A_268 : vector<32xbf16> to vector<16xi32>
      %swap3A_270 = arith.constant 4 : i32
      %swap3A_271 = arith.index_cast %swap3A_270 : i32 to index
      %swap3A_272 = arith.constant 0 : index
      %swap3A_273 = tpu.vector_load %arg12[%swap3A_271, %swap3A_272] {strides = array<i32>} : memref<16x16xi32, #tpu.memory_space<vmem>>, vector<16xi32>,
      tpu.vector_store %arg12[%swap3A_271, %swap3A_272], %bitcast3A_269 {strides = array<i32>} : memref<16x16xi32, #tpu.memory_space<vmem>>, vector<16xi32>,
      %add3A_274 = arith.constant 5 : i32
      %add3A_275 = arith.addi %mul3A_46, %add3A_274 : i32
      %get3A_276 = arith.index_cast %add3A_275 : i32 to index
      %get3A_277 = arith.constant 0 : index
      %get3A_278 = tpu.vector_load %arg8[%get3A_276, %get3A_277] {strides = array<i32>} : memref<80x64xi32, #tpu.memory_space<vmem>>, vector<16xi32>,
      %bitcast3A_279 = vector.bitcast %get3A_278 : vector<16xi32> to vector<32xbf16>
      %get3A_280 = arith.index_cast %add3A_275 : i32 to index
      %get3A_281 = arith.constant 0 : index
      %get3A_282 = tpu.vector_load %arg9[%get3A_280, %get3A_281] {strides = array<i32>} : memref<80x64xi32, #tpu.memory_space<vmem>>, vector<16xi32>,
      %bitcast3A_283 = vector.bitcast %get3A_282 : vector<16xi32> to vector<32xbf16>
      %mul3A_284 = arith.mulf %bitcast3A_279, %bitcast3A_283 : vector<32xbf16>
      %get3A_285 = arith.index_cast %add3A_275 : i32 to index
      %get3A_286 = arith.constant 16 : index
      %get3A_287 = tpu.vector_load %arg8[%get3A_285, %get3A_286] {strides = array<i32>} : memref<80x64xi32, #tpu.memory_space<vmem>>, vector<16xi32>,
      %bitcast3A_288 = vector.bitcast %get3A_287 : vector<16xi32> to vector<32xbf16>
      %get3A_289 = arith.index_cast %add3A_275 : i32 to index
      %get3A_290 = arith.constant 16 : index
      %get3A_291 = tpu.vector_load %arg9[%get3A_289, %get3A_290] {strides = array<i32>} : memref<80x64xi32, #tpu.memory_space<vmem>>, vector<16xi32>,
      %bitcast3A_292 = vector.bitcast %get3A_291 : vector<16xi32> to vector<32xbf16>
      %mul3A_293 = arith.mulf %bitcast3A_288, %bitcast3A_292 : vector<32xbf16>
      %add3A_294 = arith.addf %mul3A_284, %mul3A_293 : vector<32xbf16>
      %get3A_295 = arith.index_cast %add3A_275 : i32 to index
      %get3A_296 = arith.constant 32 : index
      %get3A_297 = tpu.vector_load %arg8[%get3A_295, %get3A_296] {strides = array<i32>} : memref<80x64xi32, #tpu.memory_space<vmem>>, vector<16xi32>,
      %bitcast3A_298 = vector.bitcast %get3A_297 : vector<16xi32> to vector<32xbf16>
      %get3A_299 = arith.index_cast %add3A_275 : i32 to index
      %get3A_300 = arith.constant 32 : index
      %get3A_301 = tpu.vector_load %arg9[%get3A_299, %get3A_300] {strides = array<i32>} : memref<80x64xi32, #tpu.memory_space<vmem>>, vector<16xi32>,
      %bitcast3A_302 = vector.bitcast %get3A_301 : vector<16xi32> to vector<32xbf16>
      %mul3A_303 = arith.mulf %bitcast3A_298, %bitcast3A_302 : vector<32xbf16>
      %add3A_304 = arith.addf %add3A_294, %mul3A_303 : vector<32xbf16>
      %get3A_305 = arith.index_cast %add3A_275 : i32 to index
      %get3A_306 = arith.constant 48 : index
      %get3A_307 = tpu.vector_load %arg8[%get3A_305, %get3A_306] {strides = array<i32>} : memref<80x64xi32, #tpu.memory_space<vmem>>, vector<16xi32>,
      %bitcast3A_308 = vector.bitcast %get3A_307 : vector<16xi32> to vector<32xbf16>
      %get3A_309 = arith.index_cast %add3A_275 : i32 to index
      %get3A_310 = arith.constant 48 : index
      %get3A_311 = tpu.vector_load %arg9[%get3A_309, %get3A_310] {strides = array<i32>} : memref<80x64xi32, #tpu.memory_space<vmem>>, vector<16xi32>,
      %bitcast3A_312 = vector.bitcast %get3A_311 : vector<16xi32> to vector<32xbf16>
      %mul3A_313 = arith.mulf %bitcast3A_308, %bitcast3A_312 : vector<32xbf16>
      %add3A_314 = arith.addf %add3A_304, %mul3A_313 : vector<32xbf16>
      %bitcast3A_315 = vector.bitcast %add3A_314 : vector<32xbf16> to vector<16xi32>
      %swap3A_316 = arith.constant 5 : i32
      %swap3A_317 = arith.index_cast %swap3A_316 : i32 to index
      %swap3A_318 = arith.constant 0 : index
      %swap3A_319 = tpu.vector_load %arg12[%swap3A_317, %swap3A_318] {strides = array<i32>} : memref<16x16xi32, #tpu.memory_space<vmem>>, vector<16xi32>,
      tpu.vector_store %arg12[%swap3A_317, %swap3A_318], %bitcast3A_315 {strides = array<i32>} : memref<16x16xi32, #tpu.memory_space<vmem>>, vector<16xi32>,
      %add3A_320 = arith.constant 6 : i32
      %add3A_321 = arith.addi %mul3A_46, %add3A_320 : i32
      %get3A_322 = arith.index_cast %add3A_321 : i32 to index
      %get3A_323 = arith.constant 0 : index
      %get3A_324 = tpu.vector_load %arg8[%get3A_322, %get3A_323] {strides = array<i32>} : memref<80x64xi32, #tpu.memory_space<vmem>>, vector<16xi32>,
      %bitcast3A_325 = vector.bitcast %get3A_324 : vector<16xi32> to vector<32xbf16>
      %get3A_326 = arith.index_cast %add3A_321 : i32 to index
      %get3A_327 = arith.constant 0 : index
      %get3A_328 = tpu.vector_load %arg9[%get3A_326, %get3A_327] {strides = array<i32>} : memref<80x64xi32, #tpu.memory_space<vmem>>, vector<16xi32>,
      %bitcast3A_329 = vector.bitcast %get3A_328 : vector<16xi32> to vector<32xbf16>
      %mul3A_330 = arith.mulf %bitcast3A_325, %bitcast3A_329 : vector<32xbf16>
      %get3A_331 = arith.index_cast %add3A_321 : i32 to index
      %get3A_332 = arith.constant 16 : index
      %get3A_333 = tpu.vector_load %arg8[%get3A_331, %get3A_332] {strides = array<i32>} : memref<80x64xi32, #tpu.memory_space<vmem>>, vector<16xi32>,
      %bitcast3A_334 = vector.bitcast %get3A_333 : vector<16xi32> to vector<32xbf16>
      %get3A_335 = arith.index_cast %add3A_321 : i32 to index
      %get3A_336 = arith.constant 16 : index
      %get3A_337 = tpu.vector_load %arg9[%get3A_335, %get3A_336] {strides = array<i32>} : memref<80x64xi32, #tpu.memory_space<vmem>>, vector<16xi32>,
      %bitcast3A_338 = vector.bitcast %get3A_337 : vector<16xi32> to vector<32xbf16>
      %mul3A_339 = arith.mulf %bitcast3A_334, %bitcast3A_338 : vector<32xbf16>
      %add3A_340 = arith.addf %mul3A_330, %mul3A_339 : vector<32xbf16>
      %get3A_341 = arith.index_cast %add3A_321 : i32 to index
      %get3A_342 = arith.constant 32 : index
      %get3A_343 = tpu.vector_load %arg8[%get3A_341, %get3A_342] {strides = array<i32>} : memref<80x64xi32, #tpu.memory_space<vmem>>, vector<16xi32>,
      %bitcast3A_344 = vector.bitcast %get3A_343 : vector<16xi32> to vector<32xbf16>
      %get3A_345 = arith.index_cast %add3A_321 : i32 to index
      %get3A_346 = arith.constant 32 : index
      %get3A_347 = tpu.vector_load %arg9[%get3A_345, %get3A_346] {strides = array<i32>} : memref<80x64xi32, #tpu.memory_space<vmem>>, vector<16xi32>,
      %bitcast3A_348 = vector.bitcast %get3A_347 : vector<16xi32> to vector<32xbf16>
      %mul3A_349 = arith.mulf %bitcast3A_344, %bitcast3A_348 : vector<32xbf16>
      %add3A_350 = arith.addf %add3A_340, %mul3A_349 : vector<32xbf16>
      %get3A_351 = arith.index_cast %add3A_321 : i32 to index
      %get3A_352 = arith.constant 48 : index
      %get3A_353 = tpu.vector_load %arg8[%get3A_351, %get3A_352] {strides = array<i32>} : memref<80x64xi32, #tpu.memory_space<vmem>>, vector<16xi32>,
      %bitcast3A_354 = vector.bitcast %get3A_353 : vector<16xi32> to vector<32xbf16>
      %get3A_355 = arith.index_cast %add3A_321 : i32 to index
      %get3A_356 = arith.constant 48 : index
      %get3A_357 = tpu.vector_load %arg9[%get3A_355, %get3A_356] {strides = array<i32>} : memref<80x64xi32, #tpu.memory_space<vmem>>, vector<16xi32>,
      %bitcast3A_358 = vector.bitcast %get3A_357 : vector<16xi32> to vector<32xbf16>
      %mul3A_359 = arith.mulf %bitcast3A_354, %bitcast3A_358 : vector<32xbf16>
      %add3A_360 = arith.addf %add3A_350, %mul3A_359 : vector<32xbf16>
      %bitcast3A_361 = vector.bitcast %add3A_360 : vector<32xbf16> to vector<16xi32>
      %swap3A_362 = arith.constant 6 : i32
      %swap3A_363 = arith.index_cast %swap3A_362 : i32 to index
      %swap3A_364 = arith.constant 0 : index
      %swap3A_365 = tpu.vector_load %arg12[%swap3A_363, %swap3A_364] {strides = array<i32>} : memref<16x16xi32, #tpu.memory_space<vmem>>, vector<16xi32>,
      tpu.vector_store %arg12[%swap3A_363, %swap3A_364], %bitcast3A_361 {strides = array<i32>} : memref<16x16xi32, #tpu.memory_space<vmem>>, vector<16xi32>,
      %add3A_366 = arith.constant 7 : i32
      %add3A_367 = arith.addi %mul3A_46, %add3A_366 : i32
      %get3A_368 = arith.index_cast %add3A_367 : i32 to index
      %get3A_369 = arith.constant 0 : index
      %get3A_370 = tpu.vector_load %arg8[%get3A_368, %get3A_369] {strides = array<i32>} : memref<80x64xi32, #tpu.memory_space<vmem>>, vector<16xi32>,
      %bitcast3A_371 = vector.bitcast %get3A_370 : vector<16xi32> to vector<32xbf16>
      %get3A_372 = arith.index_cast %add3A_367 : i32 to index
      %get3A_373 = arith.constant 0 : index
      %get3A_374 = tpu.vector_load %arg9[%get3A_372, %get3A_373] {strides = array<i32>} : memref<80x64xi32, #tpu.memory_space<vmem>>, vector<16xi32>,
      %bitcast3A_375 = vector.bitcast %get3A_374 : vector<16xi32> to vector<32xbf16>
      %mul3A_376 = arith.mulf %bitcast3A_371, %bitcast3A_375 : vector<32xbf16>
      %get3A_377 = arith.index_cast %add3A_367 : i32 to index
      %get3A_378 = arith.constant 16 : index
      %get3A_379 = tpu.vector_load %arg8[%get3A_377, %get3A_378] {strides = array<i32>} : memref<80x64xi32, #tpu.memory_space<vmem>>, vector<16xi32>,
      %bitcast3A_380 = vector.bitcast %get3A_379 : vector<16xi32> to vector<32xbf16>
      %get3A_381 = arith.index_cast %add3A_367 : i32 to index
      %get3A_382 = arith.constant 16 : index
      %get3A_383 = tpu.vector_load %arg9[%get3A_381, %get3A_382] {strides = array<i32>} : memref<80x64xi32, #tpu.memory_space<vmem>>, vector<16xi32>,
      %bitcast3A_384 = vector.bitcast %get3A_383 : vector<16xi32> to vector<32xbf16>
      %mul3A_385 = arith.mulf %bitcast3A_380, %bitcast3A_384 : vector<32xbf16>
      %add3A_386 = arith.addf %mul3A_376, %mul3A_385 : vector<32xbf16>
      %get3A_387 = arith.index_cast %add3A_367 : i32 to index
      %get3A_388 = arith.constant 32 : index
      %get3A_389 = tpu.vector_load %arg8[%get3A_387, %get3A_388] {strides = array<i32>} : memref<80x64xi32, #tpu.memory_space<vmem>>, vector<16xi32>,
      %bitcast3A_390 = vector.bitcast %get3A_389 : vector<16xi32> to vector<32xbf16>
      %get3A_391 = arith.index_cast %add3A_367 : i32 to index
      %get3A_392 = arith.constant 32 : index
      %get3A_393 = tpu.vector_load %arg9[%get3A_391, %get3A_392] {strides = array<i32>} : memref<80x64xi32, #tpu.memory_space<vmem>>, vector<16xi32>,
      %bitcast3A_394 = vector.bitcast %get3A_393 : vector<16xi32> to vector<32xbf16>
      %mul3A_395 = arith.mulf %bitcast3A_390, %bitcast3A_394 : vector<32xbf16>
      %add3A_396 = arith.addf %add3A_386, %mul3A_395 : vector<32xbf16>
      %get3A_397 = arith.index_cast %add3A_367 : i32 to index
      %get3A_398 = arith.constant 48 : index
      %get3A_399 = tpu.vector_load %arg8[%get3A_397, %get3A_398] {strides = array<i32>} : memref<80x64xi32, #tpu.memory_space<vmem>>, vector<16xi32>,
      %bitcast3A_400 = vector.bitcast %get3A_399 : vector<16xi32> to vector<32xbf16>
      %get3A_401 = arith.index_cast %add3A_367 : i32 to index
      %get3A_402 = arith.constant 48 : index
      %get3A_403 = tpu.vector_load %arg9[%get3A_401, %get3A_402] {strides = array<i32>} : memref<80x64xi32, #tpu.memory_space<vmem>>, vector<16xi32>,
      %bitcast3A_404 = vector.bitcast %get3A_403 : vector<16xi32> to vector<32xbf16>
      %mul3A_405 = arith.mulf %bitcast3A_400, %bitcast3A_404 : vector<32xbf16>
      %add3A_406 = arith.addf %add3A_396, %mul3A_405 : vector<32xbf16>
      %bitcast3A_407 = vector.bitcast %add3A_406 : vector<32xbf16> to vector<16xi32>
      %swap3A_408 = arith.constant 7 : i32
      %swap3A_409 = arith.index_cast %swap3A_408 : i32 to index
      %swap3A_410 = arith.constant 0 : index
      %swap3A_411 = tpu.vector_load %arg12[%swap3A_409, %swap3A_410] {strides = array<i32>} : memref<16x16xi32, #tpu.memory_space<vmem>>, vector<16xi32>,
      tpu.vector_store %arg12[%swap3A_409, %swap3A_410], %bitcast3A_407 {strides = array<i32>} : memref<16x16xi32, #tpu.memory_space<vmem>>, vector<16xi32>,
      %add3A_412 = arith.constant 8 : i32
      %add3A_413 = arith.addi %mul3A_46, %add3A_412 : i32
      %get3A_414 = arith.index_cast %add3A_413 : i32 to index
      %get3A_415 = arith.constant 0 : index
      %get3A_416 = tpu.vector_load %arg8[%get3A_414, %get3A_415] {strides = array<i32>} : memref<80x64xi32, #tpu.memory_space<vmem>>, vector<16xi32>,
      %bitcast3A_417 = vector.bitcast %get3A_416 : vector<16xi32> to vector<32xbf16>
      %get3A_418 = arith.index_cast %add3A_413 : i32 to index
      %get3A_419 = arith.constant 0 : index
      %get3A_420 = tpu.vector_load %arg9[%get3A_418, %get3A_419] {strides = array<i32>} : memref<80x64xi32, #tpu.memory_space<vmem>>, vector<16xi32>,
      %bitcast3A_421 = vector.bitcast %get3A_420 : vector<16xi32> to vector<32xbf16>
      %mul3A_422 = arith.mulf %bitcast3A_417, %bitcast3A_421 : vector<32xbf16>
      %get3A_423 = arith.index_cast %add3A_413 : i32 to index
      %get3A_424 = arith.constant 16 : index
      %get3A_425 = tpu.vector_load %arg8[%get3A_423, %get3A_424] {strides = array<i32>} : memref<80x64xi32, #tpu.memory_space<vmem>>, vector<16xi32>,
      %bitcast3A_426 = vector.bitcast %get3A_425 : vector<16xi32> to vector<32xbf16>
      %get3A_427 = arith.index_cast %add3A_413 : i32 to index
      %get3A_428 = arith.constant 16 : index
      %get3A_429 = tpu.vector_load %arg9[%get3A_427, %get3A_428] {strides = array<i32>} : memref<80x64xi32, #tpu.memory_space<vmem>>, vector<16xi32>,
      %bitcast3A_430 = vector.bitcast %get3A_429 : vector<16xi32> to vector<32xbf16>
      %mul3A_431 = arith.mulf %bitcast3A_426, %bitcast3A_430 : vector<32xbf16>
      %add3A_432 = arith.addf %mul3A_422, %mul3A_431 : vector<32xbf16>
      %get3A_433 = arith.index_cast %add3A_413 : i32 to index
      %get3A_434 = arith.constant 32 : index
      %get3A_435 = tpu.vector_load %arg8[%get3A_433, %get3A_434] {strides = array<i32>} : memref<80x64xi32, #tpu.memory_space<vmem>>, vector<16xi32>,
      %bitcast3A_436 = vector.bitcast %get3A_435 : vector<16xi32> to vector<32xbf16>
      %get3A_437 = arith.index_cast %add3A_413 : i32 to index
      %get3A_438 = arith.constant 32 : index
      %get3A_439 = tpu.vector_load %arg9[%get3A_437, %get3A_438] {strides = array<i32>} : memref<80x64xi32, #tpu.memory_space<vmem>>, vector<16xi32>,
      %bitcast3A_440 = vector.bitcast %get3A_439 : vector<16xi32> to vector<32xbf16>
      %mul3A_441 = arith.mulf %bitcast3A_436, %bitcast3A_440 : vector<32xbf16>
      %add3A_442 = arith.addf %add3A_432, %mul3A_441 : vector<32xbf16>
      %get3A_443 = arith.index_cast %add3A_413 : i32 to index
      %get3A_444 = arith.constant 48 : index
      %get3A_445 = tpu.vector_load %arg8[%get3A_443, %get3A_444] {strides = array<i32>} : memref<80x64xi32, #tpu.memory_space<vmem>>, vector<16xi32>,
      %bitcast3A_446 = vector.bitcast %get3A_445 : vector<16xi32> to vector<32xbf16>
      %get3A_447 = arith.index_cast %add3A_413 : i32 to index
      %get3A_448 = arith.constant 48 : index
      %get3A_449 = tpu.vector_load %arg9[%get3A_447, %get3A_448] {strides = array<i32>} : memref<80x64xi32, #tpu.memory_space<vmem>>, vector<16xi32>,
      %bitcast3A_450 = vector.bitcast %get3A_449 : vector<16xi32> to vector<32xbf16>
      %mul3A_451 = arith.mulf %bitcast3A_446, %bitcast3A_450 : vector<32xbf16>
      %add3A_452 = arith.addf %add3A_442, %mul3A_451 : vector<32xbf16>
      %bitcast3A_453 = vector.bitcast %add3A_452 : vector<32xbf16> to vector<16xi32>
      %swap3A_454 = arith.constant 8 : i32
      %swap3A_455 = arith.index_cast %swap3A_454 : i32 to index
      %swap3A_456 = arith.constant 0 : index
      %swap3A_457 = tpu.vector_load %arg12[%swap3A_455, %swap3A_456] {strides = array<i32>} : memref<16x16xi32, #tpu.memory_space<vmem>>, vector<16xi32>,
      tpu.vector_store %arg12[%swap3A_455, %swap3A_456], %bitcast3A_453 {strides = array<i32>} : memref<16x16xi32, #tpu.memory_space<vmem>>, vector<16xi32>,
      %add3A_458 = arith.constant 9 : i32
      %add3A_459 = arith.addi %mul3A_46, %add3A_458 : i32
      %get3A_460 = arith.index_cast %add3A_459 : i32 to index
      %get3A_461 = arith.constant 0 : index
      %get3A_462 = tpu.vector_load %arg8[%get3A_460, %get3A_461] {strides = array<i32>} : memref<80x64xi32, #tpu.memory_space<vmem>>, vector<16xi32>,
      %bitcast3A_463 = vector.bitcast %get3A_462 : vector<16xi32> to vector<32xbf16>
      %get3A_464 = arith.index_cast %add3A_459 : i32 to index
      %get3A_465 = arith.constant 0 : index
      %get3A_466 = tpu.vector_load %arg9[%get3A_464, %get3A_465] {strides = array<i32>} : memref<80x64xi32, #tpu.memory_space<vmem>>, vector<16xi32>,
      %bitcast3A_467 = vector.bitcast %get3A_466 : vector<16xi32> to vector<32xbf16>
      %mul3A_468 = arith.mulf %bitcast3A_463, %bitcast3A_467 : vector<32xbf16>
      %get3A_469 = arith.index_cast %add3A_459 : i32 to index
      %get3A_470 = arith.constant 16 : index
      %get3A_471 = tpu.vector_load %arg8[%get3A_469, %get3A_470] {strides = array<i32>} : memref<80x64xi32, #tpu.memory_space<vmem>>, vector<16xi32>,
      %bitcast3A_472 = vector.bitcast %get3A_471 : vector<16xi32> to vector<32xbf16>
      %get3A_473 = arith.index_cast %add3A_459 : i32 to index
      %get3A_474 = arith.constant 16 : index
      %get3A_475 = tpu.vector_load %arg9[%get3A_473, %get3A_474] {strides = array<i32>} : memref<80x64xi32, #tpu.memory_space<vmem>>, vector<16xi32>,
      %bitcast3A_476 = vector.bitcast %get3A_475 : vector<16xi32> to vector<32xbf16>
      %mul3A_477 = arith.mulf %bitcast3A_472, %bitcast3A_476 : vector<32xbf16>
      %add3A_478 = arith.addf %mul3A_468, %mul3A_477 : vector<32xbf16>
      %get3A_479 = arith.index_cast %add3A_459 : i32 to index
      %get3A_480 = arith.constant 32 : index
      %get3A_481 = tpu.vector_load %arg8[%get3A_479, %get3A_480] {strides = array<i32>} : memref<80x64xi32, #tpu.memory_space<vmem>>, vector<16xi32>,
      %bitcast3A_482 = vector.bitcast %get3A_481 : vector<16xi32> to vector<32xbf16>
      %get3A_483 = arith.index_cast %add3A_459 : i32 to index
      %get3A_484 = arith.constant 32 : index
      %get3A_485 = tpu.vector_load %arg9[%get3A_483, %get3A_484] {strides = array<i32>} : memref<80x64xi32, #tpu.memory_space<vmem>>, vector<16xi32>,
      %bitcast3A_486 = vector.bitcast %get3A_485 : vector<16xi32> to vector<32xbf16>
      %mul3A_487 = arith.mulf %bitcast3A_482, %bitcast3A_486 : vector<32xbf16>
      %add3A_488 = arith.addf %add3A_478, %mul3A_487 : vector<32xbf16>
      %get3A_489 = arith.index_cast %add3A_459 : i32 to index
      %get3A_490 = arith.constant 48 : index
      %get3A_491 = tpu.vector_load %arg8[%get3A_489, %get3A_490] {strides = array<i32>} : memref<80x64xi32, #tpu.memory_space<vmem>>, vector<16xi32>,
      %bitcast3A_492 = vector.bitcast %get3A_491 : vector<16xi32> to vector<32xbf16>
      %get3A_493 = arith.index_cast %add3A_459 : i32 to index
      %get3A_494 = arith.constant 48 : index
      %get3A_495 = tpu.vector_load %arg9[%get3A_493, %get3A_494] {strides = array<i32>} : memref<80x64xi32, #tpu.memory_space<vmem>>, vector<16xi32>,
      %bitcast3A_496 = vector.bitcast %get3A_495 : vector<16xi32> to vector<32xbf16>
      %mul3A_497 = arith.mulf %bitcast3A_492, %bitcast3A_496 : vector<32xbf16>
      %add3A_498 = arith.addf %add3A_488, %mul3A_497 : vector<32xbf16>
      %bitcast3A_499 = vector.bitcast %add3A_498 : vector<32xbf16> to vector<16xi32>
      %swap3A_500 = arith.constant 9 : i32
      %swap3A_501 = arith.index_cast %swap3A_500 : i32 to index
      %swap3A_502 = arith.constant 0 : index
      %swap3A_503 = tpu.vector_load %arg12[%swap3A_501, %swap3A_502] {strides = array<i32>} : memref<16x16xi32, #tpu.memory_space<vmem>>, vector<16xi32>,
      tpu.vector_store %arg12[%swap3A_501, %swap3A_502], %bitcast3A_499 {strides = array<i32>} : memref<16x16xi32, #tpu.memory_space<vmem>>, vector<16xi32>,
      %add3A_504 = arith.constant 10 : i32
      %add3A_505 = arith.addi %mul3A_46, %add3A_504 : i32
      %get3A_506 = arith.index_cast %add3A_505 : i32 to index
      %get3A_507 = arith.constant 0 : index
      %get3A_508 = tpu.vector_load %arg8[%get3A_506, %get3A_507] {strides = array<i32>} : memref<80x64xi32, #tpu.memory_space<vmem>>, vector<16xi32>,
      %bitcast3A_509 = vector.bitcast %get3A_508 : vector<16xi32> to vector<32xbf16>
      %get3A_510 = arith.index_cast %add3A_505 : i32 to index
      %get3A_511 = arith.constant 0 : index
      %get3A_512 = tpu.vector_load %arg9[%get3A_510, %get3A_511] {strides = array<i32>} : memref<80x64xi32, #tpu.memory_space<vmem>>, vector<16xi32>,
      %bitcast3A_513 = vector.bitcast %get3A_512 : vector<16xi32> to vector<32xbf16>
      %mul3A_514 = arith.mulf %bitcast3A_509, %bitcast3A_513 : vector<32xbf16>
      %get3A_515 = arith.index_cast %add3A_505 : i32 to index
      %get3A_516 = arith.constant 16 : index
      %get3A_517 = tpu.vector_load %arg8[%get3A_515, %get3A_516] {strides = array<i32>} : memref<80x64xi32, #tpu.memory_space<vmem>>, vector<16xi32>,
      %bitcast3A_518 = vector.bitcast %get3A_517 : vector<16xi32> to vector<32xbf16>
      %get3A_519 = arith.index_cast %add3A_505 : i32 to index
      %get3A_520 = arith.constant 16 : index
      %get3A_521 = tpu.vector_load %arg9[%get3A_519, %get3A_520] {strides = array<i32>} : memref<80x64xi32, #tpu.memory_space<vmem>>, vector<16xi32>,
      %bitcast3A_522 = vector.bitcast %get3A_521 : vector<16xi32> to vector<32xbf16>
      %mul3A_523 = arith.mulf %bitcast3A_518, %bitcast3A_522 : vector<32xbf16>
      %add3A_524 = arith.addf %mul3A_514, %mul3A_523 : vector<32xbf16>
      %get3A_525 = arith.index_cast %add3A_505 : i32 to index
      %get3A_526 = arith.constant 32 : index
      %get3A_527 = tpu.vector_load %arg8[%get3A_525, %get3A_526] {strides = array<i32>} : memref<80x64xi32, #tpu.memory_space<vmem>>, vector<16xi32>,
      %bitcast3A_528 = vector.bitcast %get3A_527 : vector<16xi32> to vector<32xbf16>
      %get3A_529 = arith.index_cast %add3A_505 : i32 to index
      %get3A_530 = arith.constant 32 : index
      %get3A_531 = tpu.vector_load %arg9[%get3A_529, %get3A_530] {strides = array<i32>} : memref<80x64xi32, #tpu.memory_space<vmem>>, vector<16xi32>,
      %bitcast3A_532 = vector.bitcast %get3A_531 : vector<16xi32> to vector<32xbf16>
      %mul3A_533 = arith.mulf %bitcast3A_528, %bitcast3A_532 : vector<32xbf16>
      %add3A_534 = arith.addf %add3A_524, %mul3A_533 : vector<32xbf16>
      %get3A_535 = arith.index_cast %add3A_505 : i32 to index
      %get3A_536 = arith.constant 48 : index
      %get3A_537 = tpu.vector_load %arg8[%get3A_535, %get3A_536] {strides = array<i32>} : memref<80x64xi32, #tpu.memory_space<vmem>>, vector<16xi32>,
      %bitcast3A_538 = vector.bitcast %get3A_537 : vector<16xi32> to vector<32xbf16>
      %get3A_539 = arith.index_cast %add3A_505 : i32 to index
      %get3A_540 = arith.constant 48 : index
      %get3A_541 = tpu.vector_load %arg9[%get3A_539, %get3A_540] {strides = array<i32>} : memref<80x64xi32, #tpu.memory_space<vmem>>, vector<16xi32>,
      %bitcast3A_542 = vector.bitcast %get3A_541 : vector<16xi32> to vector<32xbf16>
      %mul3A_543 = arith.mulf %bitcast3A_538, %bitcast3A_542 : vector<32xbf16>
      %add3A_544 = arith.addf %add3A_534, %mul3A_543 : vector<32xbf16>
      %bitcast3A_545 = vector.bitcast %add3A_544 : vector<32xbf16> to vector<16xi32>
      %swap3A_546 = arith.constant 10 : i32
      %swap3A_547 = arith.index_cast %swap3A_546 : i32 to index
      %swap3A_548 = arith.constant 0 : index
      %swap3A_549 = tpu.vector_load %arg12[%swap3A_547, %swap3A_548] {strides = array<i32>} : memref<16x16xi32, #tpu.memory_space<vmem>>, vector<16xi32>,
      tpu.vector_store %arg12[%swap3A_547, %swap3A_548], %bitcast3A_545 {strides = array<i32>} : memref<16x16xi32, #tpu.memory_space<vmem>>, vector<16xi32>,
      %add3A_550 = arith.constant 11 : i32
      %add3A_551 = arith.addi %mul3A_46, %add3A_550 : i32
      %get3A_552 = arith.index_cast %add3A_551 : i32 to index
      %get3A_553 = arith.constant 0 : index
      %get3A_554 = tpu.vector_load %arg8[%get3A_552, %get3A_553] {strides = array<i32>} : memref<80x64xi32, #tpu.memory_space<vmem>>, vector<16xi32>,
      %bitcast3A_555 = vector.bitcast %get3A_554 : vector<16xi32> to vector<32xbf16>
      %get3A_556 = arith.index_cast %add3A_551 : i32 to index
      %get3A_557 = arith.constant 0 : index
      %get3A_558 = tpu.vector_load %arg9[%get3A_556, %get3A_557] {strides = array<i32>} : memref<80x64xi32, #tpu.memory_space<vmem>>, vector<16xi32>,
      %bitcast3A_559 = vector.bitcast %get3A_558 : vector<16xi32> to vector<32xbf16>
      %mul3A_560 = arith.mulf %bitcast3A_555, %bitcast3A_559 : vector<32xbf16>
      %get3A_561 = arith.index_cast %add3A_551 : i32 to index
      %get3A_562 = arith.constant 16 : index
      %get3A_563 = tpu.vector_load %arg8[%get3A_561, %get3A_562] {strides = array<i32>} : memref<80x64xi32, #tpu.memory_space<vmem>>, vector<16xi32>,
      %bitcast3A_564 = vector.bitcast %get3A_563 : vector<16xi32> to vector<32xbf16>
      %get3A_565 = arith.index_cast %add3A_551 : i32 to index
      %get3A_566 = arith.constant 16 : index
      %get3A_567 = tpu.vector_load %arg9[%get3A_565, %get3A_566] {strides = array<i32>} : memref<80x64xi32, #tpu.memory_space<vmem>>, vector<16xi32>,
      %bitcast3A_568 = vector.bitcast %get3A_567 : vector<16xi32> to vector<32xbf16>
      %mul3A_569 = arith.mulf %bitcast3A_564, %bitcast3A_568 : vector<32xbf16>
      %add3A_570 = arith.addf %mul3A_560, %mul3A_569 : vector<32xbf16>
      %get3A_571 = arith.index_cast %add3A_551 : i32 to index
      %get3A_572 = arith.constant 32 : index
      %get3A_573 = tpu.vector_load %arg8[%get3A_571, %get3A_572] {strides = array<i32>} : memref<80x64xi32, #tpu.memory_space<vmem>>, vector<16xi32>,
      %bitcast3A_574 = vector.bitcast %get3A_573 : vector<16xi32> to vector<32xbf16>
      %get3A_575 = arith.index_cast %add3A_551 : i32 to index
      %get3A_576 = arith.constant 32 : index
      %get3A_577 = tpu.vector_load %arg9[%get3A_575, %get3A_576] {strides = array<i32>} : memref<80x64xi32, #tpu.memory_space<vmem>>, vector<16xi32>,
      %bitcast3A_578 = vector.bitcast %get3A_577 : vector<16xi32> to vector<32xbf16>
      %mul3A_579 = arith.mulf %bitcast3A_574, %bitcast3A_578 : vector<32xbf16>
      %add3A_580 = arith.addf %add3A_570, %mul3A_579 : vector<32xbf16>
      %get3A_581 = arith.index_cast %add3A_551 : i32 to index
      %get3A_582 = arith.constant 48 : index
      %get3A_583 = tpu.vector_load %arg8[%get3A_581, %get3A_582] {strides = array<i32>} : memref<80x64xi32, #tpu.memory_space<vmem>>, vector<16xi32>,
      %bitcast3A_584 = vector.bitcast %get3A_583 : vector<16xi32> to vector<32xbf16>
      %get3A_585 = arith.index_cast %add3A_551 : i32 to index
      %get3A_586 = arith.constant 48 : index
      %get3A_587 = tpu.vector_load %arg9[%get3A_585, %get3A_586] {strides = array<i32>} : memref<80x64xi32, #tpu.memory_space<vmem>>, vector<16xi32>,
      %bitcast3A_588 = vector.bitcast %get3A_587 : vector<16xi32> to vector<32xbf16>
      %mul3A_589 = arith.mulf %bitcast3A_584, %bitcast3A_588 : vector<32xbf16>
      %add3A_590 = arith.addf %add3A_580, %mul3A_589 : vector<32xbf16>
      %bitcast3A_591 = vector.bitcast %add3A_590 : vector<32xbf16> to vector<16xi32>
      %swap3A_592 = arith.constant 11 : i32
      %swap3A_593 = arith.index_cast %swap3A_592 : i32 to index
      %swap3A_594 = arith.constant 0 : index
      %swap3A_595 = tpu.vector_load %arg12[%swap3A_593, %swap3A_594] {strides = array<i32>} : memref<16x16xi32, #tpu.memory_space<vmem>>, vector<16xi32>,
      tpu.vector_store %arg12[%swap3A_593, %swap3A_594], %bitcast3A_591 {strides = array<i32>} : memref<16x16xi32, #tpu.memory_space<vmem>>, vector<16xi32>,
      %add3A_596 = arith.constant 12 : i32
      %add3A_597 = arith.addi %mul3A_46, %add3A_596 : i32
      %get3A_598 = arith.index_cast %add3A_597 : i32 to index
      %get3A_599 = arith.constant 0 : index
      %get3A_600 = tpu.vector_load %arg8[%get3A_598, %get3A_599] {strides = array<i32>} : memref<80x64xi32, #tpu.memory_space<vmem>>, vector<16xi32>,
      %bitcast3A_601 = vector.bitcast %get3A_600 : vector<16xi32> to vector<32xbf16>
      %get3A_602 = arith.index_cast %add3A_597 : i32 to index
      %get3A_603 = arith.constant 0 : index
      %get3A_604 = tpu.vector_load %arg9[%get3A_602, %get3A_603] {strides = array<i32>} : memref<80x64xi32, #tpu.memory_space<vmem>>, vector<16xi32>,
      %bitcast3A_605 = vector.bitcast %get3A_604 : vector<16xi32> to vector<32xbf16>
      %mul3A_606 = arith.mulf %bitcast3A_601, %bitcast3A_605 : vector<32xbf16>
      %get3A_607 = arith.index_cast %add3A_597 : i32 to index
      %get3A_608 = arith.constant 16 : index
      %get3A_609 = tpu.vector_load %arg8[%get3A_607, %get3A_608] {strides = array<i32>} : memref<80x64xi32, #tpu.memory_space<vmem>>, vector<16xi32>,
      %bitcast3A_610 = vector.bitcast %get3A_609 : vector<16xi32> to vector<32xbf16>
      %get3A_611 = arith.index_cast %add3A_597 : i32 to index
      %get3A_612 = arith.constant 16 : index
      %get3A_613 = tpu.vector_load %arg9[%get3A_611, %get3A_612] {strides = array<i32>} : memref<80x64xi32, #tpu.memory_space<vmem>>, vector<16xi32>,
      %bitcast3A_614 = vector.bitcast %get3A_613 : vector<16xi32> to vector<32xbf16>
      %mul3A_615 = arith.mulf %bitcast3A_610, %bitcast3A_614 : vector<32xbf16>
      %add3A_616 = arith.addf %mul3A_606, %mul3A_615 : vector<32xbf16>
      %get3A_617 = arith.index_cast %add3A_597 : i32 to index
      %get3A_618 = arith.constant 32 : index
      %get3A_619 = tpu.vector_load %arg8[%get3A_617, %get3A_618] {strides = array<i32>} : memref<80x64xi32, #tpu.memory_space<vmem>>, vector<16xi32>,
      %bitcast3A_620 = vector.bitcast %get3A_619 : vector<16xi32> to vector<32xbf16>
      %get3A_621 = arith.index_cast %add3A_597 : i32 to index
      %get3A_622 = arith.constant 32 : index
      %get3A_623 = tpu.vector_load %arg9[%get3A_621, %get3A_622] {strides = array<i32>} : memref<80x64xi32, #tpu.memory_space<vmem>>, vector<16xi32>,
      %bitcast3A_624 = vector.bitcast %get3A_623 : vector<16xi32> to vector<32xbf16>
      %mul3A_625 = arith.mulf %bitcast3A_620, %bitcast3A_624 : vector<32xbf16>
      %add3A_626 = arith.addf %add3A_616, %mul3A_625 : vector<32xbf16>
      %get3A_627 = arith.index_cast %add3A_597 : i32 to index
      %get3A_628 = arith.constant 48 : index
      %get3A_629 = tpu.vector_load %arg8[%get3A_627, %get3A_628] {strides = array<i32>} : memref<80x64xi32, #tpu.memory_space<vmem>>, vector<16xi32>,
      %bitcast3A_630 = vector.bitcast %get3A_629 : vector<16xi32> to vector<32xbf16>
      %get3A_631 = arith.index_cast %add3A_597 : i32 to index
      %get3A_632 = arith.constant 48 : index
      %get3A_633 = tpu.vector_load %arg9[%get3A_631, %get3A_632] {strides = array<i32>} : memref<80x64xi32, #tpu.memory_space<vmem>>, vector<16xi32>,
      %bitcast3A_634 = vector.bitcast %get3A_633 : vector<16xi32> to vector<32xbf16>
      %mul3A_635 = arith.mulf %bitcast3A_630, %bitcast3A_634 : vector<32xbf16>
      %add3A_636 = arith.addf %add3A_626, %mul3A_635 : vector<32xbf16>
      %bitcast3A_637 = vector.bitcast %add3A_636 : vector<32xbf16> to vector<16xi32>
      %swap3A_638 = arith.constant 12 : i32
      %swap3A_639 = arith.index_cast %swap3A_638 : i32 to index
      %swap3A_640 = arith.constant 0 : index
      %swap3A_641 = tpu.vector_load %arg12[%swap3A_639, %swap3A_640] {strides = array<i32>} : memref<16x16xi32, #tpu.memory_space<vmem>>, vector<16xi32>,
      tpu.vector_store %arg12[%swap3A_639, %swap3A_640], %bitcast3A_637 {strides = array<i32>} : memref<16x16xi32, #tpu.memory_space<vmem>>, vector<16xi32>,
      %add3A_642 = arith.constant 13 : i32
      %add3A_643 = arith.addi %mul3A_46, %add3A_642 : i32
      %get3A_644 = arith.index_cast %add3A_643 : i32 to index
      %get3A_645 = arith.constant 0 : index
      %get3A_646 = tpu.vector_load %arg8[%get3A_644, %get3A_645] {strides = array<i32>} : memref<80x64xi32, #tpu.memory_space<vmem>>, vector<16xi32>,
      %bitcast3A_647 = vector.bitcast %get3A_646 : vector<16xi32> to vector<32xbf16>
      %get3A_648 = arith.index_cast %add3A_643 : i32 to index
      %get3A_649 = arith.constant 0 : index
      %get3A_650 = tpu.vector_load %arg9[%get3A_648, %get3A_649] {strides = array<i32>} : memref<80x64xi32, #tpu.memory_space<vmem>>, vector<16xi32>,
      %bitcast3A_651 = vector.bitcast %get3A_650 : vector<16xi32> to vector<32xbf16>
      %mul3A_652 = arith.mulf %bitcast3A_647, %bitcast3A_651 : vector<32xbf16>
      %get3A_653 = arith.index_cast %add3A_643 : i32 to index
      %get3A_654 = arith.constant 16 : index
      %get3A_655 = tpu.vector_load %arg8[%get3A_653, %get3A_654] {strides = array<i32>} : memref<80x64xi32, #tpu.memory_space<vmem>>, vector<16xi32>,
      %bitcast3A_656 = vector.bitcast %get3A_655 : vector<16xi32> to vector<32xbf16>
      %get3A_657 = arith.index_cast %add3A_643 : i32 to index
      %get3A_658 = arith.constant 16 : index
      %get3A_659 = tpu.vector_load %arg9[%get3A_657, %get3A_658] {strides = array<i32>} : memref<80x64xi32, #tpu.memory_space<vmem>>, vector<16xi32>,
      %bitcast3A_660 = vector.bitcast %get3A_659 : vector<16xi32> to vector<32xbf16>
      %mul3A_661 = arith.mulf %bitcast3A_656, %bitcast3A_660 : vector<32xbf16>
      %add3A_662 = arith.addf %mul3A_652, %mul3A_661 : vector<32xbf16>
      %get3A_663 = arith.index_cast %add3A_643 : i32 to index
      %get3A_664 = arith.constant 32 : index
      %get3A_665 = tpu.vector_load %arg8[%get3A_663, %get3A_664] {strides = array<i32>} : memref<80x64xi32, #tpu.memory_space<vmem>>, vector<16xi32>,
      %bitcast3A_666 = vector.bitcast %get3A_665 : vector<16xi32> to vector<32xbf16>
      %get3A_667 = arith.index_cast %add3A_643 : i32 to index
      %get3A_668 = arith.constant 32 : index
      %get3A_669 = tpu.vector_load %arg9[%get3A_667, %get3A_668] {strides = array<i32>} : memref<80x64xi32, #tpu.memory_space<vmem>>, vector<16xi32>,
      %bitcast3A_670 = vector.bitcast %get3A_669 : vector<16xi32> to vector<32xbf16>
      %mul3A_671 = arith.mulf %bitcast3A_666, %bitcast3A_670 : vector<32xbf16>
      %add3A_672 = arith.addf %add3A_662, %mul3A_671 : vector<32xbf16>
      %get3A_673 = arith.index_cast %add3A_643 : i32 to index
      %get3A_674 = arith.constant 48 : index
      %get3A_675 = tpu.vector_load %arg8[%get3A_673, %get3A_674] {strides = array<i32>} : memref<80x64xi32, #tpu.memory_space<vmem>>, vector<16xi32>,
      %bitcast3A_676 = vector.bitcast %get3A_675 : vector<16xi32> to vector<32xbf16>
      %get3A_677 = arith.index_cast %add3A_643 : i32 to index
      %get3A_678 = arith.constant 48 : index
      %get3A_679 = tpu.vector_load %arg9[%get3A_677, %get3A_678] {strides = array<i32>} : memref<80x64xi32, #tpu.memory_space<vmem>>, vector<16xi32>,
      %bitcast3A_680 = vector.bitcast %get3A_679 : vector<16xi32> to vector<32xbf16>
      %mul3A_681 = arith.mulf %bitcast3A_676, %bitcast3A_680 : vector<32xbf16>
      %add3A_682 = arith.addf %add3A_672, %mul3A_681 : vector<32xbf16>
      %bitcast3A_683 = vector.bitcast %add3A_682 : vector<32xbf16> to vector<16xi32>
      %swap3A_684 = arith.constant 13 : i32
      %swap3A_685 = arith.index_cast %swap3A_684 : i32 to index
      %swap3A_686 = arith.constant 0 : index
      %swap3A_687 = tpu.vector_load %arg12[%swap3A_685, %swap3A_686] {strides = array<i32>} : memref<16x16xi32, #tpu.memory_space<vmem>>, vector<16xi32>,
      tpu.vector_store %arg12[%swap3A_685, %swap3A_686], %bitcast3A_683 {strides = array<i32>} : memref<16x16xi32, #tpu.memory_space<vmem>>, vector<16xi32>,
      %add3A_688 = arith.constant 14 : i32
      %add3A_689 = arith.addi %mul3A_46, %add3A_688 : i32
      %get3A_690 = arith.index_cast %add3A_689 : i32 to index
      %get3A_691 = arith.constant 0 : index
      %get3A_692 = tpu.vector_load %arg8[%get3A_690, %get3A_691] {strides = array<i32>} : memref<80x64xi32, #tpu.memory_space<vmem>>, vector<16xi32>,
      %bitcast3A_693 = vector.bitcast %get3A_692 : vector<16xi32> to vector<32xbf16>
      %get3A_694 = arith.index_cast %add3A_689 : i32 to index
      %get3A_695 = arith.constant 0 : index
      %get3A_696 = tpu.vector_load %arg9[%get3A_694, %get3A_695] {strides = array<i32>} : memref<80x64xi32, #tpu.memory_space<vmem>>, vector<16xi32>,
      %bitcast3A_697 = vector.bitcast %get3A_696 : vector<16xi32> to vector<32xbf16>
      %mul3A_698 = arith.mulf %bitcast3A_693, %bitcast3A_697 : vector<32xbf16>
      %get3A_699 = arith.index_cast %add3A_689 : i32 to index
      %get3A_700 = arith.constant 16 : index
      %get3A_701 = tpu.vector_load %arg8[%get3A_699, %get3A_700] {strides = array<i32>} : memref<80x64xi32, #tpu.memory_space<vmem>>, vector<16xi32>,
      %bitcast3A_702 = vector.bitcast %get3A_701 : vector<16xi32> to vector<32xbf16>
      %get3A_703 = arith.index_cast %add3A_689 : i32 to index
      %get3A_704 = arith.constant 16 : index
      %get3A_705 = tpu.vector_load %arg9[%get3A_703, %get3A_704] {strides = array<i32>} : memref<80x64xi32, #tpu.memory_space<vmem>>, vector<16xi32>,
      %bitcast3A_706 = vector.bitcast %get3A_705 : vector<16xi32> to vector<32xbf16>
      %mul3A_707 = arith.mulf %bitcast3A_702, %bitcast3A_706 : vector<32xbf16>
      %add3A_708 = arith.addf %mul3A_698, %mul3A_707 : vector<32xbf16>
      %get3A_709 = arith.index_cast %add3A_689 : i32 to index
      %get3A_710 = arith.constant 32 : index
      %get3A_711 = tpu.vector_load %arg8[%get3A_709, %get3A_710] {strides = array<i32>} : memref<80x64xi32, #tpu.memory_space<vmem>>, vector<16xi32>,
      %bitcast3A_712 = vector.bitcast %get3A_711 : vector<16xi32> to vector<32xbf16>
      %get3A_713 = arith.index_cast %add3A_689 : i32 to index
      %get3A_714 = arith.constant 32 : index
      %get3A_715 = tpu.vector_load %arg9[%get3A_713, %get3A_714] {strides = array<i32>} : memref<80x64xi32, #tpu.memory_space<vmem>>, vector<16xi32>,
      %bitcast3A_716 = vector.bitcast %get3A_715 : vector<16xi32> to vector<32xbf16>
      %mul3A_717 = arith.mulf %bitcast3A_712, %bitcast3A_716 : vector<32xbf16>
      %add3A_718 = arith.addf %add3A_708, %mul3A_717 : vector<32xbf16>
      %get3A_719 = arith.index_cast %add3A_689 : i32 to index
      %get3A_720 = arith.constant 48 : index
      %get3A_721 = tpu.vector_load %arg8[%get3A_719, %get3A_720] {strides = array<i32>} : memref<80x64xi32, #tpu.memory_space<vmem>>, vector<16xi32>,
      %bitcast3A_722 = vector.bitcast %get3A_721 : vector<16xi32> to vector<32xbf16>
      %get3A_723 = arith.index_cast %add3A_689 : i32 to index
      %get3A_724 = arith.constant 48 : index
      %get3A_725 = tpu.vector_load %arg9[%get3A_723, %get3A_724] {strides = array<i32>} : memref<80x64xi32, #tpu.memory_space<vmem>>, vector<16xi32>,
      %bitcast3A_726 = vector.bitcast %get3A_725 : vector<16xi32> to vector<32xbf16>
      %mul3A_727 = arith.mulf %bitcast3A_722, %bitcast3A_726 : vector<32xbf16>
      %add3A_728 = arith.addf %add3A_718, %mul3A_727 : vector<32xbf16>
      %bitcast3A_729 = vector.bitcast %add3A_728 : vector<32xbf16> to vector<16xi32>
      %swap3A_730 = arith.constant 14 : i32
      %swap3A_731 = arith.index_cast %swap3A_730 : i32 to index
      %swap3A_732 = arith.constant 0 : index
      %swap3A_733 = tpu.vector_load %arg12[%swap3A_731, %swap3A_732] {strides = array<i32>} : memref<16x16xi32, #tpu.memory_space<vmem>>, vector<16xi32>,
      tpu.vector_store %arg12[%swap3A_731, %swap3A_732], %bitcast3A_729 {strides = array<i32>} : memref<16x16xi32, #tpu.memory_space<vmem>>, vector<16xi32>,
      %add3A_734 = arith.constant 15 : i32
      %add3A_735 = arith.addi %mul3A_46, %add3A_734 : i32
      %get3A_736 = arith.index_cast %add3A_735 : i32 to index
      %get3A_737 = arith.constant 0 : index
      %get3A_738 = tpu.vector_load %arg8[%get3A_736, %get3A_737] {strides = array<i32>} : memref<80x64xi32, #tpu.memory_space<vmem>>, vector<16xi32>,
      %bitcast3A_739 = vector.bitcast %get3A_738 : vector<16xi32> to vector<32xbf16>
      %get3A_740 = arith.index_cast %add3A_735 : i32 to index
      %get3A_741 = arith.constant 0 : index
      %get3A_742 = tpu.vector_load %arg9[%get3A_740, %get3A_741] {strides = array<i32>} : memref<80x64xi32, #tpu.memory_space<vmem>>, vector<16xi32>,
      %bitcast3A_743 = vector.bitcast %get3A_742 : vector<16xi32> to vector<32xbf16>
      %mul3A_744 = arith.mulf %bitcast3A_739, %bitcast3A_743 : vector<32xbf16>
      %get3A_745 = arith.index_cast %add3A_735 : i32 to index
      %get3A_746 = arith.constant 16 : index
      %get3A_747 = tpu.vector_load %arg8[%get3A_745, %get3A_746] {strides = array<i32>} : memref<80x64xi32, #tpu.memory_space<vmem>>, vector<16xi32>,
      %bitcast3A_748 = vector.bitcast %get3A_747 : vector<16xi32> to vector<32xbf16>
      %get3A_749 = arith.index_cast %add3A_735 : i32 to index
      %get3A_750 = arith.constant 16 : index
      %get3A_751 = tpu.vector_load %arg9[%get3A_749, %get3A_750] {strides = array<i32>} : memref<80x64xi32, #tpu.memory_space<vmem>>, vector<16xi32>,
      %bitcast3A_752 = vector.bitcast %get3A_751 : vector<16xi32> to vector<32xbf16>
      %mul3A_753 = arith.mulf %bitcast3A_748, %bitcast3A_752 : vector<32xbf16>
      %add3A_754 = arith.addf %mul3A_744, %mul3A_753 : vector<32xbf16>
      %get3A_755 = arith.index_cast %add3A_735 : i32 to index
      %get3A_756 = arith.constant 32 : index
      %get3A_757 = tpu.vector_load %arg8[%get3A_755, %get3A_756] {strides = array<i32>} : memref<80x64xi32, #tpu.memory_space<vmem>>, vector<16xi32>,
      %bitcast3A_758 = vector.bitcast %get3A_757 : vector<16xi32> to vector<32xbf16>
      %get3A_759 = arith.index_cast %add3A_735 : i32 to index
      %get3A_760 = arith.constant 32 : index
      %get3A_761 = tpu.vector_load %arg9[%get3A_759, %get3A_760] {strides = array<i32>} : memref<80x64xi32, #tpu.memory_space<vmem>>, vector<16xi32>,
      %bitcast3A_762 = vector.bitcast %get3A_761 : vector<16xi32> to vector<32xbf16>
      %mul3A_763 = arith.mulf %bitcast3A_758, %bitcast3A_762 : vector<32xbf16>
      %add3A_764 = arith.addf %add3A_754, %mul3A_763 : vector<32xbf16>
      %get3A_765 = arith.index_cast %add3A_735 : i32 to index
      %get3A_766 = arith.constant 48 : index
      %get3A_767 = tpu.vector_load %arg8[%get3A_765, %get3A_766] {strides = array<i32>} : memref<80x64xi32, #tpu.memory_space<vmem>>, vector<16xi32>,
      %bitcast3A_768 = vector.bitcast %get3A_767 : vector<16xi32> to vector<32xbf16>
      %get3A_769 = arith.index_cast %add3A_735 : i32 to index
      %get3A_770 = arith.constant 48 : index
      %get3A_771 = tpu.vector_load %arg9[%get3A_769, %get3A_770] {strides = array<i32>} : memref<80x64xi32, #tpu.memory_space<vmem>>, vector<16xi32>,
      %bitcast3A_772 = vector.bitcast %get3A_771 : vector<16xi32> to vector<32xbf16>
      %mul3A_773 = arith.mulf %bitcast3A_768, %bitcast3A_772 : vector<32xbf16>
      %add3A_774 = arith.addf %add3A_764, %mul3A_773 : vector<32xbf16>
      %bitcast3A_775 = vector.bitcast %add3A_774 : vector<32xbf16> to vector<16xi32>
      %swap3A_776 = arith.constant 15 : i32
      %swap3A_777 = arith.index_cast %swap3A_776 : i32 to index
      %swap3A_778 = arith.constant 0 : index
      %swap3A_779 = tpu.vector_load %arg12[%swap3A_777, %swap3A_778] {strides = array<i32>} : memref<16x16xi32, #tpu.memory_space<vmem>>, vector<16xi32>,
      tpu.vector_store %arg12[%swap3A_777, %swap3A_778], %bitcast3A_775 {strides = array<i32>} : memref<16x16xi32, #tpu.memory_space<vmem>>, vector<16xi32>,
      %broadcast_in_dim3A = arith.constant 0 : i32
      %broadcast_in_dim3A_780 = vector.broadcast %broadcast_in_dim3A : i32 to vector<16xi32>
      %gather3A = tpu.vector_load_idx %arg12[%iota3A, %broadcast_in_dim3A_780] : memref<16x16xi32, #tpu.memory_space<vmem>>[vector<16xi32>, vector<16xi32>], vector<16xi32>,
      %bitcast3A_781 = vector.bitcast %gather3A : vector<16xi32> to vector<32xbf16>
      %broadcast_in_dim3A_782 = arith.constant 1 : i32
      %broadcast_in_dim3A_783 = vector.broadcast %broadcast_in_dim3A_782 : i32 to vector<16xi32>
      %gather3A_784 = tpu.vector_load_idx %arg12[%iota3A, %broadcast_in_dim3A_783] : memref<16x16xi32, #tpu.memory_space<vmem>>[vector<16xi32>, vector<16xi32>], vector<16xi32>,
      %bitcast3A_785 = vector.bitcast %gather3A_784 : vector<16xi32> to vector<32xbf16>
      %add3A_786 = arith.addf %bitcast3A_781, %bitcast3A_785 : vector<32xbf16>
      %broadcast_in_dim3A_787 = arith.constant 2 : i32
      %broadcast_in_dim3A_788 = vector.broadcast %broadcast_in_dim3A_787 : i32 to vector<16xi32>
      %gather3A_789 = tpu.vector_load_idx %arg12[%iota3A, %broadcast_in_dim3A_788] : memref<16x16xi32, #tpu.memory_space<vmem>>[vector<16xi32>, vector<16xi32>], vector<16xi32>,
      %bitcast3A_790 = vector.bitcast %gather3A_789 : vector<16xi32> to vector<32xbf16>
      %add3A_791 = arith.addf %add3A_786, %bitcast3A_790 : vector<32xbf16>
      %broadcast_in_dim3A_792 = arith.constant 3 : i32
      %broadcast_in_dim3A_793 = vector.broadcast %broadcast_in_dim3A_792 : i32 to vector<16xi32>
      %gather3A_794 = tpu.vector_load_idx %arg12[%iota3A, %broadcast_in_dim3A_793] : memref<16x16xi32, #tpu.memory_space<vmem>>[vector<16xi32>, vector<16xi32>], vector<16xi32>,
      %bitcast3A_795 = vector.bitcast %gather3A_794 : vector<16xi32> to vector<32xbf16>
      %add3A_796 = arith.addf %add3A_791, %bitcast3A_795 : vector<32xbf16>
      %unpack3A = tpu.unpack_subelements %add3A_796, 0 {pack_format = #tpu.pack_format<interleaved>} : vector<32xbf16> -> vector<16xf32>
      %unpack3A_797 = tpu.unpack_subelements %add3A_796, 1 {pack_format = #tpu.pack_format<interleaved>} : vector<32xbf16> -> vector<16xf32>
      %add3A_798 = arith.addf %unpack3A, %unpack3A_797 : vector<16xf32>
      %broadcast_in_dim3A_799 = arith.constant 4 : i32
      %broadcast_in_dim3A_800 = vector.broadcast %broadcast_in_dim3A_799 : i32 to vector<16xi32>
      %gather3A_801 = tpu.vector_load_idx %arg12[%iota3A, %broadcast_in_dim3A_800] : memref<16x16xi32, #tpu.memory_space<vmem>>[vector<16xi32>, vector<16xi32>], vector<16xi32>,
      %bitcast3A_802 = vector.bitcast %gather3A_801 : vector<16xi32> to vector<32xbf16>
      %broadcast_in_dim3A_803 = arith.constant 5 : i32
      %broadcast_in_dim3A_804 = vector.broadcast %broadcast_in_dim3A_803 : i32 to vector<16xi32>
      %gather3A_805 = tpu.vector_load_idx %arg12[%iota3A, %broadcast_in_dim3A_804] : memref<16x16xi32, #tpu.memory_space<vmem>>[vector<16xi32>, vector<16xi32>], vector<16xi32>,
      %bitcast3A_806 = vector.bitcast %gather3A_805 : vector<16xi32> to vector<32xbf16>
      %add3A_807 = arith.addf %bitcast3A_802, %bitcast3A_806 : vector<32xbf16>
      %broadcast_in_dim3A_808 = arith.constant 6 : i32
      %broadcast_in_dim3A_809 = vector.broadcast %broadcast_in_dim3A_808 : i32 to vector<16xi32>
      %gather3A_810 = tpu.vector_load_idx %arg12[%iota3A, %broadcast_in_dim3A_809] : memref<16x16xi32, #tpu.memory_space<vmem>>[vector<16xi32>, vector<16xi32>], vector<16xi32>,
      %bitcast3A_811 = vector.bitcast %gather3A_810 : vector<16xi32> to vector<32xbf16>
      %add3A_812 = arith.addf %add3A_807, %bitcast3A_811 : vector<32xbf16>
      %broadcast_in_dim3A_813 = arith.constant 7 : i32
      %broadcast_in_dim3A_814 = vector.broadcast %broadcast_in_dim3A_813 : i32 to vector<16xi32>
      %gather3A_815 = tpu.vector_load_idx %arg12[%iota3A, %broadcast_in_dim3A_814] : memref<16x16xi32, #tpu.memory_space<vmem>>[vector<16xi32>, vector<16xi32>], vector<16xi32>,
      %bitcast3A_816 = vector.bitcast %gather3A_815 : vector<16xi32> to vector<32xbf16>
      %add3A_817 = arith.addf %add3A_812, %bitcast3A_816 : vector<32xbf16>
      %unpack3A_818 = tpu.unpack_subelements %add3A_817, 0 {pack_format = #tpu.pack_format<interleaved>} : vector<32xbf16> -> vector<16xf32>
      %unpack3A_819 = tpu.unpack_subelements %add3A_817, 1 {pack_format = #tpu.pack_format<interleaved>} : vector<32xbf16> -> vector<16xf32>
      %add3A_820 = arith.addf %unpack3A_818, %unpack3A_819 : vector<16xf32>
      %add3A_821 = arith.addf %add3A_798, %add3A_820 : vector<16xf32>
      %broadcast_in_dim3A_822 = arith.constant 8 : i32
      %broadcast_in_dim3A_823 = vector.broadcast %broadcast_in_dim3A_822 : i32 to vector<16xi32>
      %gather3A_824 = tpu.vector_load_idx %arg12[%iota3A, %broadcast_in_dim3A_823] : memref<16x16xi32, #tpu.memory_space<vmem>>[vector<16xi32>, vector<16xi32>], vector<16xi32>,
      %bitcast3A_825 = vector.bitcast %gather3A_824 : vector<16xi32> to vector<32xbf16>
      %broadcast_in_dim3A_826 = arith.constant 9 : i32
      %broadcast_in_dim3A_827 = vector.broadcast %broadcast_in_dim3A_826 : i32 to vector<16xi32>
      %gather3A_828 = tpu.vector_load_idx %arg12[%iota3A, %broadcast_in_dim3A_827] : memref<16x16xi32, #tpu.memory_space<vmem>>[vector<16xi32>, vector<16xi32>], vector<16xi32>,
      %bitcast3A_829 = vector.bitcast %gather3A_828 : vector<16xi32> to vector<32xbf16>
      %add3A_830 = arith.addf %bitcast3A_825, %bitcast3A_829 : vector<32xbf16>
      %broadcast_in_dim3A_831 = arith.constant 10 : i32
      %broadcast_in_dim3A_832 = vector.broadcast %broadcast_in_dim3A_831 : i32 to vector<16xi32>
      %gather3A_833 = tpu.vector_load_idx %arg12[%iota3A, %broadcast_in_dim3A_832] : memref<16x16xi32, #tpu.memory_space<vmem>>[vector<16xi32>, vector<16xi32>], vector<16xi32>,
      %bitcast3A_834 = vector.bitcast %gather3A_833 : vector<16xi32> to vector<32xbf16>
      %add3A_835 = arith.addf %add3A_830, %bitcast3A_834 : vector<32xbf16>
      %broadcast_in_dim3A_836 = arith.constant 11 : i32
      %broadcast_in_dim3A_837 = vector.broadcast %broadcast_in_dim3A_836 : i32 to vector<16xi32>
      %gather3A_838 = tpu.vector_load_idx %arg12[%iota3A, %broadcast_in_dim3A_837] : memref<16x16xi32, #tpu.memory_space<vmem>>[vector<16xi32>, vector<16xi32>], vector<16xi32>,
      %bitcast3A_839 = vector.bitcast %gather3A_838 : vector<16xi32> to vector<32xbf16>
      %add3A_840 = arith.addf %add3A_835, %bitcast3A_839 : vector<32xbf16>
      %unpack3A_841 = tpu.unpack_subelements %add3A_840, 0 {pack_format = #tpu.pack_format<interleaved>} : vector<32xbf16> -> vector<16xf32>
      %unpack3A_842 = tpu.unpack_subelements %add3A_840, 1 {pack_format = #tpu.pack_format<interleaved>} : vector<32xbf16> -> vector<16xf32>
      %add3A_843 = arith.addf %unpack3A_841, %unpack3A_842 : vector<16xf32>
      %add3A_844 = arith.addf %add3A_821, %add3A_843 : vector<16xf32>
      %broadcast_in_dim3A_845 = arith.constant 12 : i32
      %broadcast_in_dim3A_846 = vector.broadcast %broadcast_in_dim3A_845 : i32 to vector<16xi32>
      %gather3A_847 = tpu.vector_load_idx %arg12[%iota3A, %broadcast_in_dim3A_846] : memref<16x16xi32, #tpu.memory_space<vmem>>[vector<16xi32>, vector<16xi32>], vector<16xi32>,
      %bitcast3A_848 = vector.bitcast %gather3A_847 : vector<16xi32> to vector<32xbf16>
      %broadcast_in_dim3A_849 = arith.constant 13 : i32
      %broadcast_in_dim3A_850 = vector.broadcast %broadcast_in_dim3A_849 : i32 to vector<16xi32>
      %gather3A_851 = tpu.vector_load_idx %arg12[%iota3A, %broadcast_in_dim3A_850] : memref<16x16xi32, #tpu.memory_space<vmem>>[vector<16xi32>, vector<16xi32>], vector<16xi32>,
      %bitcast3A_852 = vector.bitcast %gather3A_851 : vector<16xi32> to vector<32xbf16>
      %add3A_853 = arith.addf %bitcast3A_848, %bitcast3A_852 : vector<32xbf16>
      %broadcast_in_dim3A_854 = arith.constant 14 : i32
      %broadcast_in_dim3A_855 = vector.broadcast %broadcast_in_dim3A_854 : i32 to vector<16xi32>
      %gather3A_856 = tpu.vector_load_idx %arg12[%iota3A, %broadcast_in_dim3A_855] : memref<16x16xi32, #tpu.memory_space<vmem>>[vector<16xi32>, vector<16xi32>], vector<16xi32>,
      %bitcast3A_857 = vector.bitcast %gather3A_856 : vector<16xi32> to vector<32xbf16>
      %add3A_858 = arith.addf %add3A_853, %bitcast3A_857 : vector<32xbf16>
      %broadcast_in_dim3A_859 = arith.constant 15 : i32
      %broadcast_in_dim3A_860 = vector.broadcast %broadcast_in_dim3A_859 : i32 to vector<16xi32>
      %gather3A_861 = tpu.vector_load_idx %arg12[%iota3A, %broadcast_in_dim3A_860] : memref<16x16xi32, #tpu.memory_space<vmem>>[vector<16xi32>, vector<16xi32>], vector<16xi32>,
      %bitcast3A_862 = vector.bitcast %gather3A_861 : vector<16xi32> to vector<32xbf16>
      %add3A_863 = arith.addf %add3A_858, %bitcast3A_862 : vector<32xbf16>
      %unpack3A_864 = tpu.unpack_subelements %add3A_863, 0 {pack_format = #tpu.pack_format<interleaved>} : vector<32xbf16> -> vector<16xf32>
      %unpack3A_865 = tpu.unpack_subelements %add3A_863, 1 {pack_format = #tpu.pack_format<interleaved>} : vector<32xbf16> -> vector<16xf32>
      %add3A_866 = arith.addf %unpack3A_864, %unpack3A_865 : vector<16xf32>
      %add3A_867 = arith.addf %add3A_844, %add3A_866 : vector<16xf32>
      %add3A_868 = arith.constant 9920 : i32
      %add3A_869 = arith.addi %add3A_868, %mul3A_46 : i32
      %swap3A_870 = arith.index_cast %add3A_869 : i32 to index
      %swap3A_871 = tpu.vector_load %arg13[%swap3A_870] {strides = array<i32>} : memref<10000xf32, #tpu.memory_space<vmem>>, vector<16xf32>,
      tpu.vector_store %arg13[%swap3A_870], %add3A_867 {strides = array<i32>} : memref<10000xf32, #tpu.memory_space<vmem>>, vector<16xf32>,
    }
    %scan3A_43 = arith.constant 5 : i32
    "tpu.region"() ({
      %run_scoped3A = tpu.sem_alloc : memref<!tpu.dma_semaphore, #tpu.memory_space<semaphore_mem>>
      %dma_start3A_44 = tpu.memref_slice %arg5[%mul3A_2] : memref<320000xf32, #tpu.memory_space<hbm>> -> memref<10000xf32, #tpu.memory_space<hbm>>
      %dma_start3A_45 = tpu.memref_slice %arg5[%mul3A_2] : memref<320000xf32, #tpu.memory_space<hbm>> -> memref<10000xf32, #tpu.memory_space<hbm>>
      tpu.enqueue_dma source(%arg13 : memref<10000xf32, #tpu.memory_space<vmem>>) target(%dma_start3A_45 : memref<10000xf32, #tpu.memory_space<hbm>>) target_semaphore(%run_scoped3A : memref<!tpu.dma_semaphore, #tpu.memory_space<semaphore_mem>>)
      %dma_wait3A_46 = tpu.memref_slice %arg5[%mul3A_2] : memref<320000xf32, #tpu.memory_space<hbm>> -> memref<10000xf32, #tpu.memory_space<hbm>>
      %dma_wait3A_47 = tpu.memref_slice %arg5[%mul3A_2] : memref<320000xf32, #tpu.memory_space<hbm>> -> memref<10000xf32, #tpu.memory_space<hbm>>
      tpu.wait_dma2 semaphore(%run_scoped3A : memref<!tpu.dma_semaphore, #tpu.memory_space<semaphore_mem>>) src(%arg13 : memref<10000xf32, #tpu.memory_space<vmem>>) dst(%dma_wait3A_47 : memref<10000xf32, #tpu.memory_space<hbm>>)
      tpu.yield
    }) : () -> ()
    return
  }
}

</mosaic_0001>

<sc_bundles>
// kernel: _gather_dot.3.cloned.1.call-start
scs
__scs_entry_jumppad:
0x0: {  	(pc) =	sbr.rel $0x88, $3  }
0x1: {  	(tag) =	ssettag $0x0;
	lr =	simm.s32 $0x1  }
0x2: {  	[smem:$0x3F9E] =	sst lr;
	_ =	strace $0xD0000000  }
0x3: {  	_ = 	snop  }
0x4: {  	_ = 	snop  }
0x5: {  	_ = 	snop  }
0x6: {  	_ = 	snop  }
0x7: {  	_ = 	snop  }
__scs_overlays_trampoline_lowered:
0x8: {  	[smem:$0x3FAD] =	sst s0  }
0x9: {  	[smem:$0x3FAE] =	sst s1  }
0xa: {  	[smem:$0x3FAF] =	sst s2  }
0xb: {  	[smem:$0x3FB0] =	sst s3  }
0xc: {  	[smem:$0x3FB1] =	sst s4  }
0xd: {  	[smem:$0x3FB2] =	sst s5  }
0xe: {  	[smem:$0x3FB3] =	sst s6  }
0xf: {  	[smem:$0x3FB4] =	sst s7  }
0x10: {  	[smem:$0x3FB5] =	sst s8  }
0x11: {  	[smem:$0x3FB6] =	sst s9;
	s0 =	simm.s32 @!p0 $0x0  }
0x12: {  	s1 =	sld [smem:$0x3F9C];
	s0 =	simm.s32 @p0 $0x1  }
0x13: {  	[smem:$0x3FB7] =	sst s0;
	s0 =	simm.s32 @!p1 $0x0  }
0x14: {  	s2 =	sld [smem:$0x3F9B];
	s0 =	simm.s32 @p1 $0x1  }
0x15: {  	[smem:$0x3FB8] =	sst s0;
	s0 =	simm.s32 @!p2 $0x0  }
0x16: {  	s3 =	sld [smem:$0x3FDB];
	s0 =	simm.s32 @p2 $0x1  }
0x17: {  	s4 =	simm.s32 $0x1BF5;
	[smem:$0x3FBA] =	sst s0  }
0x18: {  	s0 =	sld [smem:$0x3F9D];
	_ =	swait.ge [sflag:s4], $0x0  }
0x19: {  	s7 =	sld [smem:$0x3F9E]  }
0x1a: {  	s8 =	sadd.s32 $0xFFFFE003, lr  }
0x1b: {  	s9 =	sadd.s32 $0xFFFFFEF7, lr;
	s5 =	simm.s32 $0xFFFFFFFF;
	p2 =	slt.u32 s8, $0xFFFFF086  }
0x1c: {  	p1 =	slt.u32 s9, $0xF7A;
	s5 =	simm.s32 @!p2 $0x0  }
0x1d: {  	s5 =	simm.s32 @p1 $0x1;
	p0 =	seq.s32 s7, s2  }
0x1e: {  	s7 =	smul.u32 @!p0 $0xF7A, s2;
	p2 =	seq.s32 @!p0 s5, $0x0  }
0x1f: {  	s9 =	smul.u32 $0xF7A, s1;
	s8 =	simm.s32 @!p0 $0x1BF5;
	p2 =	por !p2, p0  }
0x20: {  	[sflag:s8] =	ssyncset.s32 @!p0 $0xFFFFF086;
	s6 =	sadd.s32 @!p0 s3, s7;
	s7 =	simm.s32 @!p0 $0x108  }
0x21: {  	s3 =	sadd.s32 s3, s9;
	s6 =	sadd.s32 @!p0 $0x88, s6;
	s7 =	simm.s32 @p2 $0x1082  }
0x22: {  	[simem:s7], [sflag:s8] =	dma.local @!p0 [hbm:s6], $0xF7A  }
0x23: {  	s9 =	sor.u32 $0xD0000000, s2;
	s6 =	simm.s32 $0x108;
	_ =	swait.ge @!p0 [sflag:s8], $0x0  }
0x24: {  	s3 =	sadd.s32 $0x88, s3;
	s6 =	simm.s32 @!p1 $0x1082;
	[sflag:s4] =	ssyncset.s32 $0xFFFFF086  }
0x25: {  	[simem:s6], [sflag:s4] =	dma.local [hbm:s3], $0xF7A  }
0x26: {  	[smem:$0x3F9E] =	sst s1;
	(tag) =	ssettag s2;
	_ =	strace s9  }
0x27: {  	s1 =	sld [smem:$0x3FAE]  }
0x28: {  	s2 =	sld [smem:$0x3FAF]  }
0x29: {  	s4 =	sld [smem:$0x3FB1]  }
0x2a: {  	p0 =	seq.s32 s5, $0x0;
	s5 =	sld [smem:$0x3FB2]  }
0x2b: {  	s6 =	sld [smem:$0x3FB3]  }
0x2c: {  	s7 =	sld [smem:$0x3FB4]  }
0x2d: {  	s3 =	simm.s32 $0x108;
	s8 =	sld [smem:$0x3FB5]  }
0x2e: {  	s3 =	simm.s32 @!p0 $0x1082;
	s9 =	sld [smem:$0x3FB6]  }
0x2f: {  	lr =	sadd.s32 s0, s3;
	s0 =	sld [smem:$0x3FAD]  }
0x30: {  	s3 =	sld [smem:$0x3FB0]  }
0x31: {  	[smem:$0x3FB9] =	sst s10  }
0x32: {  	s10 =	sld [smem:$0x3FB7];
	_ =	sdelay $0x3  }
0x33: {  	p0 =	seq.s32 s10, $0x1;
	s10 =	sld [smem:$0x3FB9];
	_ =	sdelay $0x3  }
0x34: {  	[smem:$0x3FB9] =	sst s10  }
0x35: {  	s10 =	sld [smem:$0x3FB8];
	_ =	sdelay $0x3  }
0x36: {  	p1 =	seq.s32 s10, $0x1;
	s10 =	sld [smem:$0x3FB9];
	_ =	sdelay $0x3  }
0x37: {  	[smem:$0x3FB9] =	sst s10  }
0x38: {  	s10 =	sld [smem:$0x3FBA]  }
0x39: {  	_ = 	snop;
	(pc) =	sbr.ind lr, $3  }
0x3a: {  	_ = 	snop  }
0x3b: {  	_ = 	snop  }
0x3c: {  	p2 =	seq.s32 s10, $0x1;
	s10 =	sld [smem:$0x3FB9]  }
0x3d: {  	_ =	shalt  }
0x3e: {  	_ =	shalt  }
0x3f: {  	_ =	shalt  }
0x40: {  	_ =	shalt  }
0x41: {  	_ =	shalt  }
0x42: {  	_ =	shalt  }
0x43: {  	_ =	shalt  }
0x44: {  	_ =	shalt  }
0x45: {  	_ =	shalt  }
0x46: {  	_ =	shalt  }
0x47: {  	_ =	shalt  }
0x48: {  	_ =	shalt  }
0x49: {  	_ =	shalt  }
0x4a: {  	_ =	shalt  }
0x4b: {  	_ =	shalt  }
0x4c: {  	_ =	shalt  }
0x4d: {  	_ =	shalt  }
0x4e: {  	_ =	shalt  }
0x4f: {  	_ =	shalt  }
0x50: {  	_ =	shalt  }
0x51: {  	_ =	shalt  }
0x52: {  	_ =	shalt  }
0x53: {  	_ =	shalt  }
0x54: {  	_ =	shalt  }
0x55: {  	_ =	shalt  }
0x56: {  	_ =	shalt  }
0x57: {  	_ =	shalt  }
0x58: {  	_ =	shalt  }
0x59: {  	_ =	shalt  }
0x5a: {  	_ =	shalt  }
0x5b: {  	_ =	shalt  }
0x5c: {  	_ =	shalt  }
0x5d: {  	_ =	shalt  }
0x5e: {  	_ =	shalt  }
0x5f: {  	_ =	shalt  }
0x60: {  	_ =	shalt  }
0x61: {  	_ =	shalt  }
0x62: {  	_ =	shalt  }
0x63: {  	_ =	shalt  }
0x64: {  	_ =	shalt  }
0x65: {  	_ =	shalt  }
0x66: {  	_ =	shalt  }
0x67: {  	_ =	shalt  }
0x68: {  	_ =	shalt  }
0x69: {  	_ =	shalt  }
0x6a: {  	_ =	shalt  }
0x6b: {  	_ =	shalt  }
0x6c: {  	_ =	shalt  }
0x6d: {  	_ =	shalt  }
0x6e: {  	_ =	shalt  }
0x6f: {  	_ =	shalt  }
0x70: {  	_ =	shalt  }
0x71: {  	_ =	shalt  }
0x72: {  	_ =	shalt  }
0x73: {  	_ =	shalt  }
0x74: {  	_ =	shalt  }
0x75: {  	_ =	shalt  }
0x76: {  	_ =	shalt  }
0x77: {  	_ =	shalt  }
0x78: {  	_ =	shalt  }
0x79: {  	_ =	shalt  }
0x7a: {  	_ =	shalt  }
0x7b: {  	_ =	shalt  }
0x7c: {  	_ =	shalt  }
0x7d: {  	_ =	shalt  }
0x7e: {  	_ =	shalt  }
0x7f: {  	_ =	shalt  }
0x80: {  	_ =	shalt  }
0x81: {  	_ =	shalt  }
0x82: {  	_ =	shalt  }
0x83: {  	_ =	shalt  }
0x84: {  	_ =	shalt  }
0x85: {  	_ =	shalt  }
0x86: {  	_ =	shalt  }
0x87: {  	_ =	shalt  }
.Lfunc_end0:
.L_simem_size_0:
called_computation_lowered:
.L_overlay_start_0:
0x88: {  	s2 =	sld [smem:$0x3FD9]  }
0x89: {  	s3 =	sld [smem:$0x3FFE];
	_ =	sdelay $0x1  }
0x8a: {  	s1 =	srdreg.scid  }
0x8b: {  	s0 =	sand.u32 $0x1, s1  }
0x8c: {  	s17 =	sshll.u32 s0, $0xA;
	s2 =	sadd.s32 s3, s2  }
0x8d: {  	s2 =	sadd.s32 s2, s17  }
0x8e: {  	[smem:$0x3FC5] =	sst s2  }
0x8f: {  	_ = 	snop  }
0x90: {  	s2 =	sld [smem:$0x3FC8]  }
0x91: {  	s18 =	sld [smem:$0x3FC7]  }
0x92: {  	s4 =	sld [smem:$0x3FD0];
	(tm) =	ssettm $0x1  }
0x93: {  	s5 =	sld [smem:$0x3FFB];
	_ =	sdelay $0x3  }
0x94: {  	_ =	strace s5  }
0x95: {  	s5 =	sld [smem:$0x3FFC];
	_ =	sdelay $0x3  }
0x96: {  	_ =	strace s5  }
0x97: {  	s5 =	sld [smem:$0x3FFD];
	_ =	sdelay $0x3  }
0x98: {  	_ =	strace s5  }
0x99: {  	_ =	strace $0x8FFFFFFF  }
0x9a: {  	s19 =	sld [smem:$0x3FDB];
	_ =	sdelay $0x1  }
0x9b: {  	s6 =	simm.s32 $_scs_section_size  }
0x9c: {  	s7 =	simm.s32 $_size__tile_overlayer_lowered;
	s8 =	simm.s32 $_tile_overlayer_lowered  }
0x9d: {  	s22 =	simm.s32 $0x1BFF;
	s21 =	sshll.u32 s8, $0x1;
	s5 =	sadd.s32 s6, s19  }
0x9e: {  	s9 =	simm.s32 $0x0;
	s20 =	sshll.u32 s7, $0x1;
	s7 =	sadd.s32 s21, s5  }
0x9f: {  	[timem:s9], [sflag:s22] =	dma.local [hbm:s7], s20  }
0xa0: {  	_ =	swait.ge [sflag:s22], s20  }
0xa1: {  	s6 =	ssub.s32 $0x0, s20;
	[sflag:s22] =	ssyncset.done $0x0  }
0xa2: {  	[sflag:s22] =	ssyncadd.s32 s6;
	_ =	sdelay $0x1  }
0xa3: {  	s23 =	simm.s32 $0x1B8B  }
0xa4: {  	_ =	swait.ge [sflag:s23], $0x1  }
0xa5: {  	[sflag:s23] =	ssyncset.done $0x0  }
0xa6: {  	s25 =	simm.s32 $0x1B8E;
	s24 =	sld [smem:$0x3FFE];
	[sflag:s23] =	ssyncadd.s32 $0xFFFFFFFF  }
0xa7: {  	s26 =	simm.s32 $execute0_lowered;
	[smem:$0x3FD2] =	sst s25  }
0xa8: {  	s7 =	sshll.u32 s26, $0x1;
	_ =	strace $0x80000046;
	[dreg:$0x1] =	wrdreg $0xFFFFFFFF  }
0xa9: {  	s28 =	simm.s32 $_size_execute0_lowered;
	s5 =	sadd.s32 s5, s7;
	[dreg:$0x0] =	wrdreg $0x0  }
0xaa: {  	s7 =	sshll.u32 s28, $0x1;
	[dreg:$0x2] =	wrdreg s5  }
0xab: {  	[dreg:$0x3] =	wrdreg s7  }
0xac: {  	[dreg:$0x4] =	wrdreg $0xC0  }
0xad: {  	_ =	task [dreg:s9], $0x5FFFF  }
0xae: {  	[dreg:$0x1] =	wrdreg $0xFFFFFFFF  }
0xaf: {  	[dreg:$0x0] =	wrdreg $0x60  }
0xb0: {  	[dreg:$0x2] =	wrdreg s24  }
0xb1: {  	[dreg:$0x3] =	wrdreg s2  }
0xb2: {  	[dreg:$0x4] =	wrdreg s18  }
0xb3: {  	[dreg:$0x5] =	wrdreg s4  }
0xb4: {  	[dreg:$0x6] =	wrdreg $0x9  }
0xb5: {  	_ =	task.clear_ibuf [dreg:s9], $0x7FFFF;
	_ =	strace $0x90000046  }
0xb6: {  	s29 =	simm.s32 $0x9;
	_ =	strace $0x80000048  }
0xb7: {  	_ =	swait.ge [sflag:s29], $0x1  }
0xb8: {  	[sflag:s29] =	ssyncadd.s32 $0xFFFFFFFF  }
0xb9: {  	_ =	strace $0x90000048  }
0xba: {  	_ =	sfence  }
0xbb: {  	s30 =	sld [smem:$0x0];
	_ =	sdelay $0x2  }
0xbc: {  	s31 =	sshll.u32 s1, $0xD;
	s1 =	sshrl.u32 s1, $0x2  }
0xbd: {  	s3 =	sand.u32 $0x4000, s31;
	s1 =	sadd.s32 s1, s30  }
0xbe: {  	s0 =	sor.u32 s3, s0;
	s1 =	sshll.u32 s1, $0x11  }
0xbf: {  	s0 =	sor.u32 s1, s0  }
0xc0: {  	s0 =	sadd.s32 $0x8F2B, s0  }
0xc1: {  	[sflag:s0] =	ssyncadd.remote.s32 $0x1  }
0xc2: {  	_ =	sfence.sel $0xFFFF  }
0xc3: {  	[dreg:$0x0] =	wrdreg $0xFFFFFFFF;
	(pc) =	sbr.abs _section_cstart, $3  }
0xc4: {  	[dreg:$0x1] =	wrdreg $0xFFFFFFFF  }
0xc5: {  	_ =	task.clear_ibuf [dreg:s9], $0x2FFFF;
	_ =	strace $0x9FFFFFFF  }
0xc6: {  	(tm) =	ssettm $0x7FFFFFFF  }
0xc7: {  	_ =	shalt  }
tec
execute0_lowered:
.L_overlay_start_1:
0x0: {  	(tag) =	ssettag $0x1  }
0x1: {  	s3 =	rddreg [dreg:$0x0]  }
0x2: {  	s4 =	rddreg [dreg:$0x1]  }
0x3: {  	s5 =	rddreg [dreg:$0x2]  }
0x4: {  	s1 =	srdreg.scid;
	s0 =	stileid.u32  }
0x5: {  	s6 =	rddreg [dreg:$0x3];
	s2 =	simm.s32 $0x0;
	s10 =	simm.s32 $0x50  }
0x6: {  	s11 =	simm.s32 $0x4E20;
	s12 =	simm.s32 $0x6220;
	s13 =	simm.s32 $0x7620  }
0x7: {  	v0 =	vlaneseq.u32;
	s14 =	simm.s32 $0x2760;
	s15 =	simm.s32 $0x8A20;
	s16 =	simm.s32 $0x1  }
0x8: {  	s17 =	simm.s32 $0x9E20;
	s18 =	simm.s32 $0x2;
	s19 =	simm.s32 $0x9F20;
	v0 =	vmul.u32 $0x10, v0  }
0x9: {  	s20 =	simm.s32 $0x0;
	s7 =	sand.u32 $0x1, s1;
	s8 =	sshll.u32 s0, $0x1  }
0xa: {  	s1 =	rddreg [dreg:$0x4];
	s8 =	sor.u32 s7, s8;
	s7 =	ssub.s32 $0x2, s7;
	v1 =	vor.u32 $0x1, v0;
	v2 =	vor.u32 $0x2, v0;
	v3 =	vor.u32 $0x3, v0  }
0xb: {  	[smem:$0x7FF] =	sst s2;
	s8 =	smul.u32 $0x4E2, s8;
	s9 =	sshrl.u32 s7, $0x1;
	v4 =	vor.u32 $0x4, v0;
	v5 =	vor.u32 $0x5, v0;
	v6 =	vor.u32 $0x6, v0  }
0xc: {  	s3 =	sadd.s32 $0x400, s3;
	_ =	strace $0x80000047;
	v7 =	vor.u32 $0x7, v0;
	v8 =	vor.u32 $0x8, v0;
	v9 =	vor.u32 $0x9, v0;
	s7 =	ssub.s32 s7, s9  }
0xd: {  	v10 =	vor.u32 $0xA, v0;
	v11 =	vor.u32 $0xB, v0;
	v12 =	vor.u32 $0xC, v0;
	s9 =	simm.s32 $0x2710;
	s4 =	sadd.s32 s4, s8;
	s5 =	sadd.s32 s5, s8  }
0xe: {  	v13 =	vor.u32 $0xD, v0;
	v14 =	vor.u32 $0xE, v0;
	v15 =	vor.u32 $0xF, v0;
	s6 =	sadd.s32 s6, s8;
	s7 =	smax.u32 s7, $0x1;
	s8 =	simm.s32 $0x3  }
.LBB2_1:
0xf: {  	[tilespmem:s2], [sflag:$0x3] =	stream.linear.gather [hbm4b:s4+s2], $0x2710, $0x38;
	[tilespmem:$0xC630] =	vst v63  }
0x10: {  	_ =	swait.ge [sflag:s8], $0x2710  }
0x11: {  	[sflag:s8] =	ssyncset.done $0x0  }
0x12: {  	[sflag:s8] =	ssyncadd.s32 $0xFFFFD8F0  }
0x13: {  	[tilespmem:s9], [sflag:$0x3] =	stream.linear.gather [hbm4b:s5+s2], $0x2710, $0x38;
	[tilespmem:$0xC630] =	vst v63  }
0x14: {  	_ =	swait.ge [sflag:s8], $0x2710  }
0x15: {  	[sflag:s8] =	ssyncset.done $0x0  }
0x16: {  	[sflag:s8] =	ssyncadd.s32 $0xFFFFD8F0  }
0x17: {  	[tilespmem:s11], [sflag:$0x1] =	stream.indirect.gather [hbm4b:s3+s10], $0x40, s2, s10, $0xb8;
	[tilespmem:$0xC630] =	vst v63  }
0x18: {  	_ = 	snop  }
0x19: {  	[tilespmem:s12], [sflag:$0x1] =	stream.indirect.gather [hbm4b:s3+s10], $0x40, s9, s10, $0xb8;
	[tilespmem:$0xC630] =	vst v63  }
0x1a: {  	_ = 	snop  }
0x1b: {  	[tilespmem:s13], [sflag:$0x2] =	stream.indirect.gather [hbm4b:s3+s10], $0x40, s10, s10, $0xb8;
	[tilespmem:$0xC630] =	vst v63  }
0x1c: {  	s21 =	simm.s32 $0x9F70;
	s22 =	simm.s32 $0x9F20;
	s23 =	simm.s32 $0x0  }
0x1d: {  	[tilespmem:s15], [sflag:$0x2] =	stream.indirect.gather [hbm4b:s3+s10], $0x40, s14, s10, $0xb8;
	[tilespmem:$0xC630] =	vst v63  }
.LBB2_2:
0x1e: {  	_ =	swait.ge [sflag:s16], $0x1400  }
0x1f: {  	[sflag:s16] =	ssyncset.done $0x0  }
0x20: {  	[sflag:s16] =	ssyncadd.s32 $0xFFFFEC00  }
0x21: {  	_ =	swait.ge [sflag:s16], $0x1400  }
0x22: {  	[sflag:s16] =	ssyncset.done $0x0  }
0x23: {  	s24 =	simm.s32 $0xFC0;
	s25 =	smov.u32 s22;
	[sflag:s16] =	ssyncadd.s32 $0xFFFFEC00  }
.LBB2_3:
0x24: {  	s26 =	sshra.s32 s24, $0x2  }
0x25: {  	v16 =	vld [tilespmem:s26+$0x4A30]  }
0x26: {  	v17 =	vld [tilespmem:s26+$0x5E30]  }
0x27: {  	v18 =	vld [tilespmem:s26+$0x4A40]  }
0x28: {  	v19 =	vld [tilespmem:s26+$0x5E40]  }
0x29: {  	v20 =	vld [tilespmem:s26+$0x4A50]  }
0x2a: {  	v21 =	vld [tilespmem:s26+$0x5E50]  }
0x2b: {  	v22 =	vld [tilespmem:s26+$0x4A60]  }
0x2c: {  	v23 =	vld [tilespmem:s26+$0x5E60]  }
0x2d: {  	v16 =	vmul.bf16 v17, v16;
	v17 =	vmul.bf16 v19, v18;
	_ =	sdelay $0x1  }
0x2e: {  	v16 =	vadd.bf16 v17, v16;
	v17 =	vmul.bf16 v21, v20;
	_ =	sdelay $0x1  }
0x2f: {  	v16 =	vadd.bf16 v17, v16;
	v17 =	vmul.bf16 v23, v22;
	_ =	sdelay $0x1  }
0x30: {  	v16 =	vadd.bf16 v17, v16;
	_ =	sdelay $0x1  }
0x31: {  	[tilespmem:$0x9E20] =	vst v16  }
0x32: {  	v16 =	vld [tilespmem:s26+$0x4A70]  }
0x33: {  	v17 =	vld [tilespmem:s26+$0x5E70]  }
0x34: {  	v40 =	vld [tilespmem:s26+$0x4A80]  }
0x35: {  	v41 =	vld [tilespmem:s26+$0x5E80]  }
0x36: {  	v42 =	vld [tilespmem:s26+$0x4A90]  }
0x37: {  	v43 =	vld [tilespmem:s26+$0x5E90]  }
0x38: {  	v44 =	vld [tilespmem:s26+$0x4AA0]  }
0x39: {  	v45 =	vld [tilespmem:s26+$0x5EA0]  }
0x3a: {  	v16 =	vmul.bf16 v17, v16;
	v17 =	vmul.bf16 v41, v40;
	_ =	sdelay $0x1  }
0x3b: {  	v16 =	vadd.bf16 v17, v16;
	v17 =	vmul.bf16 v43, v42;
	_ =	sdelay $0x1  }
0x3c: {  	v16 =	vadd.bf16 v17, v16;
	v17 =	vmul.bf16 v45, v44;
	_ =	sdelay $0x1  }
0x3d: {  	v16 =	vadd.bf16 v17, v16;
	_ =	sdelay $0x1  }
0x3e: {  	[tilespmem:$0x9E30] =	vst v16  }
0x3f: {  	v16 =	vld [tilespmem:s26+$0x4AB0]  }
0x40: {  	v17 =	vld [tilespmem:s26+$0x5EB0]  }
0x41: {  	v46 =	vld [tilespmem:s26+$0x4AC0]  }
0x42: {  	v47 =	vld [tilespmem:s26+$0x5EC0]  }
0x43: {  	v48 =	vld [tilespmem:s26+$0x4AD0]  }
0x44: {  	v49 =	vld [tilespmem:s26+$0x5ED0]  }
0x45: {  	v50 =	vld [tilespmem:s26+$0x4AE0]  }
0x46: {  	v51 =	vld [tilespmem:s26+$0x5EE0]  }
0x47: {  	v16 =	vmul.bf16 v17, v16;
	v17 =	vmul.bf16 v47, v46;
	_ =	sdelay $0x1  }
0x48: {  	v16 =	vadd.bf16 v17, v16;
	v17 =	vmul.bf16 v49, v48;
	_ =	sdelay $0x1  }
0x49: {  	v16 =	vadd.bf16 v17, v16;
	v17 =	vmul.bf16 v51, v50;
	_ =	sdelay $0x1  }
0x4a: {  	v16 =	vadd.bf16 v17, v16;
	_ =	sdelay $0x1  }
0x4b: {  	[tilespmem:$0x9E40] =	vst v16  }
0x4c: {  	v16 =	vld [tilespmem:s26+$0x4AF0]  }
0x4d: {  	v17 =	vld [tilespmem:s26+$0x5EF0]  }
0x4e: {  	v52 =	vld [tilespmem:s26+$0x4B00]  }
0x4f: {  	v53 =	vld [tilespmem:s26+$0x5F00]  }
0x50: {  	v54 =	vld [tilespmem:s26+$0x4B10]  }
0x51: {  	v55 =	vld [tilespmem:s26+$0x5F10]  }
0x52: {  	v56 =	vld [tilespmem:s26+$0x4B20]  }
0x53: {  	v57 =	vld [tilespmem:s26+$0x5F20]  }
0x54: {  	v16 =	vmul.bf16 v17, v16;
	v17 =	vmul.bf16 v53, v52;
	_ =	sdelay $0x1  }
0x55: {  	v16 =	vadd.bf16 v17, v16;
	v17 =	vmul.bf16 v55, v54;
	_ =	sdelay $0x1  }
0x56: {  	v16 =	vadd.bf16 v17, v16;
	v17 =	vmul.bf16 v57, v56;
	_ =	sdelay $0x1  }
0x57: {  	v16 =	vadd.bf16 v17, v16;
	_ =	sdelay $0x1  }
0x58: {  	[tilespmem:$0x9E50] =	vst v16  }
0x59: {  	v16 =	vld [tilespmem:s26+$0x4B30]  }
0x5a: {  	v17 =	vld [tilespmem:s26+$0x5F30]  }
0x5b: {  	v58 =	vld [tilespmem:s26+$0x4B40]  }
0x5c: {  	v59 =	vld [tilespmem:s26+$0x5F40]  }
0x5d: {  	v60 =	vld [tilespmem:s26+$0x4B50]  }
0x5e: {  	v61 =	vld [tilespmem:s26+$0x5F50]  }
0x5f: {  	v62 =	vld [tilespmem:s26+$0x4B60]  }
0x60: {  	v63 =	vld [tilespmem:s26+$0x5F60]  }
0x61: {  	v16 =	vmul.bf16 v17, v16;
	v17 =	vmul.bf16 v59, v58;
	_ =	sdelay $0x1  }
0x62: {  	v16 =	vadd.bf16 v17, v16;
	v17 =	vmul.bf16 v61, v60;
	_ =	sdelay $0x1  }
0x63: {  	v16 =	vadd.bf16 v17, v16;
	v17 =	vmul.bf16 v63, v62;
	_ =	sdelay $0x1  }
0x64: {  	v16 =	vadd.bf16 v17, v16;
	_ =	sdelay $0x1  }
0x65: {  	[tilespmem:$0x9E60] =	vst v16  }
0x66: {  	v16 =	vld [tilespmem:s26+$0x4B70]  }
0x67: {  	v17 =	vld [tilespmem:s26+$0x5F70]  }
0x68: {  	v24 =	vld [tilespmem:s26+$0x4B80]  }
0x69: {  	v25 =	vld [tilespmem:s26+$0x5F80]  }
0x6a: {  	v26 =	vld [tilespmem:s26+$0x4B90]  }
0x6b: {  	v27 =	vld [tilespmem:s26+$0x5F90]  }
0x6c: {  	v28 =	vld [tilespmem:s26+$0x4BA0]  }
0x6d: {  	v29 =	vld [tilespmem:s26+$0x5FA0]  }
0x6e: {  	v16 =	vmul.bf16 v17, v16;
	v17 =	vmul.bf16 v25, v24;
	_ =	sdelay $0x1  }
0x6f: {  	v16 =	vadd.bf16 v17, v16;
	v17 =	vmul.bf16 v27, v26;
	_ =	sdelay $0x1  }
0x70: {  	v16 =	vadd.bf16 v17, v16;
	v17 =	vmul.bf16 v29, v28;
	_ =	sdelay $0x1  }
0x71: {  	v16 =	vadd.bf16 v17, v16;
	_ =	sdelay $0x1  }
0x72: {  	[tilespmem:$0x9E70] =	vst v16  }
0x73: {  	v16 =	vld [tilespmem:s26+$0x4BB0]  }
0x74: {  	v17 =	vld [tilespmem:s26+$0x5FB0]  }
0x75: {  	v30 =	vld [tilespmem:s26+$0x4BC0]  }
0x76: {  	v31 =	vld [tilespmem:s26+$0x5FC0]  }
0x77: {  	v32 =	vld [tilespmem:s26+$0x4BD0]  }
0x78: {  	v33 =	vld [tilespmem:s26+$0x5FD0]  }
0x79: {  	v34 =	vld [tilespmem:s26+$0x4BE0]  }
0x7a: {  	v35 =	vld [tilespmem:s26+$0x5FE0]  }
0x7b: {  	v16 =	vmul.bf16 v17, v16;
	v17 =	vmul.bf16 v31, v30;
	_ =	sdelay $0x1  }
0x7c: {  	v16 =	vadd.bf16 v17, v16;
	v17 =	vmul.bf16 v33, v32;
	_ =	sdelay $0x1  }
0x7d: {  	v16 =	vadd.bf16 v17, v16;
	v17 =	vmul.bf16 v35, v34;
	_ =	sdelay $0x1  }
0x7e: {  	v16 =	vadd.bf16 v17, v16;
	_ =	sdelay $0x1  }
0x7f: {  	[tilespmem:$0x9E80] =	vst v16  }
0x80: {  	v16 =	vld [tilespmem:s26+$0x4BF0]  }
0x81: {  	v17 =	vld [tilespmem:s26+$0x5FF0]  }
0x82: {  	v36 =	vld [tilespmem:s26+$0x4C00]  }
0x83: {  	v37 =	vld [tilespmem:s26+$0x6000]  }
0x84: {  	v38 =	vld [tilespmem:s26+$0x4C10]  }
0x85: {  	v39 =	vld [tilespmem:s26+$0x6010]  }
0x86: {  	v40 =	vld [tilespmem:s26+$0x4C20]  }
0x87: {  	v41 =	vld [tilespmem:s26+$0x6020]  }
0x88: {  	v16 =	vmul.bf16 v17, v16;
	v17 =	vmul.bf16 v37, v36;
	_ =	sdelay $0x1  }
0x89: {  	v16 =	vadd.bf16 v17, v16;
	v17 =	vmul.bf16 v39, v38;
	_ =	sdelay $0x1  }
0x8a: {  	v16 =	vadd.bf16 v17, v16;
	v17 =	vmul.bf16 v41, v40;
	_ =	sdelay $0x1  }
0x8b: {  	v16 =	vadd.bf16 v17, v16;
	_ =	sdelay $0x1  }
0x8c: {  	[tilespmem:$0x9E90] =	vst v16  }
0x8d: {  	v16 =	vld [tilespmem:s26+$0x4C30]  }
0x8e: {  	v17 =	vld [tilespmem:s26+$0x6030]  }
0x8f: {  	v42 =	vld [tilespmem:s26+$0x4C40]  }
0x90: {  	v43 =	vld [tilespmem:s26+$0x6040]  }
0x91: {  	v44 =	vld [tilespmem:s26+$0x4C50]  }
0x92: {  	v45 =	vld [tilespmem:s26+$0x6050]  }
0x93: {  	v46 =	vld [tilespmem:s26+$0x4C60]  }
0x94: {  	v47 =	vld [tilespmem:s26+$0x6060]  }
0x95: {  	v16 =	vmul.bf16 v17, v16;
	v17 =	vmul.bf16 v43, v42;
	_ =	sdelay $0x1  }
0x96: {  	v16 =	vadd.bf16 v17, v16;
	v17 =	vmul.bf16 v45, v44;
	_ =	sdelay $0x1  }
0x97: {  	v16 =	vadd.bf16 v17, v16;
	v17 =	vmul.bf16 v47, v46;
	_ =	sdelay $0x1  }
0x98: {  	v16 =	vadd.bf16 v17, v16;
	_ =	sdelay $0x1  }
0x99: {  	[tilespmem:$0x9EA0] =	vst v16  }
0x9a: {  	v16 =	vld [tilespmem:s26+$0x4C70]  }
0x9b: {  	v17 =	vld [tilespmem:s26+$0x6070]  }
0x9c: {  	v48 =	vld [tilespmem:s26+$0x4C80]  }
0x9d: {  	v49 =	vld [tilespmem:s26+$0x6080]  }
0x9e: {  	v50 =	vld [tilespmem:s26+$0x4C90]  }
0x9f: {  	v51 =	vld [tilespmem:s26+$0x6090]  }
0xa0: {  	v52 =	vld [tilespmem:s26+$0x4CA0]  }
0xa1: {  	v53 =	vld [tilespmem:s26+$0x60A0]  }
0xa2: {  	v16 =	vmul.bf16 v17, v16;
	v17 =	vmul.bf16 v49, v48;
	_ =	sdelay $0x1  }
0xa3: {  	v16 =	vadd.bf16 v17, v16;
	v17 =	vmul.bf16 v51, v50;
	_ =	sdelay $0x1  }
0xa4: {  	v16 =	vadd.bf16 v17, v16;
	v17 =	vmul.bf16 v53, v52;
	_ =	sdelay $0x1  }
0xa5: {  	v16 =	vadd.bf16 v17, v16;
	_ =	sdelay $0x1  }
0xa6: {  	[tilespmem:$0x9EB0] =	vst v16  }
0xa7: {  	v16 =	vld [tilespmem:s26+$0x4CB0]  }
0xa8: {  	v17 =	vld [tilespmem:s26+$0x60B0]  }
0xa9: {  	v54 =	vld [tilespmem:s26+$0x4CC0]  }
0xaa: {  	v55 =	vld [tilespmem:s26+$0x60C0]  }
0xab: {  	v56 =	vld [tilespmem:s26+$0x4CD0]  }
0xac: {  	v57 =	vld [tilespmem:s26+$0x60D0]  }
0xad: {  	v58 =	vld [tilespmem:s26+$0x4CE0]  }
0xae: {  	v59 =	vld [tilespmem:s26+$0x60E0]  }
0xaf: {  	v16 =	vmul.bf16 v17, v16;
	v17 =	vmul.bf16 v55, v54;
	_ =	sdelay $0x1  }
0xb0: {  	v16 =	vadd.bf16 v17, v16;
	v17 =	vmul.bf16 v57, v56;
	_ =	sdelay $0x1  }
0xb1: {  	v16 =	vadd.bf16 v17, v16;
	v17 =	vmul.bf16 v59, v58;
	_ =	sdelay $0x1  }
0xb2: {  	v16 =	vadd.bf16 v17, v16;
	_ =	sdelay $0x1  }
0xb3: {  	[tilespmem:$0x9EC0] =	vst v16  }
0xb4: {  	v16 =	vld [tilespmem:s26+$0x4CF0]  }
0xb5: {  	v17 =	vld [tilespmem:s26+$0x60F0]  }
0xb6: {  	v60 =	vld [tilespmem:s26+$0x4D00]  }
0xb7: {  	v61 =	vld [tilespmem:s26+$0x6100]  }
0xb8: {  	v62 =	vld [tilespmem:s26+$0x4D10]  }
0xb9: {  	v63 =	vld [tilespmem:s26+$0x6110]  }
0xba: {  	v24 =	vld [tilespmem:s26+$0x4D20]  }
0xbb: {  	v25 =	vld [tilespmem:s26+$0x6120]  }
0xbc: {  	v16 =	vmul.bf16 v17, v16;
	v17 =	vmul.bf16 v61, v60;
	_ =	sdelay $0x1  }
0xbd: {  	v16 =	vadd.bf16 v17, v16;
	v17 =	vmul.bf16 v63, v62;
	_ =	sdelay $0x1  }
0xbe: {  	v16 =	vadd.bf16 v17, v16;
	v17 =	vmul.bf16 v25, v24;
	_ =	sdelay $0x1  }
0xbf: {  	v16 =	vadd.bf16 v17, v16;
	_ =	sdelay $0x1  }
0xc0: {  	[tilespmem:$0x9ED0] =	vst v16  }
0xc1: {  	v16 =	vld [tilespmem:s26+$0x4D30]  }
0xc2: {  	v17 =	vld [tilespmem:s26+$0x6130]  }
0xc3: {  	v26 =	vld [tilespmem:s26+$0x4D40]  }
0xc4: {  	v27 =	vld [tilespmem:s26+$0x6140]  }
0xc5: {  	v28 =	vld [tilespmem:s26+$0x4D50]  }
0xc6: {  	v29 =	vld [tilespmem:s26+$0x6150]  }
0xc7: {  	v30 =	vld [tilespmem:s26+$0x4D60]  }
0xc8: {  	v31 =	vld [tilespmem:s26+$0x6160]  }
0xc9: {  	v16 =	vmul.bf16 v17, v16;
	v17 =	vmul.bf16 v27, v26;
	_ =	sdelay $0x1  }
0xca: {  	v16 =	vadd.bf16 v17, v16;
	v17 =	vmul.bf16 v29, v28;
	_ =	sdelay $0x1  }
0xcb: {  	v16 =	vadd.bf16 v17, v16;
	v17 =	vmul.bf16 v31, v30;
	_ =	sdelay $0x1  }
0xcc: {  	v16 =	vadd.bf16 v17, v16;
	_ =	sdelay $0x1  }
0xcd: {  	[tilespmem:$0x9EE0] =	vst v16  }
0xce: {  	v16 =	vld [tilespmem:s26+$0x4D70]  }
0xcf: {  	v17 =	vld [tilespmem:s26+$0x6170]  }
0xd0: {  	v32 =	vld [tilespmem:s26+$0x4D80]  }
0xd1: {  	v33 =	vld [tilespmem:s26+$0x6180]  }
0xd2: {  	v34 =	vld [tilespmem:s26+$0x4D90]  }
0xd3: {  	v35 =	vld [tilespmem:s26+$0x6190]  }
0xd4: {  	v36 =	vld [tilespmem:s26+$0x4DA0]  }
0xd5: {  	v37 =	vld [tilespmem:s26+$0x61A0]  }
0xd6: {  	v16 =	vmul.bf16 v17, v16;
	v17 =	vmul.bf16 v33, v32;
	_ =	sdelay $0x1  }
0xd7: {  	v16 =	vadd.bf16 v17, v16;
	v17 =	vmul.bf16 v35, v34;
	_ =	sdelay $0x1  }
0xd8: {  	v16 =	vadd.bf16 v17, v16;
	v17 =	vmul.bf16 v37, v36;
	_ =	sdelay $0x1  }
0xd9: {  	v16 =	vadd.bf16 v17, v16;
	_ =	sdelay $0x1  }
0xda: {  	[tilespmem:$0x9EF0] =	vst v16  }
0xdb: {  	v16 =	vld [tilespmem:s26+$0x4DB0]  }
0xdc: {  	v17 =	vld [tilespmem:s26+$0x61B0]  }
0xdd: {  	v38 =	vld [tilespmem:s26+$0x4DC0]  }
0xde: {  	v39 =	vld [tilespmem:s26+$0x61C0]  }
0xdf: {  	v40 =	vld [tilespmem:s26+$0x4DD0]  }
0xe0: {  	v41 =	vld [tilespmem:s26+$0x61D0]  }
0xe1: {  	v42 =	vld [tilespmem:s26+$0x4DE0]  }
0xe2: {  	v43 =	vld [tilespmem:s26+$0x61E0]  }
0xe3: {  	v16 =	vmul.bf16 v17, v16;
	v17 =	vmul.bf16 v39, v38;
	_ =	sdelay $0x1  }
0xe4: {  	v16 =	vadd.bf16 v17, v16;
	v17 =	vmul.bf16 v41, v40;
	_ =	sdelay $0x1  }
0xe5: {  	v16 =	vadd.bf16 v17, v16;
	v17 =	vmul.bf16 v43, v42;
	_ =	sdelay $0x1  }
0xe6: {  	v16 =	vadd.bf16 v17, v16;
	_ =	sdelay $0x1  }
0xe7: {  	[tilespmem:$0x9F00] =	vst v16  }
0xe8: {  	v16 =	vld [tilespmem:s26+$0x4DF0]  }
0xe9: {  	v17 =	vld [tilespmem:s26+$0x61F0]  }
0xea: {  	v44 =	vld [tilespmem:s26+$0x4E00]  }
0xeb: {  	v45 =	vld [tilespmem:s26+$0x6200]  }
0xec: {  	v46 =	vld [tilespmem:s26+$0x4E10]  }
0xed: {  	v47 =	vld [tilespmem:s26+$0x6210]  }
0xee: {  	v48 =	vld [tilespmem:s26+$0x4E20]  }
0xef: {  	v49 =	vld [tilespmem:s26+$0x6220]  }
0xf0: {  	v16 =	vmul.bf16 v17, v16;
	v17 =	vmul.bf16 v45, v44;
	_ =	sdelay $0x1  }
0xf1: {  	v16 =	vadd.bf16 v17, v16;
	v17 =	vmul.bf16 v47, v46;
	_ =	sdelay $0x1  }
0xf2: {  	v16 =	vadd.bf16 v17, v16;
	v17 =	vmul.bf16 v49, v48;
	_ =	sdelay $0x1  }
0xf3: {  	v16 =	vadd.bf16 v17, v16;
	_ =	sdelay $0x1  }
0xf4: {  	[tilespmem:$0x9F10] =	vst v16  }
0xf5: {  	v16 =	vld.idx.msk [tilespmem:v0+s17+$0x0], $0xffff  }
0xf6: {  	v17 =	vld.idx.msk [tilespmem:v1+s17+$0x0], $0xffff  }
0xf7: {  	v50 =	vld.idx.msk [tilespmem:v2+s17+$0x0], $0xffff  }
0xf8: {  	v51 =	vld.idx.msk [tilespmem:v3+s17+$0x0], $0xffff  }
0xf9: {  	v52 =	vld.idx.msk [tilespmem:v4+s17+$0x0], $0xffff  }
0xfa: {  	v53 =	vld.idx.msk [tilespmem:v5+s17+$0x0], $0xffff  }
0xfb: {  	v54 =	vld.idx.msk [tilespmem:v6+s17+$0x0], $0xffff  }
0xfc: {  	v55 =	vld.idx.msk [tilespmem:v7+s17+$0x0], $0xffff  }
0xfd: {  	v24 =	vld.idx.msk [tilespmem:v8+s17+$0x0], $0xffff  }
0xfe: {  	v25 =	vld.idx.msk [tilespmem:v9+s17+$0x0], $0xffff  }
0xff: {  	v26 =	vld.idx.msk [tilespmem:v10+s17+$0x0], $0xffff  }
0x100: {  	v27 =	vld.idx.msk [tilespmem:v12+s17+$0x0], $0xffff  }
0x101: {  	v16 =	vadd.bf16 v17, v16;
	v17 =	vld.idx.msk [tilespmem:v13+s17+$0x0], $0xffff  }
0x102: {  	v56 =	vld.idx.msk [tilespmem:v11+s17+$0x0], $0xffff;
	v20 =	vadd.bf16 v53, v52  }
0x103: {  	v58 =	vld.idx.msk [tilespmem:v14+s17+$0x0], $0xffff;
	v57 =	vadd.bf16 v25, v24;
	v16 =	vadd.bf16 v50, v16  }
0x104: {  	v20 =	vadd.bf16 v54, v20  }
0x105: {  	v59 =	vld.idx.msk [tilespmem:v15+s17+$0x0], $0xffff;
	v18 =	vadd.bf16 v26, v57;
	v16 =	vadd.bf16 v51, v16  }
0x106: {  	v20 =	vadd.bf16 v55, v20;
	v17 =	vadd.bf16 v17, v27  }
0x107: {  	v18 =	vadd.bf16 v56, v18;
	v60 =	vunpack.i.u.bf16.f32 v16;
	v16 =	vunpack.i.l.bf16.f32 v16  }
0x108: {  	v61 =	vunpack.i.u.bf16.f32 v20;
	v20 =	vunpack.i.l.bf16.f32 v20;
	v17 =	vadd.bf16 v58, v17  }
0x109: {  	v16 =	vadd.f32 v16, v60;
	v20 =	vadd.f32 v20, v61  }
0x10a: {  	v62 =	vunpack.i.u.bf16.f32 v18;
	v18 =	vunpack.i.l.bf16.f32 v18;
	v17 =	vadd.bf16 v59, v17  }
0x10b: {  	v18 =	vadd.f32 v18, v62;
	v16 =	vadd.f32 v20, v16  }
0x10c: {  	p0 =	sne.s32 s24, $0x4FC0;
	v63 =	vunpack.i.u.bf16.f32 v17;
	v17 =	vunpack.i.l.bf16.f32 v17  }
.Ltmp0:
0x10d: {  	v16 =	vadd.f32 v18, v16;
	v17 =	vadd.f32 v17, v63;
	(pc) =	sbr.rel @p0 .LBB2_3-.Ltmp0, $3  }
0x10e: {  	_ = 	snop  }
0x10f: {  	v16 =	vadd.f32 v17, v16;
	_ =	sdelay $0x1  }
0x110: {  	s24 =	sadd.s32 $0x1000, s24;
	[tilespmem:s25+$0x0] =	vst v16;
	s25 =	sadd.s32 $0x10, s25  }
0x111: {  	s24 =	smul.u32 $0xA0, s23;
	_ =	sdelay $0x1  }
0x112: {  	s25 =	sadd.s32 $0xA0, s24  }
0x113: {  	[tilespmem:s11], [sflag:$0x1] =	stream.indirect.gather [hbm4b:s3+s10], $0x40, s25, s10, $0xb8;
	[tilespmem:$0xC630] =	vst v63  }
0x114: {  	s31 =	sadd.s32 $0x27B0, s24  }
0x115: {  	[tilespmem:s12], [sflag:$0x1] =	stream.indirect.gather [hbm4b:s3+s10], $0x40, s31, s10, $0xb8;
	[tilespmem:$0xC630] =	vst v63  }
0x116: {  	_ =	swait.ge [sflag:s18], $0x1400  }
0x117: {  	[sflag:s18] =	ssyncset.done $0x0  }
0x118: {  	[sflag:s18] =	ssyncadd.s32 $0xFFFFEC00  }
0x119: {  	_ =	swait.ge [sflag:s18], $0x1400  }
0x11a: {  	[sflag:s18] =	ssyncset.done $0x0  }
0x11b: {  	s26 =	smov.u32 s21;
	s25 =	simm.s32 $0xFC0;
	[sflag:s18] =	ssyncadd.s32 $0xFFFFEC00  }
.LBB2_5:
0x11c: {  	s28 =	sshra.s32 s25, $0x2  }
0x11d: {  	v16 =	vld [tilespmem:s28+$0x7230]  }
0x11e: {  	v17 =	vld [tilespmem:s28+$0x8630]  }
0x11f: {  	v18 =	vld [tilespmem:s28+$0x7240]  }
0x120: {  	v19 =	vld [tilespmem:s28+$0x8640]  }
0x121: {  	v20 =	vld [tilespmem:s28+$0x7250]  }
0x122: {  	v21 =	vld [tilespmem:s28+$0x8650]  }
0x123: {  	v22 =	vld [tilespmem:s28+$0x7260]  }
0x124: {  	v23 =	vld [tilespmem:s28+$0x8660]  }
0x125: {  	v16 =	vmul.bf16 v17, v16;
	v17 =	vmul.bf16 v19, v18;
	_ =	sdelay $0x1  }
0x126: {  	v16 =	vadd.bf16 v17, v16;
	v17 =	vmul.bf16 v21, v20;
	_ =	sdelay $0x1  }
0x127: {  	v16 =	vadd.bf16 v17, v16;
	v17 =	vmul.bf16 v23, v22;
	_ =	sdelay $0x1  }
0x128: {  	v16 =	vadd.bf16 v17, v16;
	_ =	sdelay $0x1  }
0x129: {  	[tilespmem:$0x9E20] =	vst v16  }
0x12a: {  	v16 =	vld [tilespmem:s28+$0x7270]  }
0x12b: {  	v17 =	vld [tilespmem:s28+$0x8670]  }
0x12c: {  	v40 =	vld [tilespmem:s28+$0x7280]  }
0x12d: {  	v41 =	vld [tilespmem:s28+$0x8680]  }
0x12e: {  	v42 =	vld [tilespmem:s28+$0x7290]  }
0x12f: {  	v43 =	vld [tilespmem:s28+$0x8690]  }
0x130: {  	v44 =	vld [tilespmem:s28+$0x72A0]  }
0x131: {  	v45 =	vld [tilespmem:s28+$0x86A0]  }
0x132: {  	v16 =	vmul.bf16 v17, v16;
	v17 =	vmul.bf16 v41, v40;
	_ =	sdelay $0x1  }
0x133: {  	v16 =	vadd.bf16 v17, v16;
	v17 =	vmul.bf16 v43, v42;
	_ =	sdelay $0x1  }
0x134: {  	v16 =	vadd.bf16 v17, v16;
	v17 =	vmul.bf16 v45, v44;
	_ =	sdelay $0x1  }
0x135: {  	v16 =	vadd.bf16 v17, v16;
	_ =	sdelay $0x1  }
0x136: {  	[tilespmem:$0x9E30] =	vst v16  }
0x137: {  	v16 =	vld [tilespmem:s28+$0x72B0]  }
0x138: {  	v17 =	vld [tilespmem:s28+$0x86B0]  }
0x139: {  	v46 =	vld [tilespmem:s28+$0x72C0]  }
0x13a: {  	v47 =	vld [tilespmem:s28+$0x86C0]  }
0x13b: {  	v48 =	vld [tilespmem:s28+$0x72D0]  }
0x13c: {  	v49 =	vld [tilespmem:s28+$0x86D0]  }
0x13d: {  	v50 =	vld [tilespmem:s28+$0x72E0]  }
0x13e: {  	v51 =	vld [tilespmem:s28+$0x86E0]  }
0x13f: {  	v16 =	vmul.bf16 v17, v16;
	v17 =	vmul.bf16 v47, v46;
	_ =	sdelay $0x1  }
0x140: {  	v16 =	vadd.bf16 v17, v16;
	v17 =	vmul.bf16 v49, v48;
	_ =	sdelay $0x1  }
0x141: {  	v16 =	vadd.bf16 v17, v16;
	v17 =	vmul.bf16 v51, v50;
	_ =	sdelay $0x1  }
0x142: {  	v16 =	vadd.bf16 v17, v16;
	_ =	sdelay $0x1  }
0x143: {  	[tilespmem:$0x9E40] =	vst v16  }
0x144: {  	v16 =	vld [tilespmem:s28+$0x72F0]  }
0x145: {  	v17 =	vld [tilespmem:s28+$0x86F0]  }
0x146: {  	v52 =	vld [tilespmem:s28+$0x7300]  }
0x147: {  	v53 =	vld [tilespmem:s28+$0x8700]  }
0x148: {  	v54 =	vld [tilespmem:s28+$0x7310]  }
0x149: {  	v55 =	vld [tilespmem:s28+$0x8710]  }
0x14a: {  	v56 =	vld [tilespmem:s28+$0x7320]  }
0x14b: {  	v57 =	vld [tilespmem:s28+$0x8720]  }
0x14c: {  	v16 =	vmul.bf16 v17, v16;
	v17 =	vmul.bf16 v53, v52;
	_ =	sdelay $0x1  }
0x14d: {  	v16 =	vadd.bf16 v17, v16;
	v17 =	vmul.bf16 v55, v54;
	_ =	sdelay $0x1  }
0x14e: {  	v16 =	vadd.bf16 v17, v16;
	v17 =	vmul.bf16 v57, v56;
	_ =	sdelay $0x1  }
0x14f: {  	v16 =	vadd.bf16 v17, v16;
	_ =	sdelay $0x1  }
0x150: {  	[tilespmem:$0x9E50] =	vst v16  }
0x151: {  	v16 =	vld [tilespmem:s28+$0x7330]  }
0x152: {  	v17 =	vld [tilespmem:s28+$0x8730]  }
0x153: {  	v58 =	vld [tilespmem:s28+$0x7340]  }
0x154: {  	v59 =	vld [tilespmem:s28+$0x8740]  }
0x155: {  	v60 =	vld [tilespmem:s28+$0x7350]  }
0x156: {  	v61 =	vld [tilespmem:s28+$0x8750]  }
0x157: {  	v62 =	vld [tilespmem:s28+$0x7360]  }
0x158: {  	v63 =	vld [tilespmem:s28+$0x8760]  }
0x159: {  	v16 =	vmul.bf16 v17, v16;
	v17 =	vmul.bf16 v59, v58;
	_ =	sdelay $0x1  }
0x15a: {  	v16 =	vadd.bf16 v17, v16;
	v17 =	vmul.bf16 v61, v60;
	_ =	sdelay $0x1  }
0x15b: {  	v16 =	vadd.bf16 v17, v16;
	v17 =	vmul.bf16 v63, v62;
	_ =	sdelay $0x1  }
0x15c: {  	v16 =	vadd.bf16 v17, v16;
	_ =	sdelay $0x1  }
0x15d: {  	[tilespmem:$0x9E60] =	vst v16  }
0x15e: {  	v16 =	vld [tilespmem:s28+$0x7370]  }
0x15f: {  	v17 =	vld [tilespmem:s28+$0x8770]  }
0x160: {  	v24 =	vld [tilespmem:s28+$0x7380]  }
0x161: {  	v25 =	vld [tilespmem:s28+$0x8780]  }
0x162: {  	v26 =	vld [tilespmem:s28+$0x7390]  }
0x163: {  	v27 =	vld [tilespmem:s28+$0x8790]  }
0x164: {  	v28 =	vld [tilespmem:s28+$0x73A0]  }
0x165: {  	v29 =	vld [tilespmem:s28+$0x87A0]  }
0x166: {  	v16 =	vmul.bf16 v17, v16;
	v17 =	vmul.bf16 v25, v24;
	_ =	sdelay $0x1  }
0x167: {  	v16 =	vadd.bf16 v17, v16;
	v17 =	vmul.bf16 v27, v26;
	_ =	sdelay $0x1  }
0x168: {  	v16 =	vadd.bf16 v17, v16;
	v17 =	vmul.bf16 v29, v28;
	_ =	sdelay $0x1  }
0x169: {  	v16 =	vadd.bf16 v17, v16;
	_ =	sdelay $0x1  }
0x16a: {  	[tilespmem:$0x9E70] =	vst v16  }
0x16b: {  	v16 =	vld [tilespmem:s28+$0x73B0]  }
0x16c: {  	v17 =	vld [tilespmem:s28+$0x87B0]  }
0x16d: {  	v30 =	vld [tilespmem:s28+$0x73C0]  }
0x16e: {  	v31 =	vld [tilespmem:s28+$0x87C0]  }
0x16f: {  	v32 =	vld [tilespmem:s28+$0x73D0]  }
0x170: {  	v33 =	vld [tilespmem:s28+$0x87D0]  }
0x171: {  	v34 =	vld [tilespmem:s28+$0x73E0]  }
0x172: {  	v35 =	vld [tilespmem:s28+$0x87E0]  }
0x173: {  	v16 =	vmul.bf16 v17, v16;
	v17 =	vmul.bf16 v31, v30;
	_ =	sdelay $0x1  }
0x174: {  	v16 =	vadd.bf16 v17, v16;
	v17 =	vmul.bf16 v33, v32;
	_ =	sdelay $0x1  }
0x175: {  	v16 =	vadd.bf16 v17, v16;
	v17 =	vmul.bf16 v35, v34;
	_ =	sdelay $0x1  }
0x176: {  	v16 =	vadd.bf16 v17, v16;
	_ =	sdelay $0x1  }
0x177: {  	[tilespmem:$0x9E80] =	vst v16  }
0x178: {  	v16 =	vld [tilespmem:s28+$0x73F0]  }
0x179: {  	v17 =	vld [tilespmem:s28+$0x87F0]  }
0x17a: {  	v36 =	vld [tilespmem:s28+$0x7400]  }
0x17b: {  	v37 =	vld [tilespmem:s28+$0x8800]  }
0x17c: {  	v38 =	vld [tilespmem:s28+$0x7410]  }
0x17d: {  	v39 =	vld [tilespmem:s28+$0x8810]  }
0x17e: {  	v40 =	vld [tilespmem:s28+$0x7420]  }
0x17f: {  	v41 =	vld [tilespmem:s28+$0x8820]  }
0x180: {  	v16 =	vmul.bf16 v17, v16;
	v17 =	vmul.bf16 v37, v36;
	_ =	sdelay $0x1  }
0x181: {  	v16 =	vadd.bf16 v17, v16;
	v17 =	vmul.bf16 v39, v38;
	_ =	sdelay $0x1  }
0x182: {  	v16 =	vadd.bf16 v17, v16;
	v17 =	vmul.bf16 v41, v40;
	_ =	sdelay $0x1  }
0x183: {  	v16 =	vadd.bf16 v17, v16;
	_ =	sdelay $0x1  }
0x184: {  	[tilespmem:$0x9E90] =	vst v16  }
0x185: {  	v16 =	vld [tilespmem:s28+$0x7430]  }
0x186: {  	v17 =	vld [tilespmem:s28+$0x8830]  }
0x187: {  	v42 =	vld [tilespmem:s28+$0x7440]  }
0x188: {  	v43 =	vld [tilespmem:s28+$0x8840]  }
0x189: {  	v44 =	vld [tilespmem:s28+$0x7450]  }
0x18a: {  	v45 =	vld [tilespmem:s28+$0x8850]  }
0x18b: {  	v46 =	vld [tilespmem:s28+$0x7460]  }
0x18c: {  	v47 =	vld [tilespmem:s28+$0x8860]  }
0x18d: {  	v16 =	vmul.bf16 v17, v16;
	v17 =	vmul.bf16 v43, v42;
	_ =	sdelay $0x1  }
0x18e: {  	v16 =	vadd.bf16 v17, v16;
	v17 =	vmul.bf16 v45, v44;
	_ =	sdelay $0x1  }
0x18f: {  	v16 =	vadd.bf16 v17, v16;
	v17 =	vmul.bf16 v47, v46;
	_ =	sdelay $0x1  }
0x190: {  	v16 =	vadd.bf16 v17, v16;
	_ =	sdelay $0x1  }
0x191: {  	[tilespmem:$0x9EA0] =	vst v16  }
0x192: {  	v16 =	vld [tilespmem:s28+$0x7470]  }
0x193: {  	v17 =	vld [tilespmem:s28+$0x8870]  }
0x194: {  	v48 =	vld [tilespmem:s28+$0x7480]  }
0x195: {  	v49 =	vld [tilespmem:s28+$0x8880]  }
0x196: {  	v50 =	vld [tilespmem:s28+$0x7490]  }
0x197: {  	v51 =	vld [tilespmem:s28+$0x8890]  }
0x198: {  	v52 =	vld [tilespmem:s28+$0x74A0]  }
0x199: {  	v53 =	vld [tilespmem:s28+$0x88A0]  }
0x19a: {  	v16 =	vmul.bf16 v17, v16;
	v17 =	vmul.bf16 v49, v48;
	_ =	sdelay $0x1  }
0x19b: {  	v16 =	vadd.bf16 v17, v16;
	v17 =	vmul.bf16 v51, v50;
	_ =	sdelay $0x1  }
0x19c: {  	v16 =	vadd.bf16 v17, v16;
	v17 =	vmul.bf16 v53, v52;
	_ =	sdelay $0x1  }
0x19d: {  	v16 =	vadd.bf16 v17, v16;
	_ =	sdelay $0x1  }
0x19e: {  	[tilespmem:$0x9EB0] =	vst v16  }
0x19f: {  	v16 =	vld [tilespmem:s28+$0x74B0]  }
0x1a0: {  	v17 =	vld [tilespmem:s28+$0x88B0]  }
0x1a1: {  	v54 =	vld [tilespmem:s28+$0x74C0]  }
0x1a2: {  	v55 =	vld [tilespmem:s28+$0x88C0]  }
0x1a3: {  	v56 =	vld [tilespmem:s28+$0x74D0]  }
0x1a4: {  	v57 =	vld [tilespmem:s28+$0x88D0]  }
0x1a5: {  	v58 =	vld [tilespmem:s28+$0x74E0]  }
0x1a6: {  	v59 =	vld [tilespmem:s28+$0x88E0]  }
0x1a7: {  	v16 =	vmul.bf16 v17, v16;
	v17 =	vmul.bf16 v55, v54;
	_ =	sdelay $0x1  }
0x1a8: {  	v16 =	vadd.bf16 v17, v16;
	v17 =	vmul.bf16 v57, v56;
	_ =	sdelay $0x1  }
0x1a9: {  	v16 =	vadd.bf16 v17, v16;
	v17 =	vmul.bf16 v59, v58;
	_ =	sdelay $0x1  }
0x1aa: {  	v16 =	vadd.bf16 v17, v16;
	_ =	sdelay $0x1  }
0x1ab: {  	[tilespmem:$0x9EC0] =	vst v16  }
0x1ac: {  	v16 =	vld [tilespmem:s28+$0x74F0]  }
0x1ad: {  	v17 =	vld [tilespmem:s28+$0x88F0]  }
0x1ae: {  	v60 =	vld [tilespmem:s28+$0x7500]  }
0x1af: {  	v61 =	vld [tilespmem:s28+$0x8900]  }
0x1b0: {  	v62 =	vld [tilespmem:s28+$0x7510]  }
0x1b1: {  	v63 =	vld [tilespmem:s28+$0x8910]  }
0x1b2: {  	v24 =	vld [tilespmem:s28+$0x7520]  }
0x1b3: {  	v25 =	vld [tilespmem:s28+$0x8920]  }
0x1b4: {  	v16 =	vmul.bf16 v17, v16;
	v17 =	vmul.bf16 v61, v60;
	_ =	sdelay $0x1  }
0x1b5: {  	v16 =	vadd.bf16 v17, v16;
	v17 =	vmul.bf16 v63, v62;
	_ =	sdelay $0x1  }
0x1b6: {  	v16 =	vadd.bf16 v17, v16;
	v17 =	vmul.bf16 v25, v24;
	_ =	sdelay $0x1  }
0x1b7: {  	v16 =	vadd.bf16 v17, v16;
	_ =	sdelay $0x1  }
0x1b8: {  	[tilespmem:$0x9ED0] =	vst v16  }
0x1b9: {  	v16 =	vld [tilespmem:s28+$0x7530]  }
0x1ba: {  	v17 =	vld [tilespmem:s28+$0x8930]  }
0x1bb: {  	v26 =	vld [tilespmem:s28+$0x7540]  }
0x1bc: {  	v27 =	vld [tilespmem:s28+$0x8940]  }
0x1bd: {  	v28 =	vld [tilespmem:s28+$0x7550]  }
0x1be: {  	v29 =	vld [tilespmem:s28+$0x8950]  }
0x1bf: {  	v30 =	vld [tilespmem:s28+$0x7560]  }
0x1c0: {  	v31 =	vld [tilespmem:s28+$0x8960]  }
0x1c1: {  	v16 =	vmul.bf16 v17, v16;
	v17 =	vmul.bf16 v27, v26;
	_ =	sdelay $0x1  }
0x1c2: {  	v16 =	vadd.bf16 v17, v16;
	v17 =	vmul.bf16 v29, v28;
	_ =	sdelay $0x1  }
0x1c3: {  	v16 =	vadd.bf16 v17, v16;
	v17 =	vmul.bf16 v31, v30;
	_ =	sdelay $0x1  }
0x1c4: {  	v16 =	vadd.bf16 v17, v16;
	_ =	sdelay $0x1  }
0x1c5: {  	[tilespmem:$0x9EE0] =	vst v16  }
0x1c6: {  	v16 =	vld [tilespmem:s28+$0x7570]  }
0x1c7: {  	v17 =	vld [tilespmem:s28+$0x8970]  }
0x1c8: {  	v32 =	vld [tilespmem:s28+$0x7580]  }
0x1c9: {  	v33 =	vld [tilespmem:s28+$0x8980]  }
0x1ca: {  	v34 =	vld [tilespmem:s28+$0x7590]  }
0x1cb: {  	v35 =	vld [tilespmem:s28+$0x8990]  }
0x1cc: {  	v36 =	vld [tilespmem:s28+$0x75A0]  }
0x1cd: {  	v37 =	vld [tilespmem:s28+$0x89A0]  }
0x1ce: {  	v16 =	vmul.bf16 v17, v16;
	v17 =	vmul.bf16 v33, v32;
	_ =	sdelay $0x1  }
0x1cf: {  	v16 =	vadd.bf16 v17, v16;
	v17 =	vmul.bf16 v35, v34;
	_ =	sdelay $0x1  }
0x1d0: {  	v16 =	vadd.bf16 v17, v16;
	v17 =	vmul.bf16 v37, v36;
	_ =	sdelay $0x1  }
0x1d1: {  	v16 =	vadd.bf16 v17, v16;
	_ =	sdelay $0x1  }
0x1d2: {  	[tilespmem:$0x9EF0] =	vst v16  }
0x1d3: {  	v16 =	vld [tilespmem:s28+$0x75B0]  }
0x1d4: {  	v17 =	vld [tilespmem:s28+$0x89B0]  }
0x1d5: {  	v38 =	vld [tilespmem:s28+$0x75C0]  }
0x1d6: {  	v39 =	vld [tilespmem:s28+$0x89C0]  }
0x1d7: {  	v40 =	vld [tilespmem:s28+$0x75D0]  }
0x1d8: {  	v41 =	vld [tilespmem:s28+$0x89D0]  }
0x1d9: {  	v42 =	vld [tilespmem:s28+$0x75E0]  }
0x1da: {  	v43 =	vld [tilespmem:s28+$0x89E0]  }
0x1db: {  	v16 =	vmul.bf16 v17, v16;
	v17 =	vmul.bf16 v39, v38;
	_ =	sdelay $0x1  }
0x1dc: {  	v16 =	vadd.bf16 v17, v16;
	v17 =	vmul.bf16 v41, v40;
	_ =	sdelay $0x1  }
0x1dd: {  	v16 =	vadd.bf16 v17, v16;
	v17 =	vmul.bf16 v43, v42;
	_ =	sdelay $0x1  }
0x1de: {  	v16 =	vadd.bf16 v17, v16;
	_ =	sdelay $0x1  }
0x1df: {  	[tilespmem:$0x9F00] =	vst v16  }
0x1e0: {  	v16 =	vld [tilespmem:s28+$0x75F0]  }
0x1e1: {  	v17 =	vld [tilespmem:s28+$0x89F0]  }
0x1e2: {  	v44 =	vld [tilespmem:s28+$0x7600]  }
0x1e3: {  	v45 =	vld [tilespmem:s28+$0x8A00]  }
0x1e4: {  	v46 =	vld [tilespmem:s28+$0x7610]  }
0x1e5: {  	v47 =	vld [tilespmem:s28+$0x8A10]  }
0x1e6: {  	v48 =	vld [tilespmem:s28+$0x7620]  }
0x1e7: {  	v49 =	vld [tilespmem:s28+$0x8A20]  }
0x1e8: {  	v16 =	vmul.bf16 v17, v16;
	v17 =	vmul.bf16 v45, v44;
	_ =	sdelay $0x1  }
0x1e9: {  	v16 =	vadd.bf16 v17, v16;
	v17 =	vmul.bf16 v47, v46;
	_ =	sdelay $0x1  }
0x1ea: {  	v16 =	vadd.bf16 v17, v16;
	v17 =	vmul.bf16 v49, v48;
	_ =	sdelay $0x1  }
0x1eb: {  	v16 =	vadd.bf16 v17, v16;
	_ =	sdelay $0x1  }
0x1ec: {  	[tilespmem:$0x9F10] =	vst v16  }
0x1ed: {  	v16 =	vld.idx.msk [tilespmem:v0+s17+$0x0], $0xffff  }
0x1ee: {  	v17 =	vld.idx.msk [tilespmem:v1+s17+$0x0], $0xffff  }
0x1ef: {  	v50 =	vld.idx.msk [tilespmem:v2+s17+$0x0], $0xffff  }
0x1f0: {  	v51 =	vld.idx.msk [tilespmem:v3+s17+$0x0], $0xffff  }
0x1f1: {  	v52 =	vld.idx.msk [tilespmem:v4+s17+$0x0], $0xffff  }
0x1f2: {  	v53 =	vld.idx.msk [tilespmem:v5+s17+$0x0], $0xffff  }
0x1f3: {  	v54 =	vld.idx.msk [tilespmem:v6+s17+$0x0], $0xffff  }
0x1f4: {  	v55 =	vld.idx.msk [tilespmem:v7+s17+$0x0], $0xffff  }
0x1f5: {  	v24 =	vld.idx.msk [tilespmem:v8+s17+$0x0], $0xffff  }
0x1f6: {  	v25 =	vld.idx.msk [tilespmem:v9+s17+$0x0], $0xffff  }
0x1f7: {  	v26 =	vld.idx.msk [tilespmem:v10+s17+$0x0], $0xffff  }
0x1f8: {  	v27 =	vld.idx.msk [tilespmem:v12+s17+$0x0], $0xffff  }
0x1f9: {  	v16 =	vadd.bf16 v17, v16;
	v17 =	vld.idx.msk [tilespmem:v13+s17+$0x0], $0xffff  }
0x1fa: {  	v56 =	vld.idx.msk [tilespmem:v11+s17+$0x0], $0xffff;
	v20 =	vadd.bf16 v53, v52  }
0x1fb: {  	v58 =	vld.idx.msk [tilespmem:v14+s17+$0x0], $0xffff;
	v57 =	vadd.bf16 v25, v24;
	v16 =	vadd.bf16 v50, v16  }
0x1fc: {  	v20 =	vadd.bf16 v54, v20  }
0x1fd: {  	v59 =	vld.idx.msk [tilespmem:v15+s17+$0x0], $0xffff;
	v18 =	vadd.bf16 v26, v57;
	v16 =	vadd.bf16 v51, v16  }
0x1fe: {  	v20 =	vadd.bf16 v55, v20;
	v17 =	vadd.bf16 v17, v27  }
0x1ff: {  	v18 =	vadd.bf16 v56, v18;
	v60 =	vunpack.i.u.bf16.f32 v16;
	v16 =	vunpack.i.l.bf16.f32 v16  }
0x200: {  	v61 =	vunpack.i.u.bf16.f32 v20;
	v20 =	vunpack.i.l.bf16.f32 v20;
	v17 =	vadd.bf16 v58, v17  }
0x201: {  	v16 =	vadd.f32 v16, v60;
	v20 =	vadd.f32 v20, v61  }
0x202: {  	v62 =	vunpack.i.u.bf16.f32 v18;
	v18 =	vunpack.i.l.bf16.f32 v18;
	v17 =	vadd.bf16 v59, v17  }
0x203: {  	v18 =	vadd.f32 v18, v62;
	v16 =	vadd.f32 v20, v16  }
0x204: {  	p0 =	sne.s32 s25, $0x4FC0;
	v63 =	vunpack.i.u.bf16.f32 v17;
	v17 =	vunpack.i.l.bf16.f32 v17  }
.Ltmp1:
0x205: {  	v16 =	vadd.f32 v18, v16;
	v17 =	vadd.f32 v17, v63;
	(pc) =	sbr.rel @p0 .LBB2_5-.Ltmp1, $3  }
0x206: {  	_ = 	snop  }
0x207: {  	v16 =	vadd.f32 v17, v16;
	_ =	sdelay $0x1  }
0x208: {  	s25 =	sadd.s32 $0x1000, s25;
	[tilespmem:s26+$0x0] =	vst v16;
	s26 =	sadd.s32 $0x10, s26  }
0x209: {  	p0 =	seq.s32 s23, $0x3D  }
.Ltmp2:
0x20a: {  	_ = 	snop;
	(pc) =	sbr.rel @p0 .LBB2_8-.Ltmp2, $1  }
0x20b: {  	_ =	sdelay $0x3  }
.Ltmp3:
0x20c: {  	(pc) =	sbr.rel .LBB2_2-.Ltmp3, $4  }
0x20d: {  	s25 =	sadd.s32 $0xF0, s24;
	s31 =	sadd.s32 $0x2800, s24  }
0x20e: {  	[tilespmem:s13], [sflag:$0x2] =	stream.indirect.gather [hbm4b:s3+s10], $0x40, s25, s10, $0xb8;
	[tilespmem:$0xC630] =	vst v63  }
0x20f: {  	s23 =	sadd.s32 $0x1, s23;
	s22 =	sadd.s32 $0xA0, s22;
	s21 =	sadd.s32 $0xA0, s21  }
0x210: {  	[tilespmem:s15], [sflag:$0x2] =	stream.indirect.gather [hbm4b:s3+s10], $0x40, s31, s10, $0xb8;
	[tilespmem:$0xC630] =	vst v63  }
.LBB2_8:
0x211: {  	_ =	swait.ge [sflag:s16], $0x1400  }
0x212: {  	[sflag:s16] =	ssyncset.done $0x0  }
0x213: {  	[sflag:s16] =	ssyncadd.s32 $0xFFFFEC00  }
0x214: {  	_ =	swait.ge [sflag:s16], $0x1400  }
0x215: {  	[sflag:s16] =	ssyncset.done $0x0  }
0x216: {  	s21 =	simm.s32 $0xFC0;
	s22 =	simm.s32 $0xC5E0;
	[sflag:s16] =	ssyncadd.s32 $0xFFFFEC00  }
.LBB2_9:
0x217: {  	s23 =	sshra.s32 s21, $0x2  }
0x218: {  	v16 =	vld [tilespmem:s23+$0x4A30]  }
0x219: {  	v17 =	vld [tilespmem:s23+$0x5E30]  }
0x21a: {  	v18 =	vld [tilespmem:s23+$0x4A40]  }
0x21b: {  	v19 =	vld [tilespmem:s23+$0x5E40]  }
0x21c: {  	v20 =	vld [tilespmem:s23+$0x4A50]  }
0x21d: {  	v21 =	vld [tilespmem:s23+$0x5E50]  }
0x21e: {  	v22 =	vld [tilespmem:s23+$0x4A60]  }
0x21f: {  	v23 =	vld [tilespmem:s23+$0x5E60]  }
0x220: {  	v16 =	vmul.bf16 v17, v16;
	v17 =	vmul.bf16 v19, v18;
	_ =	sdelay $0x1  }
0x221: {  	v16 =	vadd.bf16 v17, v16;
	v17 =	vmul.bf16 v21, v20;
	_ =	sdelay $0x1  }
0x222: {  	v16 =	vadd.bf16 v17, v16;
	v17 =	vmul.bf16 v23, v22;
	_ =	sdelay $0x1  }
0x223: {  	v16 =	vadd.bf16 v17, v16;
	_ =	sdelay $0x1  }
0x224: {  	[tilespmem:$0x9E20] =	vst v16  }
0x225: {  	v16 =	vld [tilespmem:s23+$0x4A70]  }
0x226: {  	v17 =	vld [tilespmem:s23+$0x5E70]  }
0x227: {  	v40 =	vld [tilespmem:s23+$0x4A80]  }
0x228: {  	v41 =	vld [tilespmem:s23+$0x5E80]  }
0x229: {  	v42 =	vld [tilespmem:s23+$0x4A90]  }
0x22a: {  	v43 =	vld [tilespmem:s23+$0x5E90]  }
0x22b: {  	v44 =	vld [tilespmem:s23+$0x4AA0]  }
0x22c: {  	v45 =	vld [tilespmem:s23+$0x5EA0]  }
0x22d: {  	v16 =	vmul.bf16 v17, v16;
	v17 =	vmul.bf16 v41, v40;
	_ =	sdelay $0x1  }
0x22e: {  	v16 =	vadd.bf16 v17, v16;
	v17 =	vmul.bf16 v43, v42;
	_ =	sdelay $0x1  }
0x22f: {  	v16 =	vadd.bf16 v17, v16;
	v17 =	vmul.bf16 v45, v44;
	_ =	sdelay $0x1  }
0x230: {  	v16 =	vadd.bf16 v17, v16;
	_ =	sdelay $0x1  }
0x231: {  	[tilespmem:$0x9E30] =	vst v16  }
0x232: {  	v16 =	vld [tilespmem:s23+$0x4AB0]  }
0x233: {  	v17 =	vld [tilespmem:s23+$0x5EB0]  }
0x234: {  	v46 =	vld [tilespmem:s23+$0x4AC0]  }
0x235: {  	v47 =	vld [tilespmem:s23+$0x5EC0]  }
0x236: {  	v48 =	vld [tilespmem:s23+$0x4AD0]  }
0x237: {  	v49 =	vld [tilespmem:s23+$0x5ED0]  }
0x238: {  	v50 =	vld [tilespmem:s23+$0x4AE0]  }
0x239: {  	v51 =	vld [tilespmem:s23+$0x5EE0]  }
0x23a: {  	v16 =	vmul.bf16 v17, v16;
	v17 =	vmul.bf16 v47, v46;
	_ =	sdelay $0x1  }
0x23b: {  	v16 =	vadd.bf16 v17, v16;
	v17 =	vmul.bf16 v49, v48;
	_ =	sdelay $0x1  }
0x23c: {  	v16 =	vadd.bf16 v17, v16;
	v17 =	vmul.bf16 v51, v50;
	_ =	sdelay $0x1  }
0x23d: {  	v16 =	vadd.bf16 v17, v16;
	_ =	sdelay $0x1  }
0x23e: {  	[tilespmem:$0x9E40] =	vst v16  }
0x23f: {  	v16 =	vld [tilespmem:s23+$0x4AF0]  }
0x240: {  	v17 =	vld [tilespmem:s23+$0x5EF0]  }
0x241: {  	v52 =	vld [tilespmem:s23+$0x4B00]  }
0x242: {  	v53 =	vld [tilespmem:s23+$0x5F00]  }
0x243: {  	v54 =	vld [tilespmem:s23+$0x4B10]  }
0x244: {  	v55 =	vld [tilespmem:s23+$0x5F10]  }
0x245: {  	v56 =	vld [tilespmem:s23+$0x4B20]  }
0x246: {  	v57 =	vld [tilespmem:s23+$0x5F20]  }
0x247: {  	v16 =	vmul.bf16 v17, v16;
	v17 =	vmul.bf16 v53, v52;
	_ =	sdelay $0x1  }
0x248: {  	v16 =	vadd.bf16 v17, v16;
	v17 =	vmul.bf16 v55, v54;
	_ =	sdelay $0x1  }
0x249: {  	v16 =	vadd.bf16 v17, v16;
	v17 =	vmul.bf16 v57, v56;
	_ =	sdelay $0x1  }
0x24a: {  	v16 =	vadd.bf16 v17, v16;
	_ =	sdelay $0x1  }
0x24b: {  	[tilespmem:$0x9E50] =	vst v16  }
0x24c: {  	v16 =	vld [tilespmem:s23+$0x4B30]  }
0x24d: {  	v17 =	vld [tilespmem:s23+$0x5F30]  }
0x24e: {  	v58 =	vld [tilespmem:s23+$0x4B40]  }
0x24f: {  	v59 =	vld [tilespmem:s23+$0x5F40]  }
0x250: {  	v60 =	vld [tilespmem:s23+$0x4B50]  }
0x251: {  	v61 =	vld [tilespmem:s23+$0x5F50]  }
0x252: {  	v62 =	vld [tilespmem:s23+$0x4B60]  }
0x253: {  	v63 =	vld [tilespmem:s23+$0x5F60]  }
0x254: {  	v16 =	vmul.bf16 v17, v16;
	v17 =	vmul.bf16 v59, v58;
	_ =	sdelay $0x1  }
0x255: {  	v16 =	vadd.bf16 v17, v16;
	v17 =	vmul.bf16 v61, v60;
	_ =	sdelay $0x1  }
0x256: {  	v16 =	vadd.bf16 v17, v16;
	v17 =	vmul.bf16 v63, v62;
	_ =	sdelay $0x1  }
0x257: {  	v16 =	vadd.bf16 v17, v16;
	_ =	sdelay $0x1  }
0x258: {  	[tilespmem:$0x9E60] =	vst v16  }
0x259: {  	v16 =	vld [tilespmem:s23+$0x4B70]  }
0x25a: {  	v17 =	vld [tilespmem:s23+$0x5F70]  }
0x25b: {  	v24 =	vld [tilespmem:s23+$0x4B80]  }
0x25c: {  	v25 =	vld [tilespmem:s23+$0x5F80]  }
0x25d: {  	v26 =	vld [tilespmem:s23+$0x4B90]  }
0x25e: {  	v27 =	vld [tilespmem:s23+$0x5F90]  }
0x25f: {  	v28 =	vld [tilespmem:s23+$0x4BA0]  }
0x260: {  	v29 =	vld [tilespmem:s23+$0x5FA0]  }
0x261: {  	v16 =	vmul.bf16 v17, v16;
	v17 =	vmul.bf16 v25, v24;
	_ =	sdelay $0x1  }
0x262: {  	v16 =	vadd.bf16 v17, v16;
	v17 =	vmul.bf16 v27, v26;
	_ =	sdelay $0x1  }
0x263: {  	v16 =	vadd.bf16 v17, v16;
	v17 =	vmul.bf16 v29, v28;
	_ =	sdelay $0x1  }
0x264: {  	v16 =	vadd.bf16 v17, v16;
	_ =	sdelay $0x1  }
0x265: {  	[tilespmem:$0x9E70] =	vst v16  }
0x266: {  	v16 =	vld [tilespmem:s23+$0x4BB0]  }
0x267: {  	v17 =	vld [tilespmem:s23+$0x5FB0]  }
0x268: {  	v30 =	vld [tilespmem:s23+$0x4BC0]  }
0x269: {  	v31 =	vld [tilespmem:s23+$0x5FC0]  }
0x26a: {  	v32 =	vld [tilespmem:s23+$0x4BD0]  }
0x26b: {  	v33 =	vld [tilespmem:s23+$0x5FD0]  }
0x26c: {  	v34 =	vld [tilespmem:s23+$0x4BE0]  }
0x26d: {  	v35 =	vld [tilespmem:s23+$0x5FE0]  }
0x26e: {  	v16 =	vmul.bf16 v17, v16;
	v17 =	vmul.bf16 v31, v30;
	_ =	sdelay $0x1  }
0x26f: {  	v16 =	vadd.bf16 v17, v16;
	v17 =	vmul.bf16 v33, v32;
	_ =	sdelay $0x1  }
0x270: {  	v16 =	vadd.bf16 v17, v16;
	v17 =	vmul.bf16 v35, v34;
	_ =	sdelay $0x1  }
0x271: {  	v16 =	vadd.bf16 v17, v16;
	_ =	sdelay $0x1  }
0x272: {  	[tilespmem:$0x9E80] =	vst v16  }
0x273: {  	v16 =	vld [tilespmem:s23+$0x4BF0]  }
0x274: {  	v17 =	vld [tilespmem:s23+$0x5FF0]  }
0x275: {  	v36 =	vld [tilespmem:s23+$0x4C00]  }
0x276: {  	v37 =	vld [tilespmem:s23+$0x6000]  }
0x277: {  	v38 =	vld [tilespmem:s23+$0x4C10]  }
0x278: {  	v39 =	vld [tilespmem:s23+$0x6010]  }
0x279: {  	v40 =	vld [tilespmem:s23+$0x4C20]  }
0x27a: {  	v41 =	vld [tilespmem:s23+$0x6020]  }
0x27b: {  	v16 =	vmul.bf16 v17, v16;
	v17 =	vmul.bf16 v37, v36;
	_ =	sdelay $0x1  }
0x27c: {  	v16 =	vadd.bf16 v17, v16;
	v17 =	vmul.bf16 v39, v38;
	_ =	sdelay $0x1  }
0x27d: {  	v16 =	vadd.bf16 v17, v16;
	v17 =	vmul.bf16 v41, v40;
	_ =	sdelay $0x1  }
0x27e: {  	v16 =	vadd.bf16 v17, v16;
	_ =	sdelay $0x1  }
0x27f: {  	[tilespmem:$0x9E90] =	vst v16  }
0x280: {  	v16 =	vld [tilespmem:s23+$0x4C30]  }
0x281: {  	v17 =	vld [tilespmem:s23+$0x6030]  }
0x282: {  	v42 =	vld [tilespmem:s23+$0x4C40]  }
0x283: {  	v43 =	vld [tilespmem:s23+$0x6040]  }
0x284: {  	v44 =	vld [tilespmem:s23+$0x4C50]  }
0x285: {  	v45 =	vld [tilespmem:s23+$0x6050]  }
0x286: {  	v46 =	vld [tilespmem:s23+$0x4C60]  }
0x287: {  	v47 =	vld [tilespmem:s23+$0x6060]  }
0x288: {  	v16 =	vmul.bf16 v17, v16;
	v17 =	vmul.bf16 v43, v42;
	_ =	sdelay $0x1  }
0x289: {  	v16 =	vadd.bf16 v17, v16;
	v17 =	vmul.bf16 v45, v44;
	_ =	sdelay $0x1  }
0x28a: {  	v16 =	vadd.bf16 v17, v16;
	v17 =	vmul.bf16 v47, v46;
	_ =	sdelay $0x1  }
0x28b: {  	v16 =	vadd.bf16 v17, v16;
	_ =	sdelay $0x1  }
0x28c: {  	[tilespmem:$0x9EA0] =	vst v16  }
0x28d: {  	v16 =	vld [tilespmem:s23+$0x4C70]  }
0x28e: {  	v17 =	vld [tilespmem:s23+$0x6070]  }
0x28f: {  	v48 =	vld [tilespmem:s23+$0x4C80]  }
0x290: {  	v49 =	vld [tilespmem:s23+$0x6080]  }
0x291: {  	v50 =	vld [tilespmem:s23+$0x4C90]  }
0x292: {  	v51 =	vld [tilespmem:s23+$0x6090]  }
0x293: {  	v52 =	vld [tilespmem:s23+$0x4CA0]  }
0x294: {  	v53 =	vld [tilespmem:s23+$0x60A0]  }
0x295: {  	v16 =	vmul.bf16 v17, v16;
	v17 =	vmul.bf16 v49, v48;
	_ =	sdelay $0x1  }
0x296: {  	v16 =	vadd.bf16 v17, v16;
	v17 =	vmul.bf16 v51, v50;
	_ =	sdelay $0x1  }
0x297: {  	v16 =	vadd.bf16 v17, v16;
	v17 =	vmul.bf16 v53, v52;
	_ =	sdelay $0x1  }
0x298: {  	v16 =	vadd.bf16 v17, v16;
	_ =	sdelay $0x1  }
0x299: {  	[tilespmem:$0x9EB0] =	vst v16  }
0x29a: {  	v16 =	vld [tilespmem:s23+$0x4CB0]  }
0x29b: {  	v17 =	vld [tilespmem:s23+$0x60B0]  }
0x29c: {  	v54 =	vld [tilespmem:s23+$0x4CC0]  }
0x29d: {  	v55 =	vld [tilespmem:s23+$0x60C0]  }
0x29e: {  	v56 =	vld [tilespmem:s23+$0x4CD0]  }
0x29f: {  	v57 =	vld [tilespmem:s23+$0x60D0]  }
0x2a0: {  	v58 =	vld [tilespmem:s23+$0x4CE0]  }
0x2a1: {  	v59 =	vld [tilespmem:s23+$0x60E0]  }
0x2a2: {  	v16 =	vmul.bf16 v17, v16;
	v17 =	vmul.bf16 v55, v54;
	_ =	sdelay $0x1  }
0x2a3: {  	v16 =	vadd.bf16 v17, v16;
	v17 =	vmul.bf16 v57, v56;
	_ =	sdelay $0x1  }
0x2a4: {  	v16 =	vadd.bf16 v17, v16;
	v17 =	vmul.bf16 v59, v58;
	_ =	sdelay $0x1  }
0x2a5: {  	v16 =	vadd.bf16 v17, v16;
	_ =	sdelay $0x1  }
0x2a6: {  	[tilespmem:$0x9EC0] =	vst v16  }
0x2a7: {  	v16 =	vld [tilespmem:s23+$0x4CF0]  }
0x2a8: {  	v17 =	vld [tilespmem:s23+$0x60F0]  }
0x2a9: {  	v60 =	vld [tilespmem:s23+$0x4D00]  }
0x2aa: {  	v61 =	vld [tilespmem:s23+$0x6100]  }
0x2ab: {  	v62 =	vld [tilespmem:s23+$0x4D10]  }
0x2ac: {  	v63 =	vld [tilespmem:s23+$0x6110]  }
0x2ad: {  	v24 =	vld [tilespmem:s23+$0x4D20]  }
0x2ae: {  	v25 =	vld [tilespmem:s23+$0x6120]  }
0x2af: {  	v16 =	vmul.bf16 v17, v16;
	v17 =	vmul.bf16 v61, v60;
	_ =	sdelay $0x1  }
0x2b0: {  	v16 =	vadd.bf16 v17, v16;
	v17 =	vmul.bf16 v63, v62;
	_ =	sdelay $0x1  }
0x2b1: {  	v16 =	vadd.bf16 v17, v16;
	v17 =	vmul.bf16 v25, v24;
	_ =	sdelay $0x1  }
0x2b2: {  	v16 =	vadd.bf16 v17, v16;
	_ =	sdelay $0x1  }
0x2b3: {  	[tilespmem:$0x9ED0] =	vst v16  }
0x2b4: {  	v16 =	vld [tilespmem:s23+$0x4D30]  }
0x2b5: {  	v17 =	vld [tilespmem:s23+$0x6130]  }
0x2b6: {  	v26 =	vld [tilespmem:s23+$0x4D40]  }
0x2b7: {  	v27 =	vld [tilespmem:s23+$0x6140]  }
0x2b8: {  	v28 =	vld [tilespmem:s23+$0x4D50]  }
0x2b9: {  	v29 =	vld [tilespmem:s23+$0x6150]  }
0x2ba: {  	v30 =	vld [tilespmem:s23+$0x4D60]  }
0x2bb: {  	v31 =	vld [tilespmem:s23+$0x6160]  }
0x2bc: {  	v16 =	vmul.bf16 v17, v16;
	v17 =	vmul.bf16 v27, v26;
	_ =	sdelay $0x1  }
0x2bd: {  	v16 =	vadd.bf16 v17, v16;
	v17 =	vmul.bf16 v29, v28;
	_ =	sdelay $0x1  }
0x2be: {  	v16 =	vadd.bf16 v17, v16;
	v17 =	vmul.bf16 v31, v30;
	_ =	sdelay $0x1  }
0x2bf: {  	v16 =	vadd.bf16 v17, v16;
	_ =	sdelay $0x1  }
0x2c0: {  	[tilespmem:$0x9EE0] =	vst v16  }
0x2c1: {  	v16 =	vld [tilespmem:s23+$0x4D70]  }
0x2c2: {  	v17 =	vld [tilespmem:s23+$0x6170]  }
0x2c3: {  	v32 =	vld [tilespmem:s23+$0x4D80]  }
0x2c4: {  	v33 =	vld [tilespmem:s23+$0x6180]  }
0x2c5: {  	v34 =	vld [tilespmem:s23+$0x4D90]  }
0x2c6: {  	v35 =	vld [tilespmem:s23+$0x6190]  }
0x2c7: {  	v36 =	vld [tilespmem:s23+$0x4DA0]  }
0x2c8: {  	v37 =	vld [tilespmem:s23+$0x61A0]  }
0x2c9: {  	v16 =	vmul.bf16 v17, v16;
	v17 =	vmul.bf16 v33, v32;
	_ =	sdelay $0x1  }
0x2ca: {  	v16 =	vadd.bf16 v17, v16;
	v17 =	vmul.bf16 v35, v34;
	_ =	sdelay $0x1  }
0x2cb: {  	v16 =	vadd.bf16 v17, v16;
	v17 =	vmul.bf16 v37, v36;
	_ =	sdelay $0x1  }
0x2cc: {  	v16 =	vadd.bf16 v17, v16;
	_ =	sdelay $0x1  }
0x2cd: {  	[tilespmem:$0x9EF0] =	vst v16  }
0x2ce: {  	v16 =	vld [tilespmem:s23+$0x4DB0]  }
0x2cf: {  	v17 =	vld [tilespmem:s23+$0x61B0]  }
0x2d0: {  	v38 =	vld [tilespmem:s23+$0x4DC0]  }
0x2d1: {  	v39 =	vld [tilespmem:s23+$0x61C0]  }
0x2d2: {  	v40 =	vld [tilespmem:s23+$0x4DD0]  }
0x2d3: {  	v41 =	vld [tilespmem:s23+$0x61D0]  }
0x2d4: {  	v42 =	vld [tilespmem:s23+$0x4DE0]  }
0x2d5: {  	v43 =	vld [tilespmem:s23+$0x61E0]  }
0x2d6: {  	v16 =	vmul.bf16 v17, v16;
	v17 =	vmul.bf16 v39, v38;
	_ =	sdelay $0x1  }
0x2d7: {  	v16 =	vadd.bf16 v17, v16;
	v17 =	vmul.bf16 v41, v40;
	_ =	sdelay $0x1  }
0x2d8: {  	v16 =	vadd.bf16 v17, v16;
	v17 =	vmul.bf16 v43, v42;
	_ =	sdelay $0x1  }
0x2d9: {  	v16 =	vadd.bf16 v17, v16;
	_ =	sdelay $0x1  }
0x2da: {  	[tilespmem:$0x9F00] =	vst v16  }
0x2db: {  	v16 =	vld [tilespmem:s23+$0x4DF0]  }
0x2dc: {  	v17 =	vld [tilespmem:s23+$0x61F0]  }
0x2dd: {  	v44 =	vld [tilespmem:s23+$0x4E00]  }
0x2de: {  	v45 =	vld [tilespmem:s23+$0x6200]  }
0x2df: {  	v46 =	vld [tilespmem:s23+$0x4E10]  }
0x2e0: {  	v47 =	vld [tilespmem:s23+$0x6210]  }
0x2e1: {  	v48 =	vld [tilespmem:s23+$0x4E20]  }
0x2e2: {  	v49 =	vld [tilespmem:s23+$0x6220]  }
0x2e3: {  	v16 =	vmul.bf16 v17, v16;
	v17 =	vmul.bf16 v45, v44;
	_ =	sdelay $0x1  }
0x2e4: {  	v16 =	vadd.bf16 v17, v16;
	v17 =	vmul.bf16 v47, v46;
	_ =	sdelay $0x1  }
0x2e5: {  	v16 =	vadd.bf16 v17, v16;
	v17 =	vmul.bf16 v49, v48;
	_ =	sdelay $0x1  }
0x2e6: {  	v16 =	vadd.bf16 v17, v16;
	_ =	sdelay $0x1  }
0x2e7: {  	[tilespmem:$0x9F10] =	vst v16  }
0x2e8: {  	v16 =	vld.idx.msk [tilespmem:v0+s17+$0x0], $0xffff  }
0x2e9: {  	v17 =	vld.idx.msk [tilespmem:v1+s17+$0x0], $0xffff  }
0x2ea: {  	v50 =	vld.idx.msk [tilespmem:v2+s17+$0x0], $0xffff  }
0x2eb: {  	v51 =	vld.idx.msk [tilespmem:v3+s17+$0x0], $0xffff  }
0x2ec: {  	v52 =	vld.idx.msk [tilespmem:v4+s17+$0x0], $0xffff  }
0x2ed: {  	v53 =	vld.idx.msk [tilespmem:v5+s17+$0x0], $0xffff  }
0x2ee: {  	v54 =	vld.idx.msk [tilespmem:v6+s17+$0x0], $0xffff  }
0x2ef: {  	v55 =	vld.idx.msk [tilespmem:v7+s17+$0x0], $0xffff  }
0x2f0: {  	v24 =	vld.idx.msk [tilespmem:v8+s17+$0x0], $0xffff  }
0x2f1: {  	v25 =	vld.idx.msk [tilespmem:v9+s17+$0x0], $0xffff  }
0x2f2: {  	v26 =	vld.idx.msk [tilespmem:v10+s17+$0x0], $0xffff  }
0x2f3: {  	v27 =	vld.idx.msk [tilespmem:v12+s17+$0x0], $0xffff  }
0x2f4: {  	v16 =	vadd.bf16 v17, v16;
	v17 =	vld.idx.msk [tilespmem:v13+s17+$0x0], $0xffff  }
0x2f5: {  	v56 =	vld.idx.msk [tilespmem:v11+s17+$0x0], $0xffff;
	v20 =	vadd.bf16 v53, v52  }
0x2f6: {  	v58 =	vld.idx.msk [tilespmem:v14+s17+$0x0], $0xffff;
	v57 =	vadd.bf16 v25, v24;
	v16 =	vadd.bf16 v50, v16  }
0x2f7: {  	v20 =	vadd.bf16 v54, v20  }
0x2f8: {  	v59 =	vld.idx.msk [tilespmem:v15+s17+$0x0], $0xffff;
	v18 =	vadd.bf16 v26, v57;
	v16 =	vadd.bf16 v51, v16  }
0x2f9: {  	v20 =	vadd.bf16 v55, v20;
	v17 =	vadd.bf16 v17, v27  }
0x2fa: {  	v18 =	vadd.bf16 v56, v18;
	v60 =	vunpack.i.u.bf16.f32 v16;
	v16 =	vunpack.i.l.bf16.f32 v16  }
0x2fb: {  	v61 =	vunpack.i.u.bf16.f32 v20;
	v20 =	vunpack.i.l.bf16.f32 v20;
	v17 =	vadd.bf16 v58, v17  }
0x2fc: {  	v16 =	vadd.f32 v16, v60;
	v20 =	vadd.f32 v20, v61  }
0x2fd: {  	v62 =	vunpack.i.u.bf16.f32 v18;
	v18 =	vunpack.i.l.bf16.f32 v18;
	v17 =	vadd.bf16 v59, v17  }
0x2fe: {  	v18 =	vadd.f32 v18, v62;
	v16 =	vadd.f32 v20, v16  }
0x2ff: {  	p0 =	sne.s32 s21, $0x4FC0;
	v63 =	vunpack.i.u.bf16.f32 v17;
	v17 =	vunpack.i.l.bf16.f32 v17  }
.Ltmp4:
0x300: {  	v16 =	vadd.f32 v18, v16;
	v17 =	vadd.f32 v17, v63;
	(pc) =	sbr.rel @p0 .LBB2_9-.Ltmp4, $3  }
0x301: {  	_ = 	snop  }
0x302: {  	v16 =	vadd.f32 v17, v16;
	_ =	sdelay $0x1  }
0x303: {  	s21 =	sadd.s32 $0x1000, s21;
	[tilespmem:s22+$0x0] =	vst v16;
	s22 =	sadd.s32 $0x10, s22  }
0x304: {  	s20 =	sadd.s32 $0x1, s20  }
0x305: {  	p0 =	sne.s32 s20, s7  }
.Ltmp5:
0x306: {  	_ = 	snop;
	(pc) =	sbr.rel @p0 .LBB2_1-.Ltmp5, $4  }
0x307: {  	[hbm4b:s6+s2] =	stream.linear.scatter [tilespmem:s19], [sflag:$0x3], $0x2710, $0x38;
	[tilespmem:$0xC630] =	vst v63  }
0x308: {  	_ =	swait.ge [sflag:s8], $0x2710  }
0x309: {  	[sflag:s8] =	ssyncset.done $0x0  }
0x30a: {  	[sflag:s8] =	ssyncadd.s32 $0xFFFFD8F0  }
0x30b: {  	_ =	sfence.sel $0x180000  }
0x30c: {  	[bflag:$0x0] =	sbarrier.arrive $0xFFFF  }
0x30d: {  	p0 =	sne.s32 s0, $0x0;
	_ =	strace $0x90000047  }
0x30e: {  	s0 =	sadd.s32 @!p0 $0x100000, s1;
	[bflag:$0x2] =	sbarrier.arrive $0xFFFF  }
0x30f: {  	[sflag:s0] =	ssyncadd.tile.s32 @!p0 $0x1;
	_ =	shalt  }
.Lfunc_end2:
_tile_overlayer_lowered:
.L_overlay_start_2:
0x310: {  	(tag) =	ssettag $0x2  }
0x311: {  	s0 =	rddreg [dreg:$0x0];
	s2 =	stileid.u32  }
0x312: {  	s1 =	rddreg [dreg:$0x1];
	p0 =	sne.s32 s2, $0x0  }
0x313: {  	s3 =	rddreg [dreg:$0x2];
	[bflag:$0x3] =	sbarrier.arrive $0xFFFF;
	s2 =	simm.s32 @!p0 $0x1C03  }
0x314: {  	[timem:s3], [sflag:s2] =	dma.local @!p0 [hbm:s0], s1  }
0x315: {  	s0 =	simm.s32 @!p0 $0x3  }
0x316: {  	_ =	swait.ge @!p0 [sflag:s0], s1  }
0x317: {  	s1 =	ssub.s32 @!p0 $0x0, s1;
	[sflag:s0] =	ssyncset.done @!p0 $0x0  }
0x318: {  	[sflag:s0] =	ssyncadd.s32 @!p0 s1  }
0x319: {  	[bflag:$0x3] =	sbarrier.arrive $0xFFFF  }
0x31a: {  	_ =	shalt  }

</sc_bundles>
